<compile_context>
chip_gen: v7x
topology: tpu7x:2x2x1
jax: 0.10.2.dev20260603
libtpu: 0.0.44.dev20260713+nightly
codegen_flags: <defaults>
</compile_context>

<pallas_src>
import functools

import jax
import jax.numpy as jnp
from jax import lax
from jax.experimental import pallas as pl
from jax.experimental.pallas import tpu as pltpu
from jax.experimental.pallas import tpu_sc as plsc

N_NODES = 10000
N_EDGES = 320000
D_FEAT = 128
D_EDGE = 16
UNITS = 128
EPS = 1e-3

NC = 2
NS = 16
NW = NC * NS
EDGES_PER_WORKER = N_EDGES // NW
CHUNK = 80
N_CHUNKS = EDGES_PER_WORKER // CHUNK
N_PAD = 10240
ROWS_PER_TILE = N_PAD // NS



def _proj_body(nf_ref, ef_ref, wn_ref, we_ref, b_ref, p_ref, e_ref):
    i = pl.program_id(0)

    @pl.when(i == 0)
    def _():
        p_ref[...] = jnp.dot(nf_ref[...], wn_ref[...],
                             preferred_element_type=jnp.float32)

    @pl.when(i > 0)
    def _():
        e_ref[...] = jnp.dot(ef_ref[...], we_ref[...],
                             preferred_element_type=jnp.float32) + b_ref[...]


def _project(node_features, edge_features, w_node, w_edge, b2d):
    eblk = lambda i: (jnp.maximum(i - 1, 0), 0)
    return pl.pallas_call(
        _proj_body,
        grid=(41,),
        in_specs=[
            pl.BlockSpec((N_NODES, D_FEAT), lambda i: (0, 0)),
            pl.BlockSpec((8000, D_EDGE), eblk),
            pl.BlockSpec((D_FEAT, UNITS), lambda i: (0, 0)),
            pl.BlockSpec((D_EDGE, UNITS), lambda i: (0, 0)),
            pl.BlockSpec((1, UNITS), lambda i: (0, 0)),
        ],
        out_specs=[
            pl.BlockSpec((N_NODES, UNITS), lambda i: (0, 0)),
            pl.BlockSpec((8000, UNITS), eblk),
        ],
        out_shape=[
            jax.ShapeDtypeStruct((N_NODES, UNITS), jnp.float32),
            jax.ShapeDtypeStruct((N_EDGES, UNITS), jnp.float32),
        ],
    )(node_features, edge_features, w_node, w_edge, b2d)



def _silu_chunk(g_v, e_v):
    def _row(r, _):
        for j in range(8):
            x = g_v[r, pl.ds(j * 16, 16)] + e_v[r, pl.ds(j * 16, 16)]
            e_v[r, pl.ds(j * 16, 16)] = x / (1.0 + jnp.exp(-x))
        return 0
    lax.fori_loop(0, CHUNK, _row, 0)


def _sc_body(p_hbm, e_hbm, idx3_hbm, part_hbm,
             acc, i0, i1, i2, i3, g0, g1, e0, e1,
             gsem0, gsem1, esem0, esem1, isem0, isem1):
    cid = lax.axis_index("c")
    sid = lax.axis_index("s")
    wid = sid * NC + cid
    ibuf = (i0, i1, i2, i3)
    gbuf = (g0, g1)
    ebuf = (e0, e1)
    gsem = (gsem0, gsem1)
    esem = (esem0, esem1)
    isem = (isem0, isem1)

    def _zrow(r, _):
        for j in range(8):
            g0[r, pl.ds(j * 16, 16)] = jnp.zeros((16,), jnp.float32)
        return 0
    lax.fori_loop(0, CHUNK, _zrow, 0)
    for k in range(ROWS_PER_TILE // CHUNK):
        pltpu.sync_copy(g0, acc.at[pl.ds(sid * ROWS_PER_TILE + k * CHUNK,
                                         CHUNK)])
    plsc.subcore_barrier()

    base = wid * EDGES_PER_WORKER
    ibase = wid * N_CHUNKS

    def _start(c, s, b):
        pltpu.make_async_copy(idx3_hbm.at[ibase + c], ibuf[s], isem[b]).wait()
        pltpu.async_copy(p_hbm.at[ibuf[s].at[0]], gbuf[b], gsem[b])
        pltpu.async_copy(e_hbm.at[pl.ds(base + c * CHUNK, CHUNK)],
                         ebuf[b], esem[b])

        @pl.when(c + 2 < N_CHUNKS)
        def _():
            pltpu.async_copy(idx3_hbm.at[ibase + c + 2], ibuf[(s + 2) % 4],
                             isem[b])

    def _finish(c, s, b, prefetch):
        pltpu.make_async_copy(p_hbm.at[ibuf[s].at[0]], gbuf[b],
                              gsem[b]).wait()
        pltpu.make_async_copy(e_hbm.at[pl.ds(base + c * CHUNK, CHUNK)],
                              ebuf[b], esem[b]).wait()
        _silu_chunk(gbuf[b], ebuf[b])
        pltpu.sync_copy(ebuf[b], acc.at[ibuf[s].at[1]], add=True)
        if prefetch:
            @pl.when(c + 2 < N_CHUNKS)
            def _():
                _start(c + 2, (s + 2) % 4, b)

    pltpu.async_copy(idx3_hbm.at[ibase], i0, isem0)
    pltpu.async_copy(idx3_hbm.at[ibase + 1], i1, isem1)
    _start(0, 0, 0)
    _start(1, 1, 1)

    def _four(i, _):
        c = 4 * i
        for k in range(4):
            _finish(c + k, k, k % 2, True)
        return 0
    lax.fori_loop(0, N_CHUNKS // 4, _four, 0)
    _finish(N_CHUNKS - 1, (N_CHUNKS - 1) % 4, (N_CHUNKS - 1) % 2, False)

    plsc.subcore_barrier()
    for k in range(ROWS_PER_TILE // CHUNK):
        r0 = sid * ROWS_PER_TILE + k * CHUNK
        pltpu.sync_copy(acc.at[pl.ds(r0, CHUNK)],
                        part_hbm.at[cid, pl.ds(r0, CHUNK)])


def _sc_aggregate(p, e, idx3):
    mesh = plsc.VectorSubcoreMesh(core_axis_name="c", subcore_axis_name="s")
    f = pl.kernel(
        _sc_body,
        out_type=jax.ShapeDtypeStruct((NC, N_PAD, UNITS), jnp.float32),
        mesh=mesh,
        scratch_types=[
            pltpu.VMEM_SHARED((N_PAD, UNITS), jnp.float32),
            pltpu.VMEM((2, CHUNK), jnp.int32),
            pltpu.VMEM((2, CHUNK), jnp.int32),
            pltpu.VMEM((2, CHUNK), jnp.int32),
            pltpu.VMEM((2, CHUNK), jnp.int32),
            pltpu.VMEM((CHUNK, UNITS), jnp.float32),
            pltpu.VMEM((CHUNK, UNITS), jnp.float32),
            pltpu.VMEM((CHUNK, UNITS), jnp.float32),
            pltpu.VMEM((CHUNK, UNITS), jnp.float32),
            pltpu.SemaphoreType.DMA,
            pltpu.SemaphoreType.DMA,
            pltpu.SemaphoreType.DMA,
            pltpu.SemaphoreType.DMA,
            pltpu.SemaphoreType.DMA,
            pltpu.SemaphoreType.DMA,
        ],
    )
    return f(p, e, idx3)



def _ln_body(part_ref, g_ref, b_ref, out_ref):
    s = part_ref[0] + part_ref[1]
    mean = jnp.mean(s, axis=-1, keepdims=True)
    var = jnp.mean(jnp.square(s - mean), axis=-1, keepdims=True)
    out_ref[...] = (s - mean) * lax.rsqrt(var + EPS) * g_ref[...] + b_ref[...]


def _layernorm(partials, gamma2d, beta2d):
    return pl.pallas_call(
        _ln_body,
        grid=(5,),
        in_specs=[
            pl.BlockSpec((NC, 2000, UNITS), lambda i: (0, i, 0)),
            pl.BlockSpec((1, UNITS), lambda i: (0, 0)),
            pl.BlockSpec((1, UNITS), lambda i: (0, 0)),
        ],
        out_specs=pl.BlockSpec((2000, UNITS), lambda i: (i, 0)),
        out_shape=jax.ShapeDtypeStruct((N_NODES, UNITS), jnp.float32),
    )(partials, gamma2d, beta2d)



@jax.jit
def kernel(node_features, edge_index, edge_features, W, b, gamma, beta):
    idx3 = (edge_index.astype(jnp.int32)
            .reshape(2, NW, N_CHUNKS, CHUNK)
            .transpose(1, 2, 0, 3)
            .reshape(NW * N_CHUNKS, 2, CHUNK))
    w_node = W[:D_FEAT]
    w_edge = W[D_FEAT:]
    p, e = _project(node_features, edge_features, w_node, w_edge,
                    b.reshape(1, UNITS))
    partials = _sc_aggregate(p, e, idx3)
    return _layernorm(partials, gamma.reshape(1, UNITS),
                      beta.reshape(1, UNITS))

# --- scband reference (transcript-rebuilt; emitter-appended) ---
"""Pipeline reference for scband-material-graph-layer-47974784696416 (READ-ONLY COPY).

The authoritative reference and input builder live on the scoring server;
editing this copy changes nothing except your own understanding.
"""

import jax, jax.numpy as jnp
import numpy as np

N_NODES = 10000
N_EDGES = 320000
D_FEAT = 128
D_EDGE = 16
UNITS = 128
EPS = 1e-3  # Keras LayerNormalization default epsilon


def setup_inputs(seed: int = 0) -> dict:
    key = jax.random.key(seed)
    k1, k2, k3, k4, k5, k6, k7 = jax.random.split(key, 7)
    node_features = jax.random.normal(k1, (N_NODES, D_FEAT), dtype=jnp.float32)
    edge_index = jax.random.randint(k2, (2, N_EDGES), 0, N_NODES).astype(jnp.int64)
    edge_features = jax.random.normal(k3, (N_EDGES, D_EDGE), dtype=jnp.float32)
    # Dense layer params: in = D_FEAT + D_EDGE, out = UNITS (glorot-ish init)
    fan_in = D_FEAT + D_EDGE
    W = jax.random.normal(k4, (fan_in, UNITS), dtype=jnp.float32) * (1.0 / np.sqrt(fan_in))
    b = jnp.zeros((UNITS,), dtype=jnp.float32)
    # LayerNorm params
    gamma = jnp.ones((UNITS,), dtype=jnp.float32)
    beta = jnp.zeros((UNITS,), dtype=jnp.float32)
    return {
        "node_features": node_features,
        "edge_index": edge_index,
        "edge_features": edge_features,
        "W": W,
        "b": b,
        "gamma": gamma,
        "beta": beta,
    }


def reference(node_features, edge_index, edge_features, W, b, gamma, beta):
    # source, target = tf.unstack(edge_index, axis=0)
    source = edge_index[0]
    target = edge_index[1]
    # messages = tf.gather(node_features, source)
    messages = jnp.take(node_features, source, axis=0)
    # dense(concat([messages, edge_features], -1))
    h = jnp.concatenate([messages, edge_features], axis=-1)
    h = h @ W + b
    # silu activation
    h = jax.nn.silu(h)
    # scatter-add into zeros_like(node_features)
    out = jnp.zeros_like(node_features).at[target].add(h)
    # LayerNormalization over last axis (Keras default eps=1e-3)
    mean = jnp.mean(out, axis=-1, keepdims=True)
    var = jnp.var(out, axis=-1, keepdims=True)
    out = (out - mean) * jax.lax.rsqrt(var + EPS)
    out = out * gamma + beta
    # dropout is identity at inference (training=False)
    return out

if __name__ == "__main__":
    import jax
    _d = setup_inputs()
    print(jax.jit(kernel)(*tuple(_d.values())))

</pallas_src>

<mosaic_0001>
#map = affine_map<(d0, d1) -> (0, 0)>
#map1 = affine_map<(d0, d1) -> (0, 0, 0)>
module attributes {stable_mosaic.version = 14 : i64} {
  func.func @_sc_body(%arg0: i32, %arg1: i32, %arg2: memref<10000x128xf32, #tpu.memory_space<hbm>>, %arg3: memref<320000x128xf32, #tpu.memory_space<hbm>>, %arg4: memref<4000x2x80xi32, #tpu.memory_space<hbm>>, %arg5: memref<2x10240x128xf32, #tpu.memory_space<hbm>>, %arg6: memref<10240x128xf32, #tpu.memory_space<vmem_shared>>, %arg7: memref<2x80xi32, #tpu.memory_space<vmem>>, %arg8: memref<2x80xi32, #tpu.memory_space<vmem>>, %arg9: memref<2x80xi32, #tpu.memory_space<vmem>>, %arg10: memref<2x80xi32, #tpu.memory_space<vmem>>, %arg11: memref<80x128xf32, #tpu.memory_space<vmem>>, %arg12: memref<80x128xf32, #tpu.memory_space<vmem>>, %arg13: memref<80x128xf32, #tpu.memory_space<vmem>>, %arg14: memref<80x128xf32, #tpu.memory_space<vmem>>, %arg15: memref<!tpu.dma_semaphore, #tpu.memory_space<semaphore_mem>>, %arg16: memref<!tpu.dma_semaphore, #tpu.memory_space<semaphore_mem>>, %arg17: memref<!tpu.dma_semaphore, #tpu.memory_space<semaphore_mem>>, %arg18: memref<!tpu.dma_semaphore, #tpu.memory_space<semaphore_mem>>, %arg19: memref<!tpu.dma_semaphore, #tpu.memory_space<semaphore_mem>>, %arg20: memref<!tpu.dma_semaphore, #tpu.memory_space<semaphore_mem>>) attributes {dimension_semantics = [#tpu.dimension_semantics<core_parallel>, #tpu.dimension_semantics<subcore_parallel>], iteration_bounds = array<i64: 2, 16>, scalar_prefetch = 0 : i64, scratch_operands = 15 : i64, tpu.core_type = #tpu.core_type<sc_vector_subcore>, window_params = [{transform_indices = #map}, {transform_indices = #map}, {transform_indices = #map1}, {transform_indices = #map1}]} {
    %mul3A = arith.constant 2 : i32
    %mul3A_0 = arith.muli %arg1, %mul3A : i32
    %add3A = arith.addi %mul3A_0, %arg0 : i32
    %scan3A = arith.constant 0 : i32
    %scan3A_1 = arith.constant 0 : i32
    %scan3A_2 = arith.constant 80 : i32
    %scan3A_3 = arith.addi %scan3A_1, %scan3A_2 : i32
    %scan3A_4 = arith.constant 1 : i32
    %scan3A_5 = scf.for %scan3A_189 = %scan3A_1 to %scan3A_3 step %scan3A_4 iter_args(%scan3A_190 = %scan3A) -> (i32)  : i32 {
      %broadcast_in_dim3A = arith.constant 0.000000e+00 : f32
      %broadcast_in_dim3A_191 = vector.broadcast %broadcast_in_dim3A : f32 to vector<16xf32>
      %swap3A = arith.index_cast %scan3A_189 : i32 to index
      %swap3A_192 = arith.constant 0 : index
      %swap3A_193 = tpu.vector_load %arg11[%swap3A, %swap3A_192] {strides = array<i32>} : memref<80x128xf32, #tpu.memory_space<vmem>>, vector<1x16xf32>,
      %swap3A_194 = vector.shape_cast %swap3A_193 : vector<1x16xf32> to vector<16xf32>
      %swap3A_195 = vector.shape_cast %broadcast_in_dim3A_191 : vector<16xf32> to vector<1x16xf32>
      tpu.vector_store %arg11[%swap3A, %swap3A_192], %swap3A_195 {strides = array<i32>} : memref<80x128xf32, #tpu.memory_space<vmem>>, vector<1x16xf32>,
      %broadcast_in_dim3A_196 = arith.constant 0.000000e+00 : f32
      %broadcast_in_dim3A_197 = vector.broadcast %broadcast_in_dim3A_196 : f32 to vector<16xf32>
      %swap3A_198 = arith.index_cast %scan3A_189 : i32 to index
      %swap3A_199 = arith.constant 16 : index
      %swap3A_200 = tpu.vector_load %arg11[%swap3A_198, %swap3A_199] {strides = array<i32>} : memref<80x128xf32, #tpu.memory_space<vmem>>, vector<1x16xf32>,
      %swap3A_201 = vector.shape_cast %swap3A_200 : vector<1x16xf32> to vector<16xf32>
      %swap3A_202 = vector.shape_cast %broadcast_in_dim3A_197 : vector<16xf32> to vector<1x16xf32>
      tpu.vector_store %arg11[%swap3A_198, %swap3A_199], %swap3A_202 {strides = array<i32>} : memref<80x128xf32, #tpu.memory_space<vmem>>, vector<1x16xf32>,
      %broadcast_in_dim3A_203 = arith.constant 0.000000e+00 : f32
      %broadcast_in_dim3A_204 = vector.broadcast %broadcast_in_dim3A_203 : f32 to vector<16xf32>
      %swap3A_205 = arith.index_cast %scan3A_189 : i32 to index
      %swap3A_206 = arith.constant 32 : index
      %swap3A_207 = tpu.vector_load %arg11[%swap3A_205, %swap3A_206] {strides = array<i32>} : memref<80x128xf32, #tpu.memory_space<vmem>>, vector<1x16xf32>,
      %swap3A_208 = vector.shape_cast %swap3A_207 : vector<1x16xf32> to vector<16xf32>
      %swap3A_209 = vector.shape_cast %broadcast_in_dim3A_204 : vector<16xf32> to vector<1x16xf32>
      tpu.vector_store %arg11[%swap3A_205, %swap3A_206], %swap3A_209 {strides = array<i32>} : memref<80x128xf32, #tpu.memory_space<vmem>>, vector<1x16xf32>,
      %broadcast_in_dim3A_210 = arith.constant 0.000000e+00 : f32
      %broadcast_in_dim3A_211 = vector.broadcast %broadcast_in_dim3A_210 : f32 to vector<16xf32>
      %swap3A_212 = arith.index_cast %scan3A_189 : i32 to index
      %swap3A_213 = arith.constant 48 : index
      %swap3A_214 = tpu.vector_load %arg11[%swap3A_212, %swap3A_213] {strides = array<i32>} : memref<80x128xf32, #tpu.memory_space<vmem>>, vector<1x16xf32>,
      %swap3A_215 = vector.shape_cast %swap3A_214 : vector<1x16xf32> to vector<16xf32>
      %swap3A_216 = vector.shape_cast %broadcast_in_dim3A_211 : vector<16xf32> to vector<1x16xf32>
      tpu.vector_store %arg11[%swap3A_212, %swap3A_213], %swap3A_216 {strides = array<i32>} : memref<80x128xf32, #tpu.memory_space<vmem>>, vector<1x16xf32>,
      %broadcast_in_dim3A_217 = arith.constant 0.000000e+00 : f32
      %broadcast_in_dim3A_218 = vector.broadcast %broadcast_in_dim3A_217 : f32 to vector<16xf32>
      %swap3A_219 = arith.index_cast %scan3A_189 : i32 to index
      %swap3A_220 = arith.constant 64 : index
      %swap3A_221 = tpu.vector_load %arg11[%swap3A_219, %swap3A_220] {strides = array<i32>} : memref<80x128xf32, #tpu.memory_space<vmem>>, vector<1x16xf32>,
      %swap3A_222 = vector.shape_cast %swap3A_221 : vector<1x16xf32> to vector<16xf32>
      %swap3A_223 = vector.shape_cast %broadcast_in_dim3A_218 : vector<16xf32> to vector<1x16xf32>
      tpu.vector_store %arg11[%swap3A_219, %swap3A_220], %swap3A_223 {strides = array<i32>} : memref<80x128xf32, #tpu.memory_space<vmem>>, vector<1x16xf32>,
      %broadcast_in_dim3A_224 = arith.constant 0.000000e+00 : f32
      %broadcast_in_dim3A_225 = vector.broadcast %broadcast_in_dim3A_224 : f32 to vector<16xf32>
      %swap3A_226 = arith.index_cast %scan3A_189 : i32 to index
      %swap3A_227 = arith.constant 80 : index
      %swap3A_228 = tpu.vector_load %arg11[%swap3A_226, %swap3A_227] {strides = array<i32>} : memref<80x128xf32, #tpu.memory_space<vmem>>, vector<1x16xf32>,
      %swap3A_229 = vector.shape_cast %swap3A_228 : vector<1x16xf32> to vector<16xf32>
      %swap3A_230 = vector.shape_cast %broadcast_in_dim3A_225 : vector<16xf32> to vector<1x16xf32>
      tpu.vector_store %arg11[%swap3A_226, %swap3A_227], %swap3A_230 {strides = array<i32>} : memref<80x128xf32, #tpu.memory_space<vmem>>, vector<1x16xf32>,
      %broadcast_in_dim3A_231 = arith.constant 0.000000e+00 : f32
      %broadcast_in_dim3A_232 = vector.broadcast %broadcast_in_dim3A_231 : f32 to vector<16xf32>
      %swap3A_233 = arith.index_cast %scan3A_189 : i32 to index
      %swap3A_234 = arith.constant 96 : index
      %swap3A_235 = tpu.vector_load %arg11[%swap3A_233, %swap3A_234] {strides = array<i32>} : memref<80x128xf32, #tpu.memory_space<vmem>>, vector<1x16xf32>,
      %swap3A_236 = vector.shape_cast %swap3A_235 : vector<1x16xf32> to vector<16xf32>
      %swap3A_237 = vector.shape_cast %broadcast_in_dim3A_232 : vector<16xf32> to vector<1x16xf32>
      tpu.vector_store %arg11[%swap3A_233, %swap3A_234], %swap3A_237 {strides = array<i32>} : memref<80x128xf32, #tpu.memory_space<vmem>>, vector<1x16xf32>,
      %broadcast_in_dim3A_238 = arith.constant 0.000000e+00 : f32
      %broadcast_in_dim3A_239 = vector.broadcast %broadcast_in_dim3A_238 : f32 to vector<16xf32>
      %swap3A_240 = arith.index_cast %scan3A_189 : i32 to index
      %swap3A_241 = arith.constant 112 : index
      %swap3A_242 = tpu.vector_load %arg11[%swap3A_240, %swap3A_241] {strides = array<i32>} : memref<80x128xf32, #tpu.memory_space<vmem>>, vector<1x16xf32>,
      %swap3A_243 = vector.shape_cast %swap3A_242 : vector<1x16xf32> to vector<16xf32>
      %swap3A_244 = vector.shape_cast %broadcast_in_dim3A_239 : vector<16xf32> to vector<1x16xf32>
      tpu.vector_store %arg11[%swap3A_240, %swap3A_241], %swap3A_244 {strides = array<i32>} : memref<80x128xf32, #tpu.memory_space<vmem>>, vector<1x16xf32>,
      %scan3A_245 = arith.constant 0 : i32
      scf.yield %scan3A_245 : i32
    }
    %scan3A_6 = arith.constant 80 : i32
    %mul3A_7 = arith.constant 640 : i32
    %mul3A_8 = arith.muli %arg1, %mul3A_7 : i32
    %add3A_9 = arith.constant 0 : i32
    %add3A_10 = arith.addi %mul3A_8, %add3A_9 : i32
    "tpu.region"() ({
      %run_scoped3A_189 = tpu.sem_alloc : memref<!tpu.dma_semaphore, #tpu.memory_space<semaphore_mem>>
      %dma_start3A_190 = arith.constant 0 : i32
      %dma_start3A_191 = tpu.memref_slice %arg6[%add3A_10, %dma_start3A_190] : memref<10240x128xf32, #tpu.memory_space<vmem_shared>> -> memref<80x128xf32, #tpu.memory_space<vmem_shared>>
      %dma_start3A_192 = arith.constant 0 : i32
      %dma_start3A_193 = tpu.memref_slice %arg6[%add3A_10, %dma_start3A_192] : memref<10240x128xf32, #tpu.memory_space<vmem_shared>> -> memref<80x128xf32, #tpu.memory_space<vmem_shared>>
      tpu.enqueue_dma source(%arg11 : memref<80x128xf32, #tpu.memory_space<vmem>>) target(%dma_start3A_193 : memref<80x128xf32, #tpu.memory_space<vmem_shared>>) target_semaphore(%run_scoped3A_189 : memref<!tpu.dma_semaphore, #tpu.memory_space<semaphore_mem>>)
      %dma_wait3A_194 = arith.constant 0 : i32
      %dma_wait3A_195 = tpu.memref_slice %arg6[%add3A_10, %dma_wait3A_194] : memref<10240x128xf32, #tpu.memory_space<vmem_shared>> -> memref<80x128xf32, #tpu.memory_space<vmem_shared>>
      %dma_wait3A_196 = arith.constant 0 : i32
      %dma_wait3A_197 = tpu.memref_slice %arg6[%add3A_10, %dma_wait3A_196] : memref<10240x128xf32, #tpu.memory_space<vmem_shared>> -> memref<80x128xf32, #tpu.memory_space<vmem_shared>>
      tpu.wait_dma2 semaphore(%run_scoped3A_189 : memref<!tpu.dma_semaphore, #tpu.memory_space<semaphore_mem>>) src(%arg11 : memref<80x128xf32, #tpu.memory_space<vmem>>) dst(%dma_wait3A_197 : memref<80x128xf32, #tpu.memory_space<vmem_shared>>)
      tpu.yield
    }) : () -> ()
    %mul3A_11 = arith.constant 640 : i32
    %mul3A_12 = arith.muli %arg1, %mul3A_11 : i32
    %add3A_13 = arith.constant 80 : i32
    %add3A_14 = arith.addi %mul3A_12, %add3A_13 : i32
    "tpu.region"() ({
      %run_scoped3A_189 = tpu.sem_alloc : memref<!tpu.dma_semaphore, #tpu.memory_space<semaphore_mem>>
      %dma_start3A_190 = arith.constant 0 : i32
      %dma_start3A_191 = tpu.memref_slice %arg6[%add3A_14, %dma_start3A_190] : memref<10240x128xf32, #tpu.memory_space<vmem_shared>> -> memref<80x128xf32, #tpu.memory_space<vmem_shared>>
      %dma_start3A_192 = arith.constant 0 : i32
      %dma_start3A_193 = tpu.memref_slice %arg6[%add3A_14, %dma_start3A_192] : memref<10240x128xf32, #tpu.memory_space<vmem_shared>> -> memref<80x128xf32, #tpu.memory_space<vmem_shared>>
      tpu.enqueue_dma source(%arg11 : memref<80x128xf32, #tpu.memory_space<vmem>>) target(%dma_start3A_193 : memref<80x128xf32, #tpu.memory_space<vmem_shared>>) target_semaphore(%run_scoped3A_189 : memref<!tpu.dma_semaphore, #tpu.memory_space<semaphore_mem>>)
      %dma_wait3A_194 = arith.constant 0 : i32
      %dma_wait3A_195 = tpu.memref_slice %arg6[%add3A_14, %dma_wait3A_194] : memref<10240x128xf32, #tpu.memory_space<vmem_shared>> -> memref<80x128xf32, #tpu.memory_space<vmem_shared>>
      %dma_wait3A_196 = arith.constant 0 : i32
      %dma_wait3A_197 = tpu.memref_slice %arg6[%add3A_14, %dma_wait3A_196] : memref<10240x128xf32, #tpu.memory_space<vmem_shared>> -> memref<80x128xf32, #tpu.memory_space<vmem_shared>>
      tpu.wait_dma2 semaphore(%run_scoped3A_189 : memref<!tpu.dma_semaphore, #tpu.memory_space<semaphore_mem>>) src(%arg11 : memref<80x128xf32, #tpu.memory_space<vmem>>) dst(%dma_wait3A_197 : memref<80x128xf32, #tpu.memory_space<vmem_shared>>)
      tpu.yield
    }) : () -> ()
    %mul3A_15 = arith.constant 640 : i32
    %mul3A_16 = arith.muli %arg1, %mul3A_15 : i32
    %add3A_17 = arith.constant 160 : i32
    %add3A_18 = arith.addi %mul3A_16, %add3A_17 : i32
    "tpu.region"() ({
      %run_scoped3A_189 = tpu.sem_alloc : memref<!tpu.dma_semaphore, #tpu.memory_space<semaphore_mem>>
      %dma_start3A_190 = arith.constant 0 : i32
      %dma_start3A_191 = tpu.memref_slice %arg6[%add3A_18, %dma_start3A_190] : memref<10240x128xf32, #tpu.memory_space<vmem_shared>> -> memref<80x128xf32, #tpu.memory_space<vmem_shared>>
      %dma_start3A_192 = arith.constant 0 : i32
      %dma_start3A_193 = tpu.memref_slice %arg6[%add3A_18, %dma_start3A_192] : memref<10240x128xf32, #tpu.memory_space<vmem_shared>> -> memref<80x128xf32, #tpu.memory_space<vmem_shared>>
      tpu.enqueue_dma source(%arg11 : memref<80x128xf32, #tpu.memory_space<vmem>>) target(%dma_start3A_193 : memref<80x128xf32, #tpu.memory_space<vmem_shared>>) target_semaphore(%run_scoped3A_189 : memref<!tpu.dma_semaphore, #tpu.memory_space<semaphore_mem>>)
      %dma_wait3A_194 = arith.constant 0 : i32
      %dma_wait3A_195 = tpu.memref_slice %arg6[%add3A_18, %dma_wait3A_194] : memref<10240x128xf32, #tpu.memory_space<vmem_shared>> -> memref<80x128xf32, #tpu.memory_space<vmem_shared>>
      %dma_wait3A_196 = arith.constant 0 : i32
      %dma_wait3A_197 = tpu.memref_slice %arg6[%add3A_18, %dma_wait3A_196] : memref<10240x128xf32, #tpu.memory_space<vmem_shared>> -> memref<80x128xf32, #tpu.memory_space<vmem_shared>>
      tpu.wait_dma2 semaphore(%run_scoped3A_189 : memref<!tpu.dma_semaphore, #tpu.memory_space<semaphore_mem>>) src(%arg11 : memref<80x128xf32, #tpu.memory_space<vmem>>) dst(%dma_wait3A_197 : memref<80x128xf32, #tpu.memory_space<vmem_shared>>)
      tpu.yield
    }) : () -> ()
    %mul3A_19 = arith.constant 640 : i32
    %mul3A_20 = arith.muli %arg1, %mul3A_19 : i32
    %add3A_21 = arith.constant 240 : i32
    %add3A_22 = arith.addi %mul3A_20, %add3A_21 : i32
    "tpu.region"() ({
      %run_scoped3A_189 = tpu.sem_alloc : memref<!tpu.dma_semaphore, #tpu.memory_space<semaphore_mem>>
      %dma_start3A_190 = arith.constant 0 : i32
      %dma_start3A_191 = tpu.memref_slice %arg6[%add3A_22, %dma_start3A_190] : memref<10240x128xf32, #tpu.memory_space<vmem_shared>> -> memref<80x128xf32, #tpu.memory_space<vmem_shared>>
      %dma_start3A_192 = arith.constant 0 : i32
      %dma_start3A_193 = tpu.memref_slice %arg6[%add3A_22, %dma_start3A_192] : memref<10240x128xf32, #tpu.memory_space<vmem_shared>> -> memref<80x128xf32, #tpu.memory_space<vmem_shared>>
      tpu.enqueue_dma source(%arg11 : memref<80x128xf32, #tpu.memory_space<vmem>>) target(%dma_start3A_193 : memref<80x128xf32, #tpu.memory_space<vmem_shared>>) target_semaphore(%run_scoped3A_189 : memref<!tpu.dma_semaphore, #tpu.memory_space<semaphore_mem>>)
      %dma_wait3A_194 = arith.constant 0 : i32
      %dma_wait3A_195 = tpu.memref_slice %arg6[%add3A_22, %dma_wait3A_194] : memref<10240x128xf32, #tpu.memory_space<vmem_shared>> -> memref<80x128xf32, #tpu.memory_space<vmem_shared>>
      %dma_wait3A_196 = arith.constant 0 : i32
      %dma_wait3A_197 = tpu.memref_slice %arg6[%add3A_22, %dma_wait3A_196] : memref<10240x128xf32, #tpu.memory_space<vmem_shared>> -> memref<80x128xf32, #tpu.memory_space<vmem_shared>>
      tpu.wait_dma2 semaphore(%run_scoped3A_189 : memref<!tpu.dma_semaphore, #tpu.memory_space<semaphore_mem>>) src(%arg11 : memref<80x128xf32, #tpu.memory_space<vmem>>) dst(%dma_wait3A_197 : memref<80x128xf32, #tpu.memory_space<vmem_shared>>)
      tpu.yield
    }) : () -> ()
    %mul3A_23 = arith.constant 640 : i32
    %mul3A_24 = arith.muli %arg1, %mul3A_23 : i32
    %add3A_25 = arith.constant 320 : i32
    %add3A_26 = arith.addi %mul3A_24, %add3A_25 : i32
    "tpu.region"() ({
      %run_scoped3A_189 = tpu.sem_alloc : memref<!tpu.dma_semaphore, #tpu.memory_space<semaphore_mem>>
      %dma_start3A_190 = arith.constant 0 : i32
      %dma_start3A_191 = tpu.memref_slice %arg6[%add3A_26, %dma_start3A_190] : memref<10240x128xf32, #tpu.memory_space<vmem_shared>> -> memref<80x128xf32, #tpu.memory_space<vmem_shared>>
      %dma_start3A_192 = arith.constant 0 : i32
      %dma_start3A_193 = tpu.memref_slice %arg6[%add3A_26, %dma_start3A_192] : memref<10240x128xf32, #tpu.memory_space<vmem_shared>> -> memref<80x128xf32, #tpu.memory_space<vmem_shared>>
      tpu.enqueue_dma source(%arg11 : memref<80x128xf32, #tpu.memory_space<vmem>>) target(%dma_start3A_193 : memref<80x128xf32, #tpu.memory_space<vmem_shared>>) target_semaphore(%run_scoped3A_189 : memref<!tpu.dma_semaphore, #tpu.memory_space<semaphore_mem>>)
      %dma_wait3A_194 = arith.constant 0 : i32
      %dma_wait3A_195 = tpu.memref_slice %arg6[%add3A_26, %dma_wait3A_194] : memref<10240x128xf32, #tpu.memory_space<vmem_shared>> -> memref<80x128xf32, #tpu.memory_space<vmem_shared>>
      %dma_wait3A_196 = arith.constant 0 : i32
      %dma_wait3A_197 = tpu.memref_slice %arg6[%add3A_26, %dma_wait3A_196] : memref<10240x128xf32, #tpu.memory_space<vmem_shared>> -> memref<80x128xf32, #tpu.memory_space<vmem_shared>>
      tpu.wait_dma2 semaphore(%run_scoped3A_189 : memref<!tpu.dma_semaphore, #tpu.memory_space<semaphore_mem>>) src(%arg11 : memref<80x128xf32, #tpu.memory_space<vmem>>) dst(%dma_wait3A_197 : memref<80x128xf32, #tpu.memory_space<vmem_shared>>)
      tpu.yield
    }) : () -> ()
    %mul3A_27 = arith.constant 640 : i32
    %mul3A_28 = arith.muli %arg1, %mul3A_27 : i32
    %add3A_29 = arith.constant 400 : i32
    %add3A_30 = arith.addi %mul3A_28, %add3A_29 : i32
    "tpu.region"() ({
      %run_scoped3A_189 = tpu.sem_alloc : memref<!tpu.dma_semaphore, #tpu.memory_space<semaphore_mem>>
      %dma_start3A_190 = arith.constant 0 : i32
      %dma_start3A_191 = tpu.memref_slice %arg6[%add3A_30, %dma_start3A_190] : memref<10240x128xf32, #tpu.memory_space<vmem_shared>> -> memref<80x128xf32, #tpu.memory_space<vmem_shared>>
      %dma_start3A_192 = arith.constant 0 : i32
      %dma_start3A_193 = tpu.memref_slice %arg6[%add3A_30, %dma_start3A_192] : memref<10240x128xf32, #tpu.memory_space<vmem_shared>> -> memref<80x128xf32, #tpu.memory_space<vmem_shared>>
      tpu.enqueue_dma source(%arg11 : memref<80x128xf32, #tpu.memory_space<vmem>>) target(%dma_start3A_193 : memref<80x128xf32, #tpu.memory_space<vmem_shared>>) target_semaphore(%run_scoped3A_189 : memref<!tpu.dma_semaphore, #tpu.memory_space<semaphore_mem>>)
      %dma_wait3A_194 = arith.constant 0 : i32
      %dma_wait3A_195 = tpu.memref_slice %arg6[%add3A_30, %dma_wait3A_194] : memref<10240x128xf32, #tpu.memory_space<vmem_shared>> -> memref<80x128xf32, #tpu.memory_space<vmem_shared>>
      %dma_wait3A_196 = arith.constant 0 : i32
      %dma_wait3A_197 = tpu.memref_slice %arg6[%add3A_30, %dma_wait3A_196] : memref<10240x128xf32, #tpu.memory_space<vmem_shared>> -> memref<80x128xf32, #tpu.memory_space<vmem_shared>>
      tpu.wait_dma2 semaphore(%run_scoped3A_189 : memref<!tpu.dma_semaphore, #tpu.memory_space<semaphore_mem>>) src(%arg11 : memref<80x128xf32, #tpu.memory_space<vmem>>) dst(%dma_wait3A_197 : memref<80x128xf32, #tpu.memory_space<vmem_shared>>)
      tpu.yield
    }) : () -> ()
    %mul3A_31 = arith.constant 640 : i32
    %mul3A_32 = arith.muli %arg1, %mul3A_31 : i32
    %add3A_33 = arith.constant 480 : i32
    %add3A_34 = arith.addi %mul3A_32, %add3A_33 : i32
    "tpu.region"() ({
      %run_scoped3A_189 = tpu.sem_alloc : memref<!tpu.dma_semaphore, #tpu.memory_space<semaphore_mem>>
      %dma_start3A_190 = arith.constant 0 : i32
      %dma_start3A_191 = tpu.memref_slice %arg6[%add3A_34, %dma_start3A_190] : memref<10240x128xf32, #tpu.memory_space<vmem_shared>> -> memref<80x128xf32, #tpu.memory_space<vmem_shared>>
      %dma_start3A_192 = arith.constant 0 : i32
      %dma_start3A_193 = tpu.memref_slice %arg6[%add3A_34, %dma_start3A_192] : memref<10240x128xf32, #tpu.memory_space<vmem_shared>> -> memref<80x128xf32, #tpu.memory_space<vmem_shared>>
      tpu.enqueue_dma source(%arg11 : memref<80x128xf32, #tpu.memory_space<vmem>>) target(%dma_start3A_193 : memref<80x128xf32, #tpu.memory_space<vmem_shared>>) target_semaphore(%run_scoped3A_189 : memref<!tpu.dma_semaphore, #tpu.memory_space<semaphore_mem>>)
      %dma_wait3A_194 = arith.constant 0 : i32
      %dma_wait3A_195 = tpu.memref_slice %arg6[%add3A_34, %dma_wait3A_194] : memref<10240x128xf32, #tpu.memory_space<vmem_shared>> -> memref<80x128xf32, #tpu.memory_space<vmem_shared>>
      %dma_wait3A_196 = arith.constant 0 : i32
      %dma_wait3A_197 = tpu.memref_slice %arg6[%add3A_34, %dma_wait3A_196] : memref<10240x128xf32, #tpu.memory_space<vmem_shared>> -> memref<80x128xf32, #tpu.memory_space<vmem_shared>>
      tpu.wait_dma2 semaphore(%run_scoped3A_189 : memref<!tpu.dma_semaphore, #tpu.memory_space<semaphore_mem>>) src(%arg11 : memref<80x128xf32, #tpu.memory_space<vmem>>) dst(%dma_wait3A_197 : memref<80x128xf32, #tpu.memory_space<vmem_shared>>)
      tpu.yield
    }) : () -> ()
    %mul3A_35 = arith.constant 640 : i32
    %mul3A_36 = arith.muli %arg1, %mul3A_35 : i32
    %add3A_37 = arith.constant 560 : i32
    %add3A_38 = arith.addi %mul3A_36, %add3A_37 : i32
    "tpu.region"() ({
      %run_scoped3A_189 = tpu.sem_alloc : memref<!tpu.dma_semaphore, #tpu.memory_space<semaphore_mem>>
      %dma_start3A_190 = arith.constant 0 : i32
      %dma_start3A_191 = tpu.memref_slice %arg6[%add3A_38, %dma_start3A_190] : memref<10240x128xf32, #tpu.memory_space<vmem_shared>> -> memref<80x128xf32, #tpu.memory_space<vmem_shared>>
      %dma_start3A_192 = arith.constant 0 : i32
      %dma_start3A_193 = tpu.memref_slice %arg6[%add3A_38, %dma_start3A_192] : memref<10240x128xf32, #tpu.memory_space<vmem_shared>> -> memref<80x128xf32, #tpu.memory_space<vmem_shared>>
      tpu.enqueue_dma source(%arg11 : memref<80x128xf32, #tpu.memory_space<vmem>>) target(%dma_start3A_193 : memref<80x128xf32, #tpu.memory_space<vmem_shared>>) target_semaphore(%run_scoped3A_189 : memref<!tpu.dma_semaphore, #tpu.memory_space<semaphore_mem>>)
      %dma_wait3A_194 = arith.constant 0 : i32
      %dma_wait3A_195 = tpu.memref_slice %arg6[%add3A_38, %dma_wait3A_194] : memref<10240x128xf32, #tpu.memory_space<vmem_shared>> -> memref<80x128xf32, #tpu.memory_space<vmem_shared>>
      %dma_wait3A_196 = arith.constant 0 : i32
      %dma_wait3A_197 = tpu.memref_slice %arg6[%add3A_38, %dma_wait3A_196] : memref<10240x128xf32, #tpu.memory_space<vmem_shared>> -> memref<80x128xf32, #tpu.memory_space<vmem_shared>>
      tpu.wait_dma2 semaphore(%run_scoped3A_189 : memref<!tpu.dma_semaphore, #tpu.memory_space<semaphore_mem>>) src(%arg11 : memref<80x128xf32, #tpu.memory_space<vmem>>) dst(%dma_wait3A_197 : memref<80x128xf32, #tpu.memory_space<vmem_shared>>)
      tpu.yield
    }) : () -> ()
    %barrier3A = arith.constant 0 : index
    tpu.barrier barrier_id(%barrier3A)
    %mul3A_39 = arith.constant 10000 : i32
    %mul3A_40 = arith.muli %add3A, %mul3A_39 : i32
    %mul3A_41 = arith.constant 125 : i32
    %mul3A_42 = arith.muli %add3A, %mul3A_41 : i32
    %dma_start3A = arith.constant 0 : i32
    %dma_start3A_43 = arith.constant 0 : i32
    %dma_start3A_44 = tpu.memref_slice %arg4[%mul3A_42, %dma_start3A, %dma_start3A_43] : memref<4000x2x80xi32, #tpu.memory_space<hbm>> -> memref<1x2x80xi32, #tpu.memory_space<hbm>>
    %dma_start3A_45 = tpu.memref_squeeze %dma_start3A_44 : memref<1x2x80xi32, #tpu.memory_space<hbm>> -> memref<2x80xi32, #tpu.memory_space<hbm>>
    %dma_start3A_46 = arith.constant 0 : i32
    %dma_start3A_47 = arith.constant 0 : i32
    %dma_start3A_48 = tpu.memref_slice %arg4[%mul3A_42, %dma_start3A_46, %dma_start3A_47] : memref<4000x2x80xi32, #tpu.memory_space<hbm>> -> memref<1x2x80xi32, #tpu.memory_space<hbm>>
    %dma_start3A_49 = tpu.memref_squeeze %dma_start3A_48 : memref<1x2x80xi32, #tpu.memory_space<hbm>> -> memref<2x80xi32, #tpu.memory_space<hbm>>
    tpu.enqueue_dma source(%dma_start3A_49 : memref<2x80xi32, #tpu.memory_space<hbm>>) target(%arg7 : memref<2x80xi32, #tpu.memory_space<vmem>>) target_semaphore(%arg19 : memref<!tpu.dma_semaphore, #tpu.memory_space<semaphore_mem>>)
    %add3A_50 = arith.constant 1 : i32
    %add3A_51 = arith.addi %mul3A_42, %add3A_50 : i32
    %dma_start3A_52 = arith.constant 0 : i32
    %dma_start3A_53 = arith.constant 0 : i32
    %dma_start3A_54 = tpu.memref_slice %arg4[%add3A_51, %dma_start3A_52, %dma_start3A_53] : memref<4000x2x80xi32, #tpu.memory_space<hbm>> -> memref<1x2x80xi32, #tpu.memory_space<hbm>>
    %dma_start3A_55 = tpu.memref_squeeze %dma_start3A_54 : memref<1x2x80xi32, #tpu.memory_space<hbm>> -> memref<2x80xi32, #tpu.memory_space<hbm>>
    %dma_start3A_56 = arith.constant 0 : i32
    %dma_start3A_57 = arith.constant 0 : i32
    %dma_start3A_58 = tpu.memref_slice %arg4[%add3A_51, %dma_start3A_56, %dma_start3A_57] : memref<4000x2x80xi32, #tpu.memory_space<hbm>> -> memref<1x2x80xi32, #tpu.memory_space<hbm>>
    %dma_start3A_59 = tpu.memref_squeeze %dma_start3A_58 : memref<1x2x80xi32, #tpu.memory_space<hbm>> -> memref<2x80xi32, #tpu.memory_space<hbm>>
    tpu.enqueue_dma source(%dma_start3A_59 : memref<2x80xi32, #tpu.memory_space<hbm>>) target(%arg8 : memref<2x80xi32, #tpu.memory_space<vmem>>) target_semaphore(%arg20 : memref<!tpu.dma_semaphore, #tpu.memory_space<semaphore_mem>>)
    %add3A_60 = arith.constant 0 : i32
    %add3A_61 = arith.addi %mul3A_42, %add3A_60 : i32
    %dma_wait3A = arith.constant 0 : i32
    %dma_wait3A_62 = arith.constant 0 : i32
    %dma_wait3A_63 = tpu.memref_slice %arg4[%add3A_61, %dma_wait3A, %dma_wait3A_62] : memref<4000x2x80xi32, #tpu.memory_space<hbm>> -> memref<1x2x80xi32, #tpu.memory_space<hbm>>
    %dma_wait3A_64 = tpu.memref_squeeze %dma_wait3A_63 : memref<1x2x80xi32, #tpu.memory_space<hbm>> -> memref<2x80xi32, #tpu.memory_space<hbm>>
    %dma_wait3A_65 = arith.constant 0 : i32
    %dma_wait3A_66 = arith.constant 0 : i32
    %dma_wait3A_67 = tpu.memref_slice %arg4[%add3A_61, %dma_wait3A_65, %dma_wait3A_66] : memref<4000x2x80xi32, #tpu.memory_space<hbm>> -> memref<1x2x80xi32, #tpu.memory_space<hbm>>
    %dma_wait3A_68 = tpu.memref_squeeze %dma_wait3A_67 : memref<1x2x80xi32, #tpu.memory_space<hbm>> -> memref<2x80xi32, #tpu.memory_space<hbm>>
    tpu.wait_dma2 semaphore(%arg19 : memref<!tpu.dma_semaphore, #tpu.memory_space<semaphore_mem>>) src(%dma_wait3A_68 : memref<2x80xi32, #tpu.memory_space<hbm>>) dst(%arg7 : memref<2x80xi32, #tpu.memory_space<vmem>>)
    %dma_start3A_69 = arith.constant 0 : i32
    %dma_start3A_70 = arith.constant 0 : i32
    %dma_start3A_71 = tpu.memref_slice %arg7[%dma_start3A_69, %dma_start3A_70] : memref<2x80xi32, #tpu.memory_space<vmem>> -> memref<1x80xi32, #tpu.memory_space<vmem>>
    %dma_start3A_72 = tpu.memref_squeeze %dma_start3A_71 : memref<1x80xi32, #tpu.memory_space<vmem>> -> memref<80xi32, #tpu.memory_space<vmem>>
    %dma_start3A_73 = arith.constant 0 : i32
    %dma_start3A_74 = arith.constant 0 : i32
    %dma_start3A_75 = tpu.memref_slice %arg2[%dma_start3A_73, %dma_start3A_74] : memref<10000x128xf32, #tpu.memory_space<hbm>> -> memref<10000x128xf32, #tpu.memory_space<hbm>>
    tpu.enqueue_indirect_dma source(%dma_start3A_75 : memref<10000x128xf32, #tpu.memory_space<hbm>>) target(%arg11 : memref<80x128xf32, #tpu.memory_space<vmem>>) offsets(%dma_start3A_72 : memref<80xi32, #tpu.memory_space<vmem>>) semaphore(%arg15 : memref<!tpu.dma_semaphore, #tpu.memory_space<semaphore_mem>>)
    %add3A_76 = arith.constant 0 : i32
    %add3A_77 = arith.addi %mul3A_40, %add3A_76 : i32
    %dma_start3A_78 = arith.constant 0 : i32
    %dma_start3A_79 = tpu.memref_slice %arg3[%add3A_77, %dma_start3A_78] : memref<320000x128xf32, #tpu.memory_space<hbm>> -> memref<80x128xf32, #tpu.memory_space<hbm>>
    %dma_start3A_80 = arith.constant 0 : i32
    %dma_start3A_81 = tpu.memref_slice %arg3[%add3A_77, %dma_start3A_80] : memref<320000x128xf32, #tpu.memory_space<hbm>> -> memref<80x128xf32, #tpu.memory_space<hbm>>
    tpu.enqueue_dma source(%dma_start3A_81 : memref<80x128xf32, #tpu.memory_space<hbm>>) target(%arg13 : memref<80x128xf32, #tpu.memory_space<vmem>>) target_semaphore(%arg17 : memref<!tpu.dma_semaphore, #tpu.memory_space<semaphore_mem>>)
    %add3A_82 = arith.constant 0 : i32
    %add3A_83 = arith.addi %mul3A_42, %add3A_82 : i32
    %add3A_84 = arith.constant 2 : i32
    %add3A_85 = arith.addi %add3A_83, %add3A_84 : i32
    %dma_start3A_86 = arith.constant 0 : i32
    %dma_start3A_87 = arith.constant 0 : i32
    %dma_start3A_88 = tpu.memref_slice %arg4[%add3A_85, %dma_start3A_86, %dma_start3A_87] : memref<4000x2x80xi32, #tpu.memory_space<hbm>> -> memref<1x2x80xi32, #tpu.memory_space<hbm>>
    %dma_start3A_89 = tpu.memref_squeeze %dma_start3A_88 : memref<1x2x80xi32, #tpu.memory_space<hbm>> -> memref<2x80xi32, #tpu.memory_space<hbm>>
    %dma_start3A_90 = arith.constant 0 : i32
    %dma_start3A_91 = arith.constant 0 : i32
    %dma_start3A_92 = tpu.memref_slice %arg4[%add3A_85, %dma_start3A_90, %dma_start3A_91] : memref<4000x2x80xi32, #tpu.memory_space<hbm>> -> memref<1x2x80xi32, #tpu.memory_space<hbm>>
    %dma_start3A_93 = tpu.memref_squeeze %dma_start3A_92 : memref<1x2x80xi32, #tpu.memory_space<hbm>> -> memref<2x80xi32, #tpu.memory_space<hbm>>
    tpu.enqueue_dma source(%dma_start3A_93 : memref<2x80xi32, #tpu.memory_space<hbm>>) target(%arg9 : memref<2x80xi32, #tpu.memory_space<vmem>>) target_semaphore(%arg19 : memref<!tpu.dma_semaphore, #tpu.memory_space<semaphore_mem>>)
    %add3A_94 = arith.constant 1 : i32
    %add3A_95 = arith.addi %mul3A_42, %add3A_94 : i32
    %dma_wait3A_96 = arith.constant 0 : i32
    %dma_wait3A_97 = arith.constant 0 : i32
    %dma_wait3A_98 = tpu.memref_slice %arg4[%add3A_95, %dma_wait3A_96, %dma_wait3A_97] : memref<4000x2x80xi32, #tpu.memory_space<hbm>> -> memref<1x2x80xi32, #tpu.memory_space<hbm>>
    %dma_wait3A_99 = tpu.memref_squeeze %dma_wait3A_98 : memref<1x2x80xi32, #tpu.memory_space<hbm>> -> memref<2x80xi32, #tpu.memory_space<hbm>>
    %dma_wait3A_100 = arith.constant 0 : i32
    %dma_wait3A_101 = arith.constant 0 : i32
    %dma_wait3A_102 = tpu.memref_slice %arg4[%add3A_95, %dma_wait3A_100, %dma_wait3A_101] : memref<4000x2x80xi32, #tpu.memory_space<hbm>> -> memref<1x2x80xi32, #tpu.memory_space<hbm>>
    %dma_wait3A_103 = tpu.memref_squeeze %dma_wait3A_102 : memref<1x2x80xi32, #tpu.memory_space<hbm>> -> memref<2x80xi32, #tpu.memory_space<hbm>>
    tpu.wait_dma2 semaphore(%arg20 : memref<!tpu.dma_semaphore, #tpu.memory_space<semaphore_mem>>) src(%dma_wait3A_103 : memref<2x80xi32, #tpu.memory_space<hbm>>) dst(%arg8 : memref<2x80xi32, #tpu.memory_space<vmem>>)
    %dma_start3A_104 = arith.constant 0 : i32
    %dma_start3A_105 = arith.constant 0 : i32
    %dma_start3A_106 = tpu.memref_slice %arg8[%dma_start3A_104, %dma_start3A_105] : memref<2x80xi32, #tpu.memory_space<vmem>> -> memref<1x80xi32, #tpu.memory_space<vmem>>
    %dma_start3A_107 = tpu.memref_squeeze %dma_start3A_106 : memref<1x80xi32, #tpu.memory_space<vmem>> -> memref<80xi32, #tpu.memory_space<vmem>>
    %dma_start3A_108 = arith.constant 0 : i32
    %dma_start3A_109 = arith.constant 0 : i32
    %dma_start3A_110 = tpu.memref_slice %arg2[%dma_start3A_108, %dma_start3A_109] : memref<10000x128xf32, #tpu.memory_space<hbm>> -> memref<10000x128xf32, #tpu.memory_space<hbm>>
    tpu.enqueue_indirect_dma source(%dma_start3A_110 : memref<10000x128xf32, #tpu.memory_space<hbm>>) target(%arg12 : memref<80x128xf32, #tpu.memory_space<vmem>>) offsets(%dma_start3A_107 : memref<80xi32, #tpu.memory_space<vmem>>) semaphore(%arg16 : memref<!tpu.dma_semaphore, #tpu.memory_space<semaphore_mem>>)
    %add3A_111 = arith.constant 80 : i32
    %add3A_112 = arith.addi %mul3A_40, %add3A_111 : i32
    %dma_start3A_113 = arith.constant 0 : i32
    %dma_start3A_114 = tpu.memref_slice %arg3[%add3A_112, %dma_start3A_113] : memref<320000x128xf32, #tpu.memory_space<hbm>> -> memref<80x128xf32, #tpu.memory_space<hbm>>
    %dma_start3A_115 = arith.constant 0 : i32
    %dma_start3A_116 = tpu.memref_slice %arg3[%add3A_112, %dma_start3A_115] : memref<320000x128xf32, #tpu.memory_space<hbm>> -> memref<80x128xf32, #tpu.memory_space<hbm>>
    tpu.enqueue_dma source(%dma_start3A_116 : memref<80x128xf32, #tpu.memory_space<hbm>>) target(%arg14 : memref<80x128xf32, #tpu.memory_space<vmem>>) target_semaphore(%arg18 : memref<!tpu.dma_semaphore, #tpu.memory_space<semaphore_mem>>)
    %add3A_117 = arith.constant 1 : i32
    %add3A_118 = arith.addi %mul3A_42, %add3A_117 : i32
    %add3A_119 = arith.constant 2 : i32
    %add3A_120 = arith.addi %add3A_118, %add3A_119 : i32
    %dma_start3A_121 = arith.constant 0 : i32
    %dma_start3A_122 = arith.constant 0 : i32
    %dma_start3A_123 = tpu.memref_slice %arg4[%add3A_120, %dma_start3A_121, %dma_start3A_122] : memref<4000x2x80xi32, #tpu.memory_space<hbm>> -> memref<1x2x80xi32, #tpu.memory_space<hbm>>
    %dma_start3A_124 = tpu.memref_squeeze %dma_start3A_123 : memref<1x2x80xi32, #tpu.memory_space<hbm>> -> memref<2x80xi32, #tpu.memory_space<hbm>>
    %dma_start3A_125 = arith.constant 0 : i32
    %dma_start3A_126 = arith.constant 0 : i32
    %dma_start3A_127 = tpu.memref_slice %arg4[%add3A_120, %dma_start3A_125, %dma_start3A_126] : memref<4000x2x80xi32, #tpu.memory_space<hbm>> -> memref<1x2x80xi32, #tpu.memory_space<hbm>>
    %dma_start3A_128 = tpu.memref_squeeze %dma_start3A_127 : memref<1x2x80xi32, #tpu.memory_space<hbm>> -> memref<2x80xi32, #tpu.memory_space<hbm>>
    tpu.enqueue_dma source(%dma_start3A_128 : memref<2x80xi32, #tpu.memory_space<hbm>>) target(%arg10 : memref<2x80xi32, #tpu.memory_space<vmem>>) target_semaphore(%arg20 : memref<!tpu.dma_semaphore, #tpu.memory_space<semaphore_mem>>)
    %scan3A_129 = arith.constant 0 : i32
    %scan3A_130 = arith.constant 0 : i32
    %scan3A_131 = arith.constant 31 : i32
    %scan3A_132 = arith.addi %scan3A_130, %scan3A_131 : i32
    %scan3A_133 = arith.constant 1 : i32
    %scan3A_134 = scf.for %scan3A_189 = %scan3A_130 to %scan3A_132 step %scan3A_133 iter_args(%scan3A_190 = %scan3A_129) -> (i32)  : i32 {
      %mul3A_191 = arith.constant 4 : i32
      %mul3A_192 = arith.muli %mul3A_191, %scan3A_189 : i32
      %add3A_193 = arith.constant 0 : i32
      %add3A_194 = arith.addi %mul3A_192, %add3A_193 : i32
      %dma_wait3A_195 = arith.constant 0 : i32
      %dma_wait3A_196 = arith.constant 0 : i32
      %dma_wait3A_197 = tpu.memref_slice %arg7[%dma_wait3A_195, %dma_wait3A_196] : memref<2x80xi32, #tpu.memory_space<vmem>> -> memref<1x80xi32, #tpu.memory_space<vmem>>
      %dma_wait3A_198 = tpu.memref_squeeze %dma_wait3A_197 : memref<1x80xi32, #tpu.memory_space<vmem>> -> memref<80xi32, #tpu.memory_space<vmem>>
      %dma_wait3A_199 = arith.constant 0 : i32
      %dma_wait3A_200 = arith.constant 0 : i32
      %dma_wait3A_201 = tpu.memref_slice %arg2[%dma_wait3A_199, %dma_wait3A_200] : memref<10000x128xf32, #tpu.memory_space<hbm>> -> memref<10000x128xf32, #tpu.memory_space<hbm>>
      tpu.wait_indirect_dma semaphore(%arg15 : memref<!tpu.dma_semaphore, #tpu.memory_space<semaphore_mem>>) src(%dma_wait3A_201 : memref<10000x128xf32, #tpu.memory_space<hbm>>) dst(%arg11 : memref<80x128xf32, #tpu.memory_space<vmem>>)
      %mul3A_202 = arith.constant 80 : i32
      %mul3A_203 = arith.muli %add3A_194, %mul3A_202 : i32
      %add3A_204 = arith.addi %mul3A_40, %mul3A_203 : i32
      %dma_wait3A_205 = arith.constant 0 : i32
      %dma_wait3A_206 = tpu.memref_slice %arg3[%add3A_204, %dma_wait3A_205] : memref<320000x128xf32, #tpu.memory_space<hbm>> -> memref<80x128xf32, #tpu.memory_space<hbm>>
      %dma_wait3A_207 = arith.constant 0 : i32
      %dma_wait3A_208 = tpu.memref_slice %arg3[%add3A_204, %dma_wait3A_207] : memref<320000x128xf32, #tpu.memory_space<hbm>> -> memref<80x128xf32, #tpu.memory_space<hbm>>
      tpu.wait_dma2 semaphore(%arg17 : memref<!tpu.dma_semaphore, #tpu.memory_space<semaphore_mem>>) src(%dma_wait3A_208 : memref<80x128xf32, #tpu.memory_space<hbm>>) dst(%arg13 : memref<80x128xf32, #tpu.memory_space<vmem>>)
      %scan3A_209 = arith.constant 0 : i32
      %scan3A_210 = arith.constant 0 : i32
      %scan3A_211 = arith.constant 80 : i32
      %scan3A_212 = arith.addi %scan3A_210, %scan3A_211 : i32
      %scan3A_213 = arith.constant 1 : i32
      %scan3A_214 = scf.for %scan3A_315 = %scan3A_210 to %scan3A_212 step %scan3A_213 iter_args(%scan3A_316 = %scan3A_209) -> (i32)  : i32 {
        %get3A = arith.index_cast %scan3A_315 : i32 to index
        %get3A_317 = arith.constant 0 : index
        %get3A_318 = tpu.vector_load %arg11[%get3A, %get3A_317] {strides = array<i32>} : memref<80x128xf32, #tpu.memory_space<vmem>>, vector<1x16xf32>,
        %get3A_319 = vector.shape_cast %get3A_318 : vector<1x16xf32> to vector<16xf32>
        %get3A_320 = arith.index_cast %scan3A_315 : i32 to index
        %get3A_321 = arith.constant 0 : index
        %get3A_322 = tpu.vector_load %arg13[%get3A_320, %get3A_321] {strides = array<i32>} : memref<80x128xf32, #tpu.memory_space<vmem>>, vector<1x16xf32>,
        %get3A_323 = vector.shape_cast %get3A_322 : vector<1x16xf32> to vector<16xf32>
        %add3A_324 = arith.addf %get3A_319, %get3A_323 : vector<16xf32>
        %neg3A = arith.constant 0.000000e+00 : f32
        %neg3A_325 = vector.broadcast %neg3A : f32 to vector<16xf32>
        %neg3A_326 = arith.subf %neg3A_325, %add3A_324 : vector<16xf32>
        %exp3A = math.exp %neg3A_326 : vector<16xf32>
        %add3A_327 = arith.constant 1.000000e+00 : f32
        %add3A_328 = vector.broadcast %add3A_327 : f32 to vector<16xf32>
        %add3A_329 = arith.addf %add3A_328, %exp3A : vector<16xf32>
        %div3A = arith.divf %add3A_324, %add3A_329 : vector<16xf32>
        %swap3A = arith.index_cast %scan3A_315 : i32 to index
        %swap3A_330 = arith.constant 0 : index
        %swap3A_331 = tpu.vector_load %arg13[%swap3A, %swap3A_330] {strides = array<i32>} : memref<80x128xf32, #tpu.memory_space<vmem>>, vector<1x16xf32>,
        %swap3A_332 = vector.shape_cast %swap3A_331 : vector<1x16xf32> to vector<16xf32>
        %swap3A_333 = vector.shape_cast %div3A : vector<16xf32> to vector<1x16xf32>
        tpu.vector_store %arg13[%swap3A, %swap3A_330], %swap3A_333 {strides = array<i32>} : memref<80x128xf32, #tpu.memory_space<vmem>>, vector<1x16xf32>,
        %get3A_334 = arith.index_cast %scan3A_315 : i32 to index
        %get3A_335 = arith.constant 16 : index
        %get3A_336 = tpu.vector_load %arg11[%get3A_334, %get3A_335] {strides = array<i32>} : memref<80x128xf32, #tpu.memory_space<vmem>>, vector<1x16xf32>,
        %get3A_337 = vector.shape_cast %get3A_336 : vector<1x16xf32> to vector<16xf32>
        %get3A_338 = arith.index_cast %scan3A_315 : i32 to index
        %get3A_339 = arith.constant 16 : index
        %get3A_340 = tpu.vector_load %arg13[%get3A_338, %get3A_339] {strides = array<i32>} : memref<80x128xf32, #tpu.memory_space<vmem>>, vector<1x16xf32>,
        %get3A_341 = vector.shape_cast %get3A_340 : vector<1x16xf32> to vector<16xf32>
        %add3A_342 = arith.addf %get3A_337, %get3A_341 : vector<16xf32>
        %neg3A_343 = arith.constant 0.000000e+00 : f32
        %neg3A_344 = vector.broadcast %neg3A_343 : f32 to vector<16xf32>
        %neg3A_345 = arith.subf %neg3A_344, %add3A_342 : vector<16xf32>
        %exp3A_346 = math.exp %neg3A_345 : vector<16xf32>
        %add3A_347 = arith.constant 1.000000e+00 : f32
        %add3A_348 = vector.broadcast %add3A_347 : f32 to vector<16xf32>
        %add3A_349 = arith.addf %add3A_348, %exp3A_346 : vector<16xf32>
        %div3A_350 = arith.divf %add3A_342, %add3A_349 : vector<16xf32>
        %swap3A_351 = arith.index_cast %scan3A_315 : i32 to index
        %swap3A_352 = arith.constant 16 : index
        %swap3A_353 = tpu.vector_load %arg13[%swap3A_351, %swap3A_352] {strides = array<i32>} : memref<80x128xf32, #tpu.memory_space<vmem>>, vector<1x16xf32>,
        %swap3A_354 = vector.shape_cast %swap3A_353 : vector<1x16xf32> to vector<16xf32>
        %swap3A_355 = vector.shape_cast %div3A_350 : vector<16xf32> to vector<1x16xf32>
        tpu.vector_store %arg13[%swap3A_351, %swap3A_352], %swap3A_355 {strides = array<i32>} : memref<80x128xf32, #tpu.memory_space<vmem>>, vector<1x16xf32>,
        %get3A_356 = arith.index_cast %scan3A_315 : i32 to index
        %get3A_357 = arith.constant 32 : index
        %get3A_358 = tpu.vector_load %arg11[%get3A_356, %get3A_357] {strides = array<i32>} : memref<80x128xf32, #tpu.memory_space<vmem>>, vector<1x16xf32>,
        %get3A_359 = vector.shape_cast %get3A_358 : vector<1x16xf32> to vector<16xf32>
        %get3A_360 = arith.index_cast %scan3A_315 : i32 to index
        %get3A_361 = arith.constant 32 : index
        %get3A_362 = tpu.vector_load %arg13[%get3A_360, %get3A_361] {strides = array<i32>} : memref<80x128xf32, #tpu.memory_space<vmem>>, vector<1x16xf32>,
        %get3A_363 = vector.shape_cast %get3A_362 : vector<1x16xf32> to vector<16xf32>
        %add3A_364 = arith.addf %get3A_359, %get3A_363 : vector<16xf32>
        %neg3A_365 = arith.constant 0.000000e+00 : f32
        %neg3A_366 = vector.broadcast %neg3A_365 : f32 to vector<16xf32>
        %neg3A_367 = arith.subf %neg3A_366, %add3A_364 : vector<16xf32>
        %exp3A_368 = math.exp %neg3A_367 : vector<16xf32>
        %add3A_369 = arith.constant 1.000000e+00 : f32
        %add3A_370 = vector.broadcast %add3A_369 : f32 to vector<16xf32>
        %add3A_371 = arith.addf %add3A_370, %exp3A_368 : vector<16xf32>
        %div3A_372 = arith.divf %add3A_364, %add3A_371 : vector<16xf32>
        %swap3A_373 = arith.index_cast %scan3A_315 : i32 to index
        %swap3A_374 = arith.constant 32 : index
        %swap3A_375 = tpu.vector_load %arg13[%swap3A_373, %swap3A_374] {strides = array<i32>} : memref<80x128xf32, #tpu.memory_space<vmem>>, vector<1x16xf32>,
        %swap3A_376 = vector.shape_cast %swap3A_375 : vector<1x16xf32> to vector<16xf32>
        %swap3A_377 = vector.shape_cast %div3A_372 : vector<16xf32> to vector<1x16xf32>
        tpu.vector_store %arg13[%swap3A_373, %swap3A_374], %swap3A_377 {strides = array<i32>} : memref<80x128xf32, #tpu.memory_space<vmem>>, vector<1x16xf32>,
        %get3A_378 = arith.index_cast %scan3A_315 : i32 to index
        %get3A_379 = arith.constant 48 : index
        %get3A_380 = tpu.vector_load %arg11[%get3A_378, %get3A_379] {strides = array<i32>} : memref<80x128xf32, #tpu.memory_space<vmem>>, vector<1x16xf32>,
        %get3A_381 = vector.shape_cast %get3A_380 : vector<1x16xf32> to vector<16xf32>
        %get3A_382 = arith.index_cast %scan3A_315 : i32 to index
        %get3A_383 = arith.constant 48 : index
        %get3A_384 = tpu.vector_load %arg13[%get3A_382, %get3A_383] {strides = array<i32>} : memref<80x128xf32, #tpu.memory_space<vmem>>, vector<1x16xf32>,
        %get3A_385 = vector.shape_cast %get3A_384 : vector<1x16xf32> to vector<16xf32>
        %add3A_386 = arith.addf %get3A_381, %get3A_385 : vector<16xf32>
        %neg3A_387 = arith.constant 0.000000e+00 : f32
        %neg3A_388 = vector.broadcast %neg3A_387 : f32 to vector<16xf32>
        %neg3A_389 = arith.subf %neg3A_388, %add3A_386 : vector<16xf32>
        %exp3A_390 = math.exp %neg3A_389 : vector<16xf32>
        %add3A_391 = arith.constant 1.000000e+00 : f32
        %add3A_392 = vector.broadcast %add3A_391 : f32 to vector<16xf32>
        %add3A_393 = arith.addf %add3A_392, %exp3A_390 : vector<16xf32>
        %div3A_394 = arith.divf %add3A_386, %add3A_393 : vector<16xf32>
        %swap3A_395 = arith.index_cast %scan3A_315 : i32 to index
        %swap3A_396 = arith.constant 48 : index
        %swap3A_397 = tpu.vector_load %arg13[%swap3A_395, %swap3A_396] {strides = array<i32>} : memref<80x128xf32, #tpu.memory_space<vmem>>, vector<1x16xf32>,
        %swap3A_398 = vector.shape_cast %swap3A_397 : vector<1x16xf32> to vector<16xf32>
        %swap3A_399 = vector.shape_cast %div3A_394 : vector<16xf32> to vector<1x16xf32>
        tpu.vector_store %arg13[%swap3A_395, %swap3A_396], %swap3A_399 {strides = array<i32>} : memref<80x128xf32, #tpu.memory_space<vmem>>, vector<1x16xf32>,
        %get3A_400 = arith.index_cast %scan3A_315 : i32 to index
        %get3A_401 = arith.constant 64 : index
        %get3A_402 = tpu.vector_load %arg11[%get3A_400, %get3A_401] {strides = array<i32>} : memref<80x128xf32, #tpu.memory_space<vmem>>, vector<1x16xf32>,
        %get3A_403 = vector.shape_cast %get3A_402 : vector<1x16xf32> to vector<16xf32>
        %get3A_404 = arith.index_cast %scan3A_315 : i32 to index
        %get3A_405 = arith.constant 64 : index
        %get3A_406 = tpu.vector_load %arg13[%get3A_404, %get3A_405] {strides = array<i32>} : memref<80x128xf32, #tpu.memory_space<vmem>>, vector<1x16xf32>,
        %get3A_407 = vector.shape_cast %get3A_406 : vector<1x16xf32> to vector<16xf32>
        %add3A_408 = arith.addf %get3A_403, %get3A_407 : vector<16xf32>
        %neg3A_409 = arith.constant 0.000000e+00 : f32
        %neg3A_410 = vector.broadcast %neg3A_409 : f32 to vector<16xf32>
        %neg3A_411 = arith.subf %neg3A_410, %add3A_408 : vector<16xf32>
        %exp3A_412 = math.exp %neg3A_411 : vector<16xf32>
        %add3A_413 = arith.constant 1.000000e+00 : f32
        %add3A_414 = vector.broadcast %add3A_413 : f32 to vector<16xf32>
        %add3A_415 = arith.addf %add3A_414, %exp3A_412 : vector<16xf32>
        %div3A_416 = arith.divf %add3A_408, %add3A_415 : vector<16xf32>
        %swap3A_417 = arith.index_cast %scan3A_315 : i32 to index
        %swap3A_418 = arith.constant 64 : index
        %swap3A_419 = tpu.vector_load %arg13[%swap3A_417, %swap3A_418] {strides = array<i32>} : memref<80x128xf32, #tpu.memory_space<vmem>>, vector<1x16xf32>,
        %swap3A_420 = vector.shape_cast %swap3A_419 : vector<1x16xf32> to vector<16xf32>
        %swap3A_421 = vector.shape_cast %div3A_416 : vector<16xf32> to vector<1x16xf32>
        tpu.vector_store %arg13[%swap3A_417, %swap3A_418], %swap3A_421 {strides = array<i32>} : memref<80x128xf32, #tpu.memory_space<vmem>>, vector<1x16xf32>,
        %get3A_422 = arith.index_cast %scan3A_315 : i32 to index
        %get3A_423 = arith.constant 80 : index
        %get3A_424 = tpu.vector_load %arg11[%get3A_422, %get3A_423] {strides = array<i32>} : memref<80x128xf32, #tpu.memory_space<vmem>>, vector<1x16xf32>,
        %get3A_425 = vector.shape_cast %get3A_424 : vector<1x16xf32> to vector<16xf32>
        %get3A_426 = arith.index_cast %scan3A_315 : i32 to index
        %get3A_427 = arith.constant 80 : index
        %get3A_428 = tpu.vector_load %arg13[%get3A_426, %get3A_427] {strides = array<i32>} : memref<80x128xf32, #tpu.memory_space<vmem>>, vector<1x16xf32>,
        %get3A_429 = vector.shape_cast %get3A_428 : vector<1x16xf32> to vector<16xf32>
        %add3A_430 = arith.addf %get3A_425, %get3A_429 : vector<16xf32>
        %neg3A_431 = arith.constant 0.000000e+00 : f32
        %neg3A_432 = vector.broadcast %neg3A_431 : f32 to vector<16xf32>
        %neg3A_433 = arith.subf %neg3A_432, %add3A_430 : vector<16xf32>
        %exp3A_434 = math.exp %neg3A_433 : vector<16xf32>
        %add3A_435 = arith.constant 1.000000e+00 : f32
        %add3A_436 = vector.broadcast %add3A_435 : f32 to vector<16xf32>
        %add3A_437 = arith.addf %add3A_436, %exp3A_434 : vector<16xf32>
        %div3A_438 = arith.divf %add3A_430, %add3A_437 : vector<16xf32>
        %swap3A_439 = arith.index_cast %scan3A_315 : i32 to index
        %swap3A_440 = arith.constant 80 : index
        %swap3A_441 = tpu.vector_load %arg13[%swap3A_439, %swap3A_440] {strides = array<i32>} : memref<80x128xf32, #tpu.memory_space<vmem>>, vector<1x16xf32>,
        %swap3A_442 = vector.shape_cast %swap3A_441 : vector<1x16xf32> to vector<16xf32>
        %swap3A_443 = vector.shape_cast %div3A_438 : vector<16xf32> to vector<1x16xf32>
        tpu.vector_store %arg13[%swap3A_439, %swap3A_440], %swap3A_443 {strides = array<i32>} : memref<80x128xf32, #tpu.memory_space<vmem>>, vector<1x16xf32>,
        %get3A_444 = arith.index_cast %scan3A_315 : i32 to index
        %get3A_445 = arith.constant 96 : index
        %get3A_446 = tpu.vector_load %arg11[%get3A_444, %get3A_445] {strides = array<i32>} : memref<80x128xf32, #tpu.memory_space<vmem>>, vector<1x16xf32>,
        %get3A_447 = vector.shape_cast %get3A_446 : vector<1x16xf32> to vector<16xf32>
        %get3A_448 = arith.index_cast %scan3A_315 : i32 to index
        %get3A_449 = arith.constant 96 : index
        %get3A_450 = tpu.vector_load %arg13[%get3A_448, %get3A_449] {strides = array<i32>} : memref<80x128xf32, #tpu.memory_space<vmem>>, vector<1x16xf32>,
        %get3A_451 = vector.shape_cast %get3A_450 : vector<1x16xf32> to vector<16xf32>
        %add3A_452 = arith.addf %get3A_447, %get3A_451 : vector<16xf32>
        %neg3A_453 = arith.constant 0.000000e+00 : f32
        %neg3A_454 = vector.broadcast %neg3A_453 : f32 to vector<16xf32>
        %neg3A_455 = arith.subf %neg3A_454, %add3A_452 : vector<16xf32>
        %exp3A_456 = math.exp %neg3A_455 : vector<16xf32>
        %add3A_457 = arith.constant 1.000000e+00 : f32
        %add3A_458 = vector.broadcast %add3A_457 : f32 to vector<16xf32>
        %add3A_459 = arith.addf %add3A_458, %exp3A_456 : vector<16xf32>
        %div3A_460 = arith.divf %add3A_452, %add3A_459 : vector<16xf32>
        %swap3A_461 = arith.index_cast %scan3A_315 : i32 to index
        %swap3A_462 = arith.constant 96 : index
        %swap3A_463 = tpu.vector_load %arg13[%swap3A_461, %swap3A_462] {strides = array<i32>} : memref<80x128xf32, #tpu.memory_space<vmem>>, vector<1x16xf32>,
        %swap3A_464 = vector.shape_cast %swap3A_463 : vector<1x16xf32> to vector<16xf32>
        %swap3A_465 = vector.shape_cast %div3A_460 : vector<16xf32> to vector<1x16xf32>
        tpu.vector_store %arg13[%swap3A_461, %swap3A_462], %swap3A_465 {strides = array<i32>} : memref<80x128xf32, #tpu.memory_space<vmem>>, vector<1x16xf32>,
        %get3A_466 = arith.index_cast %scan3A_315 : i32 to index
        %get3A_467 = arith.constant 112 : index
        %get3A_468 = tpu.vector_load %arg11[%get3A_466, %get3A_467] {strides = array<i32>} : memref<80x128xf32, #tpu.memory_space<vmem>>, vector<1x16xf32>,
        %get3A_469 = vector.shape_cast %get3A_468 : vector<1x16xf32> to vector<16xf32>
        %get3A_470 = arith.index_cast %scan3A_315 : i32 to index
        %get3A_471 = arith.constant 112 : index
        %get3A_472 = tpu.vector_load %arg13[%get3A_470, %get3A_471] {strides = array<i32>} : memref<80x128xf32, #tpu.memory_space<vmem>>, vector<1x16xf32>,
        %get3A_473 = vector.shape_cast %get3A_472 : vector<1x16xf32> to vector<16xf32>
        %add3A_474 = arith.addf %get3A_469, %get3A_473 : vector<16xf32>
        %neg3A_475 = arith.constant 0.000000e+00 : f32
        %neg3A_476 = vector.broadcast %neg3A_475 : f32 to vector<16xf32>
        %neg3A_477 = arith.subf %neg3A_476, %add3A_474 : vector<16xf32>
        %exp3A_478 = math.exp %neg3A_477 : vector<16xf32>
        %add3A_479 = arith.constant 1.000000e+00 : f32
        %add3A_480 = vector.broadcast %add3A_479 : f32 to vector<16xf32>
        %add3A_481 = arith.addf %add3A_480, %exp3A_478 : vector<16xf32>
        %div3A_482 = arith.divf %add3A_474, %add3A_481 : vector<16xf32>
        %swap3A_483 = arith.index_cast %scan3A_315 : i32 to index
        %swap3A_484 = arith.constant 112 : index
        %swap3A_485 = tpu.vector_load %arg13[%swap3A_483, %swap3A_484] {strides = array<i32>} : memref<80x128xf32, #tpu.memory_space<vmem>>, vector<1x16xf32>,
        %swap3A_486 = vector.shape_cast %swap3A_485 : vector<1x16xf32> to vector<16xf32>
        %swap3A_487 = vector.shape_cast %div3A_482 : vector<16xf32> to vector<1x16xf32>
        tpu.vector_store %arg13[%swap3A_483, %swap3A_484], %swap3A_487 {strides = array<i32>} : memref<80x128xf32, #tpu.memory_space<vmem>>, vector<1x16xf32>,
        %scan3A_488 = arith.constant 0 : i32
        scf.yield %scan3A_488 : i32
      }
      %scan3A_215 = arith.constant 80 : i32
      %run_scoped3A_216 = arith.constant 1 : i32
      "tpu.region"() ({
        %run_scoped3A_315 = tpu.sem_alloc : memref<!tpu.dma_semaphore, #tpu.memory_space<semaphore_mem>>
        %dma_start3A_316 = arith.constant 0 : i32
        %dma_start3A_317 = tpu.memref_slice %arg7[%run_scoped3A_216, %dma_start3A_316] : memref<2x80xi32, #tpu.memory_space<vmem>> -> memref<1x80xi32, #tpu.memory_space<vmem>>
        %dma_start3A_318 = tpu.memref_squeeze %dma_start3A_317 : memref<1x80xi32, #tpu.memory_space<vmem>> -> memref<80xi32, #tpu.memory_space<vmem>>
        %dma_start3A_319 = arith.constant 0 : i32
        %dma_start3A_320 = arith.constant 0 : i32
        %dma_start3A_321 = tpu.memref_slice %arg6[%dma_start3A_319, %dma_start3A_320] : memref<10240x128xf32, #tpu.memory_space<vmem_shared>> -> memref<10240x128xf32, #tpu.memory_space<vmem_shared>>
        tpu.enqueue_indirect_dma source(%arg13 : memref<80x128xf32, #tpu.memory_space<vmem>>) target(%dma_start3A_321 : memref<10240x128xf32, #tpu.memory_space<vmem_shared>>) offsets(%dma_start3A_318 : memref<80xi32, #tpu.memory_space<vmem>>) semaphore(%run_scoped3A_315 : memref<!tpu.dma_semaphore, #tpu.memory_space<semaphore_mem>>) {add = true}
        %dma_wait3A_322 = arith.constant 0 : i32
        %dma_wait3A_323 = tpu.memref_slice %arg7[%run_scoped3A_216, %dma_wait3A_322] : memref<2x80xi32, #tpu.memory_space<vmem>> -> memref<1x80xi32, #tpu.memory_space<vmem>>
        %dma_wait3A_324 = tpu.memref_squeeze %dma_wait3A_323 : memref<1x80xi32, #tpu.memory_space<vmem>> -> memref<80xi32, #tpu.memory_space<vmem>>
        %dma_wait3A_325 = arith.constant 0 : i32
        %dma_wait3A_326 = arith.constant 0 : i32
        %dma_wait3A_327 = tpu.memref_slice %arg6[%dma_wait3A_325, %dma_wait3A_326] : memref<10240x128xf32, #tpu.memory_space<vmem_shared>> -> memref<10240x128xf32, #tpu.memory_space<vmem_shared>>
        tpu.wait_indirect_dma semaphore(%run_scoped3A_315 : memref<!tpu.dma_semaphore, #tpu.memory_space<semaphore_mem>>) src(%arg13 : memref<80x128xf32, #tpu.memory_space<vmem>>) dst(%dma_wait3A_327 : memref<10240x128xf32, #tpu.memory_space<vmem_shared>>)
        tpu.yield
      }) : () -> ()
      %add3A_217 = arith.constant 2 : i32
      %add3A_218 = arith.addi %add3A_194, %add3A_217 : i32
      %lt3A = arith.constant 125 : i32
      %lt3A_219 = arith.cmpi slt, %add3A_218, %lt3A : i32
      %convert_element_type3A = arith.extui %lt3A_219 : i1 to i32
      %cond3A = arith.constant 0 : i32
      %cond3A_220 = arith.cmpi ne, %convert_element_type3A, %cond3A : i32
      scf.if %cond3A_220 {
        %add3A_315 = arith.constant 2 : i32
        %add3A_316 = arith.addi %add3A_194, %add3A_315 : i32
        %add3A_317 = arith.addi %mul3A_42, %add3A_316 : i32
        %dma_wait3A_318 = arith.constant 0 : i32
        %dma_wait3A_319 = arith.constant 0 : i32
        %dma_wait3A_320 = tpu.memref_slice %arg4[%add3A_317, %dma_wait3A_318, %dma_wait3A_319] : memref<4000x2x80xi32, #tpu.memory_space<hbm>> -> memref<1x2x80xi32, #tpu.memory_space<hbm>>
        %dma_wait3A_321 = tpu.memref_squeeze %dma_wait3A_320 : memref<1x2x80xi32, #tpu.memory_space<hbm>> -> memref<2x80xi32, #tpu.memory_space<hbm>>
        %dma_wait3A_322 = arith.constant 0 : i32
        %dma_wait3A_323 = arith.constant 0 : i32
        %dma_wait3A_324 = tpu.memref_slice %arg4[%add3A_317, %dma_wait3A_322, %dma_wait3A_323] : memref<4000x2x80xi32, #tpu.memory_space<hbm>> -> memref<1x2x80xi32, #tpu.memory_space<hbm>>
        %dma_wait3A_325 = tpu.memref_squeeze %dma_wait3A_324 : memref<1x2x80xi32, #tpu.memory_space<hbm>> -> memref<2x80xi32, #tpu.memory_space<hbm>>
        tpu.wait_dma2 semaphore(%arg19 : memref<!tpu.dma_semaphore, #tpu.memory_space<semaphore_mem>>) src(%dma_wait3A_325 : memref<2x80xi32, #tpu.memory_space<hbm>>) dst(%arg9 : memref<2x80xi32, #tpu.memory_space<vmem>>)
        %dma_start3A_326 = arith.constant 0 : i32
        %dma_start3A_327 = arith.constant 0 : i32
        %dma_start3A_328 = tpu.memref_slice %arg9[%dma_start3A_326, %dma_start3A_327] : memref<2x80xi32, #tpu.memory_space<vmem>> -> memref<1x80xi32, #tpu.memory_space<vmem>>
        %dma_start3A_329 = tpu.memref_squeeze %dma_start3A_328 : memref<1x80xi32, #tpu.memory_space<vmem>> -> memref<80xi32, #tpu.memory_space<vmem>>
        %dma_start3A_330 = arith.constant 0 : i32
        %dma_start3A_331 = arith.constant 0 : i32
        %dma_start3A_332 = tpu.memref_slice %arg2[%dma_start3A_330, %dma_start3A_331] : memref<10000x128xf32, #tpu.memory_space<hbm>> -> memref<10000x128xf32, #tpu.memory_space<hbm>>
        tpu.enqueue_indirect_dma source(%dma_start3A_332 : memref<10000x128xf32, #tpu.memory_space<hbm>>) target(%arg11 : memref<80x128xf32, #tpu.memory_space<vmem>>) offsets(%dma_start3A_329 : memref<80xi32, #tpu.memory_space<vmem>>) semaphore(%arg15 : memref<!tpu.dma_semaphore, #tpu.memory_space<semaphore_mem>>)
        %mul3A_333 = arith.constant 80 : i32
        %mul3A_334 = arith.muli %add3A_316, %mul3A_333 : i32
        %add3A_335 = arith.addi %mul3A_40, %mul3A_334 : i32
        %dma_start3A_336 = arith.constant 0 : i32
        %dma_start3A_337 = tpu.memref_slice %arg3[%add3A_335, %dma_start3A_336] : memref<320000x128xf32, #tpu.memory_space<hbm>> -> memref<80x128xf32, #tpu.memory_space<hbm>>
        %dma_start3A_338 = arith.constant 0 : i32
        %dma_start3A_339 = tpu.memref_slice %arg3[%add3A_335, %dma_start3A_338] : memref<320000x128xf32, #tpu.memory_space<hbm>> -> memref<80x128xf32, #tpu.memory_space<hbm>>
        tpu.enqueue_dma source(%dma_start3A_339 : memref<80x128xf32, #tpu.memory_space<hbm>>) target(%arg13 : memref<80x128xf32, #tpu.memory_space<vmem>>) target_semaphore(%arg17 : memref<!tpu.dma_semaphore, #tpu.memory_space<semaphore_mem>>)
        %add3A_340 = arith.constant 2 : i32
        %add3A_341 = arith.addi %add3A_316, %add3A_340 : i32
        %lt3A_342 = arith.constant 125 : i32
        %lt3A_343 = arith.cmpi slt, %add3A_341, %lt3A_342 : i32
        %convert_element_type3A_344 = arith.extui %lt3A_343 : i1 to i32
        %cond3A_345 = arith.constant 0 : i32
        %cond3A_346 = arith.cmpi ne, %convert_element_type3A_344, %cond3A_345 : i32
        scf.if %cond3A_346 {
          %add3A_347 = arith.addi %mul3A_42, %add3A_316 : i32
          %add3A_348 = arith.constant 2 : i32
          %add3A_349 = arith.addi %add3A_347, %add3A_348 : i32
          %dma_start3A_350 = arith.constant 0 : i32
          %dma_start3A_351 = arith.constant 0 : i32
          %dma_start3A_352 = tpu.memref_slice %arg4[%add3A_349, %dma_start3A_350, %dma_start3A_351] : memref<4000x2x80xi32, #tpu.memory_space<hbm>> -> memref<1x2x80xi32, #tpu.memory_space<hbm>>
          %dma_start3A_353 = tpu.memref_squeeze %dma_start3A_352 : memref<1x2x80xi32, #tpu.memory_space<hbm>> -> memref<2x80xi32, #tpu.memory_space<hbm>>
          %dma_start3A_354 = arith.constant 0 : i32
          %dma_start3A_355 = arith.constant 0 : i32
          %dma_start3A_356 = tpu.memref_slice %arg4[%add3A_349, %dma_start3A_354, %dma_start3A_355] : memref<4000x2x80xi32, #tpu.memory_space<hbm>> -> memref<1x2x80xi32, #tpu.memory_space<hbm>>
          %dma_start3A_357 = tpu.memref_squeeze %dma_start3A_356 : memref<1x2x80xi32, #tpu.memory_space<hbm>> -> memref<2x80xi32, #tpu.memory_space<hbm>>
          tpu.enqueue_dma source(%dma_start3A_357 : memref<2x80xi32, #tpu.memory_space<hbm>>) target(%arg7 : memref<2x80xi32, #tpu.memory_space<vmem>>) target_semaphore(%arg19 : memref<!tpu.dma_semaphore, #tpu.memory_space<semaphore_mem>>)
        } else {
        }
      } else {
      }
      %add3A_221 = arith.constant 1 : i32
      %add3A_222 = arith.addi %mul3A_192, %add3A_221 : i32
      %dma_wait3A_223 = arith.constant 0 : i32
      %dma_wait3A_224 = arith.constant 0 : i32
      %dma_wait3A_225 = tpu.memref_slice %arg8[%dma_wait3A_223, %dma_wait3A_224] : memref<2x80xi32, #tpu.memory_space<vmem>> -> memref<1x80xi32, #tpu.memory_space<vmem>>
      %dma_wait3A_226 = tpu.memref_squeeze %dma_wait3A_225 : memref<1x80xi32, #tpu.memory_space<vmem>> -> memref<80xi32, #tpu.memory_space<vmem>>
      %dma_wait3A_227 = arith.constant 0 : i32
      %dma_wait3A_228 = arith.constant 0 : i32
      %dma_wait3A_229 = tpu.memref_slice %arg2[%dma_wait3A_227, %dma_wait3A_228] : memref<10000x128xf32, #tpu.memory_space<hbm>> -> memref<10000x128xf32, #tpu.memory_space<hbm>>
      tpu.wait_indirect_dma semaphore(%arg16 : memref<!tpu.dma_semaphore, #tpu.memory_space<semaphore_mem>>) src(%dma_wait3A_229 : memref<10000x128xf32, #tpu.memory_space<hbm>>) dst(%arg12 : memref<80x128xf32, #tpu.memory_space<vmem>>)
      %mul3A_230 = arith.constant 80 : i32
      %mul3A_231 = arith.muli %add3A_222, %mul3A_230 : i32
      %add3A_232 = arith.addi %mul3A_40, %mul3A_231 : i32
      %dma_wait3A_233 = arith.constant 0 : i32
      %dma_wait3A_234 = tpu.memref_slice %arg3[%add3A_232, %dma_wait3A_233] : memref<320000x128xf32, #tpu.memory_space<hbm>> -> memref<80x128xf32, #tpu.memory_space<hbm>>
      %dma_wait3A_235 = arith.constant 0 : i32
      %dma_wait3A_236 = tpu.memref_slice %arg3[%add3A_232, %dma_wait3A_235] : memref<320000x128xf32, #tpu.memory_space<hbm>> -> memref<80x128xf32, #tpu.memory_space<hbm>>
      tpu.wait_dma2 semaphore(%arg18 : memref<!tpu.dma_semaphore, #tpu.memory_space<semaphore_mem>>) src(%dma_wait3A_236 : memref<80x128xf32, #tpu.memory_space<hbm>>) dst(%arg14 : memref<80x128xf32, #tpu.memory_space<vmem>>)
      %scan3A_237 = arith.constant 0 : i32
      %scan3A_238 = arith.constant 0 : i32
      %scan3A_239 = arith.constant 80 : i32
      %scan3A_240 = arith.addi %scan3A_238, %scan3A_239 : i32
      %scan3A_241 = arith.constant 1 : i32
      %scan3A_242 = scf.for %scan3A_315 = %scan3A_238 to %scan3A_240 step %scan3A_241 iter_args(%scan3A_316 = %scan3A_237) -> (i32)  : i32 {
        %get3A = arith.index_cast %scan3A_315 : i32 to index
        %get3A_317 = arith.constant 0 : index
        %get3A_318 = tpu.vector_load %arg12[%get3A, %get3A_317] {strides = array<i32>} : memref<80x128xf32, #tpu.memory_space<vmem>>, vector<1x16xf32>,
        %get3A_319 = vector.shape_cast %get3A_318 : vector<1x16xf32> to vector<16xf32>
        %get3A_320 = arith.index_cast %scan3A_315 : i32 to index
        %get3A_321 = arith.constant 0 : index
        %get3A_322 = tpu.vector_load %arg14[%get3A_320, %get3A_321] {strides = array<i32>} : memref<80x128xf32, #tpu.memory_space<vmem>>, vector<1x16xf32>,
        %get3A_323 = vector.shape_cast %get3A_322 : vector<1x16xf32> to vector<16xf32>
        %add3A_324 = arith.addf %get3A_319, %get3A_323 : vector<16xf32>
        %neg3A = arith.constant 0.000000e+00 : f32
        %neg3A_325 = vector.broadcast %neg3A : f32 to vector<16xf32>
        %neg3A_326 = arith.subf %neg3A_325, %add3A_324 : vector<16xf32>
        %exp3A = math.exp %neg3A_326 : vector<16xf32>
        %add3A_327 = arith.constant 1.000000e+00 : f32
        %add3A_328 = vector.broadcast %add3A_327 : f32 to vector<16xf32>
        %add3A_329 = arith.addf %add3A_328, %exp3A : vector<16xf32>
        %div3A = arith.divf %add3A_324, %add3A_329 : vector<16xf32>
        %swap3A = arith.index_cast %scan3A_315 : i32 to index
        %swap3A_330 = arith.constant 0 : index
        %swap3A_331 = tpu.vector_load %arg14[%swap3A, %swap3A_330] {strides = array<i32>} : memref<80x128xf32, #tpu.memory_space<vmem>>, vector<1x16xf32>,
        %swap3A_332 = vector.shape_cast %swap3A_331 : vector<1x16xf32> to vector<16xf32>
        %swap3A_333 = vector.shape_cast %div3A : vector<16xf32> to vector<1x16xf32>
        tpu.vector_store %arg14[%swap3A, %swap3A_330], %swap3A_333 {strides = array<i32>} : memref<80x128xf32, #tpu.memory_space<vmem>>, vector<1x16xf32>,
        %get3A_334 = arith.index_cast %scan3A_315 : i32 to index
        %get3A_335 = arith.constant 16 : index
        %get3A_336 = tpu.vector_load %arg12[%get3A_334, %get3A_335] {strides = array<i32>} : memref<80x128xf32, #tpu.memory_space<vmem>>, vector<1x16xf32>,
        %get3A_337 = vector.shape_cast %get3A_336 : vector<1x16xf32> to vector<16xf32>
        %get3A_338 = arith.index_cast %scan3A_315 : i32 to index
        %get3A_339 = arith.constant 16 : index
        %get3A_340 = tpu.vector_load %arg14[%get3A_338, %get3A_339] {strides = array<i32>} : memref<80x128xf32, #tpu.memory_space<vmem>>, vector<1x16xf32>,
        %get3A_341 = vector.shape_cast %get3A_340 : vector<1x16xf32> to vector<16xf32>
        %add3A_342 = arith.addf %get3A_337, %get3A_341 : vector<16xf32>
        %neg3A_343 = arith.constant 0.000000e+00 : f32
        %neg3A_344 = vector.broadcast %neg3A_343 : f32 to vector<16xf32>
        %neg3A_345 = arith.subf %neg3A_344, %add3A_342 : vector<16xf32>
        %exp3A_346 = math.exp %neg3A_345 : vector<16xf32>
        %add3A_347 = arith.constant 1.000000e+00 : f32
        %add3A_348 = vector.broadcast %add3A_347 : f32 to vector<16xf32>
        %add3A_349 = arith.addf %add3A_348, %exp3A_346 : vector<16xf32>
        %div3A_350 = arith.divf %add3A_342, %add3A_349 : vector<16xf32>
        %swap3A_351 = arith.index_cast %scan3A_315 : i32 to index
        %swap3A_352 = arith.constant 16 : index
        %swap3A_353 = tpu.vector_load %arg14[%swap3A_351, %swap3A_352] {strides = array<i32>} : memref<80x128xf32, #tpu.memory_space<vmem>>, vector<1x16xf32>,
        %swap3A_354 = vector.shape_cast %swap3A_353 : vector<1x16xf32> to vector<16xf32>
        %swap3A_355 = vector.shape_cast %div3A_350 : vector<16xf32> to vector<1x16xf32>
        tpu.vector_store %arg14[%swap3A_351, %swap3A_352], %swap3A_355 {strides = array<i32>} : memref<80x128xf32, #tpu.memory_space<vmem>>, vector<1x16xf32>,
        %get3A_356 = arith.index_cast %scan3A_315 : i32 to index
        %get3A_357 = arith.constant 32 : index
        %get3A_358 = tpu.vector_load %arg12[%get3A_356, %get3A_357] {strides = array<i32>} : memref<80x128xf32, #tpu.memory_space<vmem>>, vector<1x16xf32>,
        %get3A_359 = vector.shape_cast %get3A_358 : vector<1x16xf32> to vector<16xf32>
        %get3A_360 = arith.index_cast %scan3A_315 : i32 to index
        %get3A_361 = arith.constant 32 : index
        %get3A_362 = tpu.vector_load %arg14[%get3A_360, %get3A_361] {strides = array<i32>} : memref<80x128xf32, #tpu.memory_space<vmem>>, vector<1x16xf32>,
        %get3A_363 = vector.shape_cast %get3A_362 : vector<1x16xf32> to vector<16xf32>
        %add3A_364 = arith.addf %get3A_359, %get3A_363 : vector<16xf32>
        %neg3A_365 = arith.constant 0.000000e+00 : f32
        %neg3A_366 = vector.broadcast %neg3A_365 : f32 to vector<16xf32>
        %neg3A_367 = arith.subf %neg3A_366, %add3A_364 : vector<16xf32>
        %exp3A_368 = math.exp %neg3A_367 : vector<16xf32>
        %add3A_369 = arith.constant 1.000000e+00 : f32
        %add3A_370 = vector.broadcast %add3A_369 : f32 to vector<16xf32>
        %add3A_371 = arith.addf %add3A_370, %exp3A_368 : vector<16xf32>
        %div3A_372 = arith.divf %add3A_364, %add3A_371 : vector<16xf32>
        %swap3A_373 = arith.index_cast %scan3A_315 : i32 to index
        %swap3A_374 = arith.constant 32 : index
        %swap3A_375 = tpu.vector_load %arg14[%swap3A_373, %swap3A_374] {strides = array<i32>} : memref<80x128xf32, #tpu.memory_space<vmem>>, vector<1x16xf32>,
        %swap3A_376 = vector.shape_cast %swap3A_375 : vector<1x16xf32> to vector<16xf32>
        %swap3A_377 = vector.shape_cast %div3A_372 : vector<16xf32> to vector<1x16xf32>
        tpu.vector_store %arg14[%swap3A_373, %swap3A_374], %swap3A_377 {strides = array<i32>} : memref<80x128xf32, #tpu.memory_space<vmem>>, vector<1x16xf32>,
        %get3A_378 = arith.index_cast %scan3A_315 : i32 to index
        %get3A_379 = arith.constant 48 : index
        %get3A_380 = tpu.vector_load %arg12[%get3A_378, %get3A_379] {strides = array<i32>} : memref<80x128xf32, #tpu.memory_space<vmem>>, vector<1x16xf32>,
        %get3A_381 = vector.shape_cast %get3A_380 : vector<1x16xf32> to vector<16xf32>
        %get3A_382 = arith.index_cast %scan3A_315 : i32 to index
        %get3A_383 = arith.constant 48 : index
        %get3A_384 = tpu.vector_load %arg14[%get3A_382, %get3A_383] {strides = array<i32>} : memref<80x128xf32, #tpu.memory_space<vmem>>, vector<1x16xf32>,
        %get3A_385 = vector.shape_cast %get3A_384 : vector<1x16xf32> to vector<16xf32>
        %add3A_386 = arith.addf %get3A_381, %get3A_385 : vector<16xf32>
        %neg3A_387 = arith.constant 0.000000e+00 : f32
        %neg3A_388 = vector.broadcast %neg3A_387 : f32 to vector<16xf32>
        %neg3A_389 = arith.subf %neg3A_388, %add3A_386 : vector<16xf32>
        %exp3A_390 = math.exp %neg3A_389 : vector<16xf32>
        %add3A_391 = arith.constant 1.000000e+00 : f32
        %add3A_392 = vector.broadcast %add3A_391 : f32 to vector<16xf32>
        %add3A_393 = arith.addf %add3A_392, %exp3A_390 : vector<16xf32>
        %div3A_394 = arith.divf %add3A_386, %add3A_393 : vector<16xf32>
        %swap3A_395 = arith.index_cast %scan3A_315 : i32 to index
        %swap3A_396 = arith.constant 48 : index
        %swap3A_397 = tpu.vector_load %arg14[%swap3A_395, %swap3A_396] {strides = array<i32>} : memref<80x128xf32, #tpu.memory_space<vmem>>, vector<1x16xf32>,
        %swap3A_398 = vector.shape_cast %swap3A_397 : vector<1x16xf32> to vector<16xf32>
        %swap3A_399 = vector.shape_cast %div3A_394 : vector<16xf32> to vector<1x16xf32>
        tpu.vector_store %arg14[%swap3A_395, %swap3A_396], %swap3A_399 {strides = array<i32>} : memref<80x128xf32, #tpu.memory_space<vmem>>, vector<1x16xf32>,
        %get3A_400 = arith.index_cast %scan3A_315 : i32 to index
        %get3A_401 = arith.constant 64 : index
        %get3A_402 = tpu.vector_load %arg12[%get3A_400, %get3A_401] {strides = array<i32>} : memref<80x128xf32, #tpu.memory_space<vmem>>, vector<1x16xf32>,
        %get3A_403 = vector.shape_cast %get3A_402 : vector<1x16xf32> to vector<16xf32>
        %get3A_404 = arith.index_cast %scan3A_315 : i32 to index
        %get3A_405 = arith.constant 64 : index
        %get3A_406 = tpu.vector_load %arg14[%get3A_404, %get3A_405] {strides = array<i32>} : memref<80x128xf32, #tpu.memory_space<vmem>>, vector<1x16xf32>,
        %get3A_407 = vector.shape_cast %get3A_406 : vector<1x16xf32> to vector<16xf32>
        %add3A_408 = arith.addf %get3A_403, %get3A_407 : vector<16xf32>
        %neg3A_409 = arith.constant 0.000000e+00 : f32
        %neg3A_410 = vector.broadcast %neg3A_409 : f32 to vector<16xf32>
        %neg3A_411 = arith.subf %neg3A_410, %add3A_408 : vector<16xf32>
        %exp3A_412 = math.exp %neg3A_411 : vector<16xf32>
        %add3A_413 = arith.constant 1.000000e+00 : f32
        %add3A_414 = vector.broadcast %add3A_413 : f32 to vector<16xf32>
        %add3A_415 = arith.addf %add3A_414, %exp3A_412 : vector<16xf32>
        %div3A_416 = arith.divf %add3A_408, %add3A_415 : vector<16xf32>
        %swap3A_417 = arith.index_cast %scan3A_315 : i32 to index
        %swap3A_418 = arith.constant 64 : index
        %swap3A_419 = tpu.vector_load %arg14[%swap3A_417, %swap3A_418] {strides = array<i32>} : memref<80x128xf32, #tpu.memory_space<vmem>>, vector<1x16xf32>,
        %swap3A_420 = vector.shape_cast %swap3A_419 : vector<1x16xf32> to vector<16xf32>
        %swap3A_421 = vector.shape_cast %div3A_416 : vector<16xf32> to vector<1x16xf32>
        tpu.vector_store %arg14[%swap3A_417, %swap3A_418], %swap3A_421 {strides = array<i32>} : memref<80x128xf32, #tpu.memory_space<vmem>>, vector<1x16xf32>,
        %get3A_422 = arith.index_cast %scan3A_315 : i32 to index
        %get3A_423 = arith.constant 80 : index
        %get3A_424 = tpu.vector_load %arg12[%get3A_422, %get3A_423] {strides = array<i32>} : memref<80x128xf32, #tpu.memory_space<vmem>>, vector<1x16xf32>,
        %get3A_425 = vector.shape_cast %get3A_424 : vector<1x16xf32> to vector<16xf32>
        %get3A_426 = arith.index_cast %scan3A_315 : i32 to index
        %get3A_427 = arith.constant 80 : index
        %get3A_428 = tpu.vector_load %arg14[%get3A_426, %get3A_427] {strides = array<i32>} : memref<80x128xf32, #tpu.memory_space<vmem>>, vector<1x16xf32>,
        %get3A_429 = vector.shape_cast %get3A_428 : vector<1x16xf32> to vector<16xf32>
        %add3A_430 = arith.addf %get3A_425, %get3A_429 : vector<16xf32>
        %neg3A_431 = arith.constant 0.000000e+00 : f32
        %neg3A_432 = vector.broadcast %neg3A_431 : f32 to vector<16xf32>
        %neg3A_433 = arith.subf %neg3A_432, %add3A_430 : vector<16xf32>
        %exp3A_434 = math.exp %neg3A_433 : vector<16xf32>
        %add3A_435 = arith.constant 1.000000e+00 : f32
        %add3A_436 = vector.broadcast %add3A_435 : f32 to vector<16xf32>
        %add3A_437 = arith.addf %add3A_436, %exp3A_434 : vector<16xf32>
        %div3A_438 = arith.divf %add3A_430, %add3A_437 : vector<16xf32>
        %swap3A_439 = arith.index_cast %scan3A_315 : i32 to index
        %swap3A_440 = arith.constant 80 : index
        %swap3A_441 = tpu.vector_load %arg14[%swap3A_439, %swap3A_440] {strides = array<i32>} : memref<80x128xf32, #tpu.memory_space<vmem>>, vector<1x16xf32>,
        %swap3A_442 = vector.shape_cast %swap3A_441 : vector<1x16xf32> to vector<16xf32>
        %swap3A_443 = vector.shape_cast %div3A_438 : vector<16xf32> to vector<1x16xf32>
        tpu.vector_store %arg14[%swap3A_439, %swap3A_440], %swap3A_443 {strides = array<i32>} : memref<80x128xf32, #tpu.memory_space<vmem>>, vector<1x16xf32>,
        %get3A_444 = arith.index_cast %scan3A_315 : i32 to index
        %get3A_445 = arith.constant 96 : index
        %get3A_446 = tpu.vector_load %arg12[%get3A_444, %get3A_445] {strides = array<i32>} : memref<80x128xf32, #tpu.memory_space<vmem>>, vector<1x16xf32>,
        %get3A_447 = vector.shape_cast %get3A_446 : vector<1x16xf32> to vector<16xf32>
        %get3A_448 = arith.index_cast %scan3A_315 : i32 to index
        %get3A_449 = arith.constant 96 : index
        %get3A_450 = tpu.vector_load %arg14[%get3A_448, %get3A_449] {strides = array<i32>} : memref<80x128xf32, #tpu.memory_space<vmem>>, vector<1x16xf32>,
        %get3A_451 = vector.shape_cast %get3A_450 : vector<1x16xf32> to vector<16xf32>
        %add3A_452 = arith.addf %get3A_447, %get3A_451 : vector<16xf32>
        %neg3A_453 = arith.constant 0.000000e+00 : f32
        %neg3A_454 = vector.broadcast %neg3A_453 : f32 to vector<16xf32>
        %neg3A_455 = arith.subf %neg3A_454, %add3A_452 : vector<16xf32>
        %exp3A_456 = math.exp %neg3A_455 : vector<16xf32>
        %add3A_457 = arith.constant 1.000000e+00 : f32
        %add3A_458 = vector.broadcast %add3A_457 : f32 to vector<16xf32>
        %add3A_459 = arith.addf %add3A_458, %exp3A_456 : vector<16xf32>
        %div3A_460 = arith.divf %add3A_452, %add3A_459 : vector<16xf32>
        %swap3A_461 = arith.index_cast %scan3A_315 : i32 to index
        %swap3A_462 = arith.constant 96 : index
        %swap3A_463 = tpu.vector_load %arg14[%swap3A_461, %swap3A_462] {strides = array<i32>} : memref<80x128xf32, #tpu.memory_space<vmem>>, vector<1x16xf32>,
        %swap3A_464 = vector.shape_cast %swap3A_463 : vector<1x16xf32> to vector<16xf32>
        %swap3A_465 = vector.shape_cast %div3A_460 : vector<16xf32> to vector<1x16xf32>
        tpu.vector_store %arg14[%swap3A_461, %swap3A_462], %swap3A_465 {strides = array<i32>} : memref<80x128xf32, #tpu.memory_space<vmem>>, vector<1x16xf32>,
        %get3A_466 = arith.index_cast %scan3A_315 : i32 to index
        %get3A_467 = arith.constant 112 : index
        %get3A_468 = tpu.vector_load %arg12[%get3A_466, %get3A_467] {strides = array<i32>} : memref<80x128xf32, #tpu.memory_space<vmem>>, vector<1x16xf32>,
        %get3A_469 = vector.shape_cast %get3A_468 : vector<1x16xf32> to vector<16xf32>
        %get3A_470 = arith.index_cast %scan3A_315 : i32 to index
        %get3A_471 = arith.constant 112 : index
        %get3A_472 = tpu.vector_load %arg14[%get3A_470, %get3A_471] {strides = array<i32>} : memref<80x128xf32, #tpu.memory_space<vmem>>, vector<1x16xf32>,
        %get3A_473 = vector.shape_cast %get3A_472 : vector<1x16xf32> to vector<16xf32>
        %add3A_474 = arith.addf %get3A_469, %get3A_473 : vector<16xf32>
        %neg3A_475 = arith.constant 0.000000e+00 : f32
        %neg3A_476 = vector.broadcast %neg3A_475 : f32 to vector<16xf32>
        %neg3A_477 = arith.subf %neg3A_476, %add3A_474 : vector<16xf32>
        %exp3A_478 = math.exp %neg3A_477 : vector<16xf32>
        %add3A_479 = arith.constant 1.000000e+00 : f32
        %add3A_480 = vector.broadcast %add3A_479 : f32 to vector<16xf32>
        %add3A_481 = arith.addf %add3A_480, %exp3A_478 : vector<16xf32>
        %div3A_482 = arith.divf %add3A_474, %add3A_481 : vector<16xf32>
        %swap3A_483 = arith.index_cast %scan3A_315 : i32 to index
        %swap3A_484 = arith.constant 112 : index
        %swap3A_485 = tpu.vector_load %arg14[%swap3A_483, %swap3A_484] {strides = array<i32>} : memref<80x128xf32, #tpu.memory_space<vmem>>, vector<1x16xf32>,
        %swap3A_486 = vector.shape_cast %swap3A_485 : vector<1x16xf32> to vector<16xf32>
        %swap3A_487 = vector.shape_cast %div3A_482 : vector<16xf32> to vector<1x16xf32>
        tpu.vector_store %arg14[%swap3A_483, %swap3A_484], %swap3A_487 {strides = array<i32>} : memref<80x128xf32, #tpu.memory_space<vmem>>, vector<1x16xf32>,
        %scan3A_488 = arith.constant 0 : i32
        scf.yield %scan3A_488 : i32
      }
      %scan3A_243 = arith.constant 80 : i32
      %run_scoped3A_244 = arith.constant 1 : i32
      "tpu.region"() ({
        %run_scoped3A_315 = tpu.sem_alloc : memref<!tpu.dma_semaphore, #tpu.memory_space<semaphore_mem>>
        %dma_start3A_316 = arith.constant 0 : i32
        %dma_start3A_317 = tpu.memref_slice %arg8[%run_scoped3A_244, %dma_start3A_316] : memref<2x80xi32, #tpu.memory_space<vmem>> -> memref<1x80xi32, #tpu.memory_space<vmem>>
        %dma_start3A_318 = tpu.memref_squeeze %dma_start3A_317 : memref<1x80xi32, #tpu.memory_space<vmem>> -> memref<80xi32, #tpu.memory_space<vmem>>
        %dma_start3A_319 = arith.constant 0 : i32
        %dma_start3A_320 = arith.constant 0 : i32
        %dma_start3A_321 = tpu.memref_slice %arg6[%dma_start3A_319, %dma_start3A_320] : memref<10240x128xf32, #tpu.memory_space<vmem_shared>> -> memref<10240x128xf32, #tpu.memory_space<vmem_shared>>
        tpu.enqueue_indirect_dma source(%arg14 : memref<80x128xf32, #tpu.memory_space<vmem>>) target(%dma_start3A_321 : memref<10240x128xf32, #tpu.memory_space<vmem_shared>>) offsets(%dma_start3A_318 : memref<80xi32, #tpu.memory_space<vmem>>) semaphore(%run_scoped3A_315 : memref<!tpu.dma_semaphore, #tpu.memory_space<semaphore_mem>>) {add = true}
        %dma_wait3A_322 = arith.constant 0 : i32
        %dma_wait3A_323 = tpu.memref_slice %arg8[%run_scoped3A_244, %dma_wait3A_322] : memref<2x80xi32, #tpu.memory_space<vmem>> -> memref<1x80xi32, #tpu.memory_space<vmem>>
        %dma_wait3A_324 = tpu.memref_squeeze %dma_wait3A_323 : memref<1x80xi32, #tpu.memory_space<vmem>> -> memref<80xi32, #tpu.memory_space<vmem>>
        %dma_wait3A_325 = arith.constant 0 : i32
        %dma_wait3A_326 = arith.constant 0 : i32
        %dma_wait3A_327 = tpu.memref_slice %arg6[%dma_wait3A_325, %dma_wait3A_326] : memref<10240x128xf32, #tpu.memory_space<vmem_shared>> -> memref<10240x128xf32, #tpu.memory_space<vmem_shared>>
        tpu.wait_indirect_dma semaphore(%run_scoped3A_315 : memref<!tpu.dma_semaphore, #tpu.memory_space<semaphore_mem>>) src(%arg14 : memref<80x128xf32, #tpu.memory_space<vmem>>) dst(%dma_wait3A_327 : memref<10240x128xf32, #tpu.memory_space<vmem_shared>>)
        tpu.yield
      }) : () -> ()
      %add3A_245 = arith.constant 2 : i32
      %add3A_246 = arith.addi %add3A_222, %add3A_245 : i32
      %lt3A_247 = arith.constant 125 : i32
      %lt3A_248 = arith.cmpi slt, %add3A_246, %lt3A_247 : i32
      %convert_element_type3A_249 = arith.extui %lt3A_248 : i1 to i32
      %cond3A_250 = arith.constant 0 : i32
      %cond3A_251 = arith.cmpi ne, %convert_element_type3A_249, %cond3A_250 : i32
      scf.if %cond3A_251 {
        %add3A_315 = arith.constant 2 : i32
        %add3A_316 = arith.addi %add3A_222, %add3A_315 : i32
        %add3A_317 = arith.addi %mul3A_42, %add3A_316 : i32
        %dma_wait3A_318 = arith.constant 0 : i32
        %dma_wait3A_319 = arith.constant 0 : i32
        %dma_wait3A_320 = tpu.memref_slice %arg4[%add3A_317, %dma_wait3A_318, %dma_wait3A_319] : memref<4000x2x80xi32, #tpu.memory_space<hbm>> -> memref<1x2x80xi32, #tpu.memory_space<hbm>>
        %dma_wait3A_321 = tpu.memref_squeeze %dma_wait3A_320 : memref<1x2x80xi32, #tpu.memory_space<hbm>> -> memref<2x80xi32, #tpu.memory_space<hbm>>
        %dma_wait3A_322 = arith.constant 0 : i32
        %dma_wait3A_323 = arith.constant 0 : i32
        %dma_wait3A_324 = tpu.memref_slice %arg4[%add3A_317, %dma_wait3A_322, %dma_wait3A_323] : memref<4000x2x80xi32, #tpu.memory_space<hbm>> -> memref<1x2x80xi32, #tpu.memory_space<hbm>>
        %dma_wait3A_325 = tpu.memref_squeeze %dma_wait3A_324 : memref<1x2x80xi32, #tpu.memory_space<hbm>> -> memref<2x80xi32, #tpu.memory_space<hbm>>
        tpu.wait_dma2 semaphore(%arg20 : memref<!tpu.dma_semaphore, #tpu.memory_space<semaphore_mem>>) src(%dma_wait3A_325 : memref<2x80xi32, #tpu.memory_space<hbm>>) dst(%arg10 : memref<2x80xi32, #tpu.memory_space<vmem>>)
        %dma_start3A_326 = arith.constant 0 : i32
        %dma_start3A_327 = arith.constant 0 : i32
        %dma_start3A_328 = tpu.memref_slice %arg10[%dma_start3A_326, %dma_start3A_327] : memref<2x80xi32, #tpu.memory_space<vmem>> -> memref<1x80xi32, #tpu.memory_space<vmem>>
        %dma_start3A_329 = tpu.memref_squeeze %dma_start3A_328 : memref<1x80xi32, #tpu.memory_space<vmem>> -> memref<80xi32, #tpu.memory_space<vmem>>
        %dma_start3A_330 = arith.constant 0 : i32
        %dma_start3A_331 = arith.constant 0 : i32
        %dma_start3A_332 = tpu.memref_slice %arg2[%dma_start3A_330, %dma_start3A_331] : memref<10000x128xf32, #tpu.memory_space<hbm>> -> memref<10000x128xf32, #tpu.memory_space<hbm>>
        tpu.enqueue_indirect_dma source(%dma_start3A_332 : memref<10000x128xf32, #tpu.memory_space<hbm>>) target(%arg12 : memref<80x128xf32, #tpu.memory_space<vmem>>) offsets(%dma_start3A_329 : memref<80xi32, #tpu.memory_space<vmem>>) semaphore(%arg16 : memref<!tpu.dma_semaphore, #tpu.memory_space<semaphore_mem>>)
        %mul3A_333 = arith.constant 80 : i32
        %mul3A_334 = arith.muli %add3A_316, %mul3A_333 : i32
        %add3A_335 = arith.addi %mul3A_40, %mul3A_334 : i32
        %dma_start3A_336 = arith.constant 0 : i32
        %dma_start3A_337 = tpu.memref_slice %arg3[%add3A_335, %dma_start3A_336] : memref<320000x128xf32, #tpu.memory_space<hbm>> -> memref<80x128xf32, #tpu.memory_space<hbm>>
        %dma_start3A_338 = arith.constant 0 : i32
        %dma_start3A_339 = tpu.memref_slice %arg3[%add3A_335, %dma_start3A_338] : memref<320000x128xf32, #tpu.memory_space<hbm>> -> memref<80x128xf32, #tpu.memory_space<hbm>>
        tpu.enqueue_dma source(%dma_start3A_339 : memref<80x128xf32, #tpu.memory_space<hbm>>) target(%arg14 : memref<80x128xf32, #tpu.memory_space<vmem>>) target_semaphore(%arg18 : memref<!tpu.dma_semaphore, #tpu.memory_space<semaphore_mem>>)
        %add3A_340 = arith.constant 2 : i32
        %add3A_341 = arith.addi %add3A_316, %add3A_340 : i32
        %lt3A_342 = arith.constant 125 : i32
        %lt3A_343 = arith.cmpi slt, %add3A_341, %lt3A_342 : i32
        %convert_element_type3A_344 = arith.extui %lt3A_343 : i1 to i32
        %cond3A_345 = arith.constant 0 : i32
        %cond3A_346 = arith.cmpi ne, %convert_element_type3A_344, %cond3A_345 : i32
        scf.if %cond3A_346 {
          %add3A_347 = arith.addi %mul3A_42, %add3A_316 : i32
          %add3A_348 = arith.constant 2 : i32
          %add3A_349 = arith.addi %add3A_347, %add3A_348 : i32
          %dma_start3A_350 = arith.constant 0 : i32
          %dma_start3A_351 = arith.constant 0 : i32
          %dma_start3A_352 = tpu.memref_slice %arg4[%add3A_349, %dma_start3A_350, %dma_start3A_351] : memref<4000x2x80xi32, #tpu.memory_space<hbm>> -> memref<1x2x80xi32, #tpu.memory_space<hbm>>
          %dma_start3A_353 = tpu.memref_squeeze %dma_start3A_352 : memref<1x2x80xi32, #tpu.memory_space<hbm>> -> memref<2x80xi32, #tpu.memory_space<hbm>>
          %dma_start3A_354 = arith.constant 0 : i32
          %dma_start3A_355 = arith.constant 0 : i32
          %dma_start3A_356 = tpu.memref_slice %arg4[%add3A_349, %dma_start3A_354, %dma_start3A_355] : memref<4000x2x80xi32, #tpu.memory_space<hbm>> -> memref<1x2x80xi32, #tpu.memory_space<hbm>>
          %dma_start3A_357 = tpu.memref_squeeze %dma_start3A_356 : memref<1x2x80xi32, #tpu.memory_space<hbm>> -> memref<2x80xi32, #tpu.memory_space<hbm>>
          tpu.enqueue_dma source(%dma_start3A_357 : memref<2x80xi32, #tpu.memory_space<hbm>>) target(%arg8 : memref<2x80xi32, #tpu.memory_space<vmem>>) target_semaphore(%arg20 : memref<!tpu.dma_semaphore, #tpu.memory_space<semaphore_mem>>)
        } else {
        }
      } else {
      }
      %add3A_252 = arith.constant 2 : i32
      %add3A_253 = arith.addi %mul3A_192, %add3A_252 : i32
      %dma_wait3A_254 = arith.constant 0 : i32
      %dma_wait3A_255 = arith.constant 0 : i32
      %dma_wait3A_256 = tpu.memref_slice %arg9[%dma_wait3A_254, %dma_wait3A_255] : memref<2x80xi32, #tpu.memory_space<vmem>> -> memref<1x80xi32, #tpu.memory_space<vmem>>
      %dma_wait3A_257 = tpu.memref_squeeze %dma_wait3A_256 : memref<1x80xi32, #tpu.memory_space<vmem>> -> memref<80xi32, #tpu.memory_space<vmem>>
      %dma_wait3A_258 = arith.constant 0 : i32
      %dma_wait3A_259 = arith.constant 0 : i32
      %dma_wait3A_260 = tpu.memref_slice %arg2[%dma_wait3A_258, %dma_wait3A_259] : memref<10000x128xf32, #tpu.memory_space<hbm>> -> memref<10000x128xf32, #tpu.memory_space<hbm>>
      tpu.wait_indirect_dma semaphore(%arg15 : memref<!tpu.dma_semaphore, #tpu.memory_space<semaphore_mem>>) src(%dma_wait3A_260 : memref<10000x128xf32, #tpu.memory_space<hbm>>) dst(%arg11 : memref<80x128xf32, #tpu.memory_space<vmem>>)
      %mul3A_261 = arith.constant 80 : i32
      %mul3A_262 = arith.muli %add3A_253, %mul3A_261 : i32
      %add3A_263 = arith.addi %mul3A_40, %mul3A_262 : i32
      %dma_wait3A_264 = arith.constant 0 : i32
      %dma_wait3A_265 = tpu.memref_slice %arg3[%add3A_263, %dma_wait3A_264] : memref<320000x128xf32, #tpu.memory_space<hbm>> -> memref<80x128xf32, #tpu.memory_space<hbm>>
      %dma_wait3A_266 = arith.constant 0 : i32
      %dma_wait3A_267 = tpu.memref_slice %arg3[%add3A_263, %dma_wait3A_266] : memref<320000x128xf32, #tpu.memory_space<hbm>> -> memref<80x128xf32, #tpu.memory_space<hbm>>
      tpu.wait_dma2 semaphore(%arg17 : memref<!tpu.dma_semaphore, #tpu.memory_space<semaphore_mem>>) src(%dma_wait3A_267 : memref<80x128xf32, #tpu.memory_space<hbm>>) dst(%arg13 : memref<80x128xf32, #tpu.memory_space<vmem>>)
      %scan3A_268 = arith.constant 0 : i32
      %scan3A_269 = arith.constant 0 : i32
      %scan3A_270 = arith.constant 80 : i32
      %scan3A_271 = arith.addi %scan3A_269, %scan3A_270 : i32
      %scan3A_272 = arith.constant 1 : i32
      %scan3A_273 = scf.for %scan3A_315 = %scan3A_269 to %scan3A_271 step %scan3A_272 iter_args(%scan3A_316 = %scan3A_268) -> (i32)  : i32 {
        %get3A = arith.index_cast %scan3A_315 : i32 to index
        %get3A_317 = arith.constant 0 : index
        %get3A_318 = tpu.vector_load %arg11[%get3A, %get3A_317] {strides = array<i32>} : memref<80x128xf32, #tpu.memory_space<vmem>>, vector<1x16xf32>,
        %get3A_319 = vector.shape_cast %get3A_318 : vector<1x16xf32> to vector<16xf32>
        %get3A_320 = arith.index_cast %scan3A_315 : i32 to index
        %get3A_321 = arith.constant 0 : index
        %get3A_322 = tpu.vector_load %arg13[%get3A_320, %get3A_321] {strides = array<i32>} : memref<80x128xf32, #tpu.memory_space<vmem>>, vector<1x16xf32>,
        %get3A_323 = vector.shape_cast %get3A_322 : vector<1x16xf32> to vector<16xf32>
        %add3A_324 = arith.addf %get3A_319, %get3A_323 : vector<16xf32>
        %neg3A = arith.constant 0.000000e+00 : f32
        %neg3A_325 = vector.broadcast %neg3A : f32 to vector<16xf32>
        %neg3A_326 = arith.subf %neg3A_325, %add3A_324 : vector<16xf32>
        %exp3A = math.exp %neg3A_326 : vector<16xf32>
        %add3A_327 = arith.constant 1.000000e+00 : f32
        %add3A_328 = vector.broadcast %add3A_327 : f32 to vector<16xf32>
        %add3A_329 = arith.addf %add3A_328, %exp3A : vector<16xf32>
        %div3A = arith.divf %add3A_324, %add3A_329 : vector<16xf32>
        %swap3A = arith.index_cast %scan3A_315 : i32 to index
        %swap3A_330 = arith.constant 0 : index
        %swap3A_331 = tpu.vector_load %arg13[%swap3A, %swap3A_330] {strides = array<i32>} : memref<80x128xf32, #tpu.memory_space<vmem>>, vector<1x16xf32>,
        %swap3A_332 = vector.shape_cast %swap3A_331 : vector<1x16xf32> to vector<16xf32>
        %swap3A_333 = vector.shape_cast %div3A : vector<16xf32> to vector<1x16xf32>
        tpu.vector_store %arg13[%swap3A, %swap3A_330], %swap3A_333 {strides = array<i32>} : memref<80x128xf32, #tpu.memory_space<vmem>>, vector<1x16xf32>,
        %get3A_334 = arith.index_cast %scan3A_315 : i32 to index
        %get3A_335 = arith.constant 16 : index
        %get3A_336 = tpu.vector_load %arg11[%get3A_334, %get3A_335] {strides = array<i32>} : memref<80x128xf32, #tpu.memory_space<vmem>>, vector<1x16xf32>,
        %get3A_337 = vector.shape_cast %get3A_336 : vector<1x16xf32> to vector<16xf32>
        %get3A_338 = arith.index_cast %scan3A_315 : i32 to index
        %get3A_339 = arith.constant 16 : index
        %get3A_340 = tpu.vector_load %arg13[%get3A_338, %get3A_339] {strides = array<i32>} : memref<80x128xf32, #tpu.memory_space<vmem>>, vector<1x16xf32>,
        %get3A_341 = vector.shape_cast %get3A_340 : vector<1x16xf32> to vector<16xf32>
        %add3A_342 = arith.addf %get3A_337, %get3A_341 : vector<16xf32>
        %neg3A_343 = arith.constant 0.000000e+00 : f32
        %neg3A_344 = vector.broadcast %neg3A_343 : f32 to vector<16xf32>
        %neg3A_345 = arith.subf %neg3A_344, %add3A_342 : vector<16xf32>
        %exp3A_346 = math.exp %neg3A_345 : vector<16xf32>
        %add3A_347 = arith.constant 1.000000e+00 : f32
        %add3A_348 = vector.broadcast %add3A_347 : f32 to vector<16xf32>
        %add3A_349 = arith.addf %add3A_348, %exp3A_346 : vector<16xf32>
        %div3A_350 = arith.divf %add3A_342, %add3A_349 : vector<16xf32>
        %swap3A_351 = arith.index_cast %scan3A_315 : i32 to index
        %swap3A_352 = arith.constant 16 : index
        %swap3A_353 = tpu.vector_load %arg13[%swap3A_351, %swap3A_352] {strides = array<i32>} : memref<80x128xf32, #tpu.memory_space<vmem>>, vector<1x16xf32>,
        %swap3A_354 = vector.shape_cast %swap3A_353 : vector<1x16xf32> to vector<16xf32>
        %swap3A_355 = vector.shape_cast %div3A_350 : vector<16xf32> to vector<1x16xf32>
        tpu.vector_store %arg13[%swap3A_351, %swap3A_352], %swap3A_355 {strides = array<i32>} : memref<80x128xf32, #tpu.memory_space<vmem>>, vector<1x16xf32>,
        %get3A_356 = arith.index_cast %scan3A_315 : i32 to index
        %get3A_357 = arith.constant 32 : index
        %get3A_358 = tpu.vector_load %arg11[%get3A_356, %get3A_357] {strides = array<i32>} : memref<80x128xf32, #tpu.memory_space<vmem>>, vector<1x16xf32>,
        %get3A_359 = vector.shape_cast %get3A_358 : vector<1x16xf32> to vector<16xf32>
        %get3A_360 = arith.index_cast %scan3A_315 : i32 to index
        %get3A_361 = arith.constant 32 : index
        %get3A_362 = tpu.vector_load %arg13[%get3A_360, %get3A_361] {strides = array<i32>} : memref<80x128xf32, #tpu.memory_space<vmem>>, vector<1x16xf32>,
        %get3A_363 = vector.shape_cast %get3A_362 : vector<1x16xf32> to vector<16xf32>
        %add3A_364 = arith.addf %get3A_359, %get3A_363 : vector<16xf32>
        %neg3A_365 = arith.constant 0.000000e+00 : f32
        %neg3A_366 = vector.broadcast %neg3A_365 : f32 to vector<16xf32>
        %neg3A_367 = arith.subf %neg3A_366, %add3A_364 : vector<16xf32>
        %exp3A_368 = math.exp %neg3A_367 : vector<16xf32>
        %add3A_369 = arith.constant 1.000000e+00 : f32
        %add3A_370 = vector.broadcast %add3A_369 : f32 to vector<16xf32>
        %add3A_371 = arith.addf %add3A_370, %exp3A_368 : vector<16xf32>
        %div3A_372 = arith.divf %add3A_364, %add3A_371 : vector<16xf32>
        %swap3A_373 = arith.index_cast %scan3A_315 : i32 to index
        %swap3A_374 = arith.constant 32 : index
        %swap3A_375 = tpu.vector_load %arg13[%swap3A_373, %swap3A_374] {strides = array<i32>} : memref<80x128xf32, #tpu.memory_space<vmem>>, vector<1x16xf32>,
        %swap3A_376 = vector.shape_cast %swap3A_375 : vector<1x16xf32> to vector<16xf32>
        %swap3A_377 = vector.shape_cast %div3A_372 : vector<16xf32> to vector<1x16xf32>
        tpu.vector_store %arg13[%swap3A_373, %swap3A_374], %swap3A_377 {strides = array<i32>} : memref<80x128xf32, #tpu.memory_space<vmem>>, vector<1x16xf32>,
        %get3A_378 = arith.index_cast %scan3A_315 : i32 to index
        %get3A_379 = arith.constant 48 : index
        %get3A_380 = tpu.vector_load %arg11[%get3A_378, %get3A_379] {strides = array<i32>} : memref<80x128xf32, #tpu.memory_space<vmem>>, vector<1x16xf32>,
        %get3A_381 = vector.shape_cast %get3A_380 : vector<1x16xf32> to vector<16xf32>
        %get3A_382 = arith.index_cast %scan3A_315 : i32 to index
        %get3A_383 = arith.constant 48 : index
        %get3A_384 = tpu.vector_load %arg13[%get3A_382, %get3A_383] {strides = array<i32>} : memref<80x128xf32, #tpu.memory_space<vmem>>, vector<1x16xf32>,
        %get3A_385 = vector.shape_cast %get3A_384 : vector<1x16xf32> to vector<16xf32>
        %add3A_386 = arith.addf %get3A_381, %get3A_385 : vector<16xf32>
        %neg3A_387 = arith.constant 0.000000e+00 : f32
        %neg3A_388 = vector.broadcast %neg3A_387 : f32 to vector<16xf32>
        %neg3A_389 = arith.subf %neg3A_388, %add3A_386 : vector<16xf32>
        %exp3A_390 = math.exp %neg3A_389 : vector<16xf32>
        %add3A_391 = arith.constant 1.000000e+00 : f32
        %add3A_392 = vector.broadcast %add3A_391 : f32 to vector<16xf32>
        %add3A_393 = arith.addf %add3A_392, %exp3A_390 : vector<16xf32>
        %div3A_394 = arith.divf %add3A_386, %add3A_393 : vector<16xf32>
        %swap3A_395 = arith.index_cast %scan3A_315 : i32 to index
        %swap3A_396 = arith.constant 48 : index
        %swap3A_397 = tpu.vector_load %arg13[%swap3A_395, %swap3A_396] {strides = array<i32>} : memref<80x128xf32, #tpu.memory_space<vmem>>, vector<1x16xf32>,
        %swap3A_398 = vector.shape_cast %swap3A_397 : vector<1x16xf32> to vector<16xf32>
        %swap3A_399 = vector.shape_cast %div3A_394 : vector<16xf32> to vector<1x16xf32>
        tpu.vector_store %arg13[%swap3A_395, %swap3A_396], %swap3A_399 {strides = array<i32>} : memref<80x128xf32, #tpu.memory_space<vmem>>, vector<1x16xf32>,
        %get3A_400 = arith.index_cast %scan3A_315 : i32 to index
        %get3A_401 = arith.constant 64 : index
        %get3A_402 = tpu.vector_load %arg11[%get3A_400, %get3A_401] {strides = array<i32>} : memref<80x128xf32, #tpu.memory_space<vmem>>, vector<1x16xf32>,
        %get3A_403 = vector.shape_cast %get3A_402 : vector<1x16xf32> to vector<16xf32>
        %get3A_404 = arith.index_cast %scan3A_315 : i32 to index
        %get3A_405 = arith.constant 64 : index
        %get3A_406 = tpu.vector_load %arg13[%get3A_404, %get3A_405] {strides = array<i32>} : memref<80x128xf32, #tpu.memory_space<vmem>>, vector<1x16xf32>,
        %get3A_407 = vector.shape_cast %get3A_406 : vector<1x16xf32> to vector<16xf32>
        %add3A_408 = arith.addf %get3A_403, %get3A_407 : vector<16xf32>
        %neg3A_409 = arith.constant 0.000000e+00 : f32
        %neg3A_410 = vector.broadcast %neg3A_409 : f32 to vector<16xf32>
        %neg3A_411 = arith.subf %neg3A_410, %add3A_408 : vector<16xf32>
        %exp3A_412 = math.exp %neg3A_411 : vector<16xf32>
        %add3A_413 = arith.constant 1.000000e+00 : f32
        %add3A_414 = vector.broadcast %add3A_413 : f32 to vector<16xf32>
        %add3A_415 = arith.addf %add3A_414, %exp3A_412 : vector<16xf32>
        %div3A_416 = arith.divf %add3A_408, %add3A_415 : vector<16xf32>
        %swap3A_417 = arith.index_cast %scan3A_315 : i32 to index
        %swap3A_418 = arith.constant 64 : index
        %swap3A_419 = tpu.vector_load %arg13[%swap3A_417, %swap3A_418] {strides = array<i32>} : memref<80x128xf32, #tpu.memory_space<vmem>>, vector<1x16xf32>,
        %swap3A_420 = vector.shape_cast %swap3A_419 : vector<1x16xf32> to vector<16xf32>
        %swap3A_421 = vector.shape_cast %div3A_416 : vector<16xf32> to vector<1x16xf32>
        tpu.vector_store %arg13[%swap3A_417, %swap3A_418], %swap3A_421 {strides = array<i32>} : memref<80x128xf32, #tpu.memory_space<vmem>>, vector<1x16xf32>,
        %get3A_422 = arith.index_cast %scan3A_315 : i32 to index
        %get3A_423 = arith.constant 80 : index
        %get3A_424 = tpu.vector_load %arg11[%get3A_422, %get3A_423] {strides = array<i32>} : memref<80x128xf32, #tpu.memory_space<vmem>>, vector<1x16xf32>,
        %get3A_425 = vector.shape_cast %get3A_424 : vector<1x16xf32> to vector<16xf32>
        %get3A_426 = arith.index_cast %scan3A_315 : i32 to index
        %get3A_427 = arith.constant 80 : index
        %get3A_428 = tpu.vector_load %arg13[%get3A_426, %get3A_427] {strides = array<i32>} : memref<80x128xf32, #tpu.memory_space<vmem>>, vector<1x16xf32>,
        %get3A_429 = vector.shape_cast %get3A_428 : vector<1x16xf32> to vector<16xf32>
        %add3A_430 = arith.addf %get3A_425, %get3A_429 : vector<16xf32>
        %neg3A_431 = arith.constant 0.000000e+00 : f32
        %neg3A_432 = vector.broadcast %neg3A_431 : f32 to vector<16xf32>
        %neg3A_433 = arith.subf %neg3A_432, %add3A_430 : vector<16xf32>
        %exp3A_434 = math.exp %neg3A_433 : vector<16xf32>
        %add3A_435 = arith.constant 1.000000e+00 : f32
        %add3A_436 = vector.broadcast %add3A_435 : f32 to vector<16xf32>
        %add3A_437 = arith.addf %add3A_436, %exp3A_434 : vector<16xf32>
        %div3A_438 = arith.divf %add3A_430, %add3A_437 : vector<16xf32>
        %swap3A_439 = arith.index_cast %scan3A_315 : i32 to index
        %swap3A_440 = arith.constant 80 : index
        %swap3A_441 = tpu.vector_load %arg13[%swap3A_439, %swap3A_440] {strides = array<i32>} : memref<80x128xf32, #tpu.memory_space<vmem>>, vector<1x16xf32>,
        %swap3A_442 = vector.shape_cast %swap3A_441 : vector<1x16xf32> to vector<16xf32>
        %swap3A_443 = vector.shape_cast %div3A_438 : vector<16xf32> to vector<1x16xf32>
        tpu.vector_store %arg13[%swap3A_439, %swap3A_440], %swap3A_443 {strides = array<i32>} : memref<80x128xf32, #tpu.memory_space<vmem>>, vector<1x16xf32>,
        %get3A_444 = arith.index_cast %scan3A_315 : i32 to index
        %get3A_445 = arith.constant 96 : index
        %get3A_446 = tpu.vector_load %arg11[%get3A_444, %get3A_445] {strides = array<i32>} : memref<80x128xf32, #tpu.memory_space<vmem>>, vector<1x16xf32>,
        %get3A_447 = vector.shape_cast %get3A_446 : vector<1x16xf32> to vector<16xf32>
        %get3A_448 = arith.index_cast %scan3A_315 : i32 to index
        %get3A_449 = arith.constant 96 : index
        %get3A_450 = tpu.vector_load %arg13[%get3A_448, %get3A_449] {strides = array<i32>} : memref<80x128xf32, #tpu.memory_space<vmem>>, vector<1x16xf32>,
        %get3A_451 = vector.shape_cast %get3A_450 : vector<1x16xf32> to vector<16xf32>
        %add3A_452 = arith.addf %get3A_447, %get3A_451 : vector<16xf32>
        %neg3A_453 = arith.constant 0.000000e+00 : f32
        %neg3A_454 = vector.broadcast %neg3A_453 : f32 to vector<16xf32>
        %neg3A_455 = arith.subf %neg3A_454, %add3A_452 : vector<16xf32>
        %exp3A_456 = math.exp %neg3A_455 : vector<16xf32>
        %add3A_457 = arith.constant 1.000000e+00 : f32
        %add3A_458 = vector.broadcast %add3A_457 : f32 to vector<16xf32>
        %add3A_459 = arith.addf %add3A_458, %exp3A_456 : vector<16xf32>
        %div3A_460 = arith.divf %add3A_452, %add3A_459 : vector<16xf32>
        %swap3A_461 = arith.index_cast %scan3A_315 : i32 to index
        %swap3A_462 = arith.constant 96 : index
        %swap3A_463 = tpu.vector_load %arg13[%swap3A_461, %swap3A_462] {strides = array<i32>} : memref<80x128xf32, #tpu.memory_space<vmem>>, vector<1x16xf32>,
        %swap3A_464 = vector.shape_cast %swap3A_463 : vector<1x16xf32> to vector<16xf32>
        %swap3A_465 = vector.shape_cast %div3A_460 : vector<16xf32> to vector<1x16xf32>
        tpu.vector_store %arg13[%swap3A_461, %swap3A_462], %swap3A_465 {strides = array<i32>} : memref<80x128xf32, #tpu.memory_space<vmem>>, vector<1x16xf32>,
        %get3A_466 = arith.index_cast %scan3A_315 : i32 to index
        %get3A_467 = arith.constant 112 : index
        %get3A_468 = tpu.vector_load %arg11[%get3A_466, %get3A_467] {strides = array<i32>} : memref<80x128xf32, #tpu.memory_space<vmem>>, vector<1x16xf32>,
        %get3A_469 = vector.shape_cast %get3A_468 : vector<1x16xf32> to vector<16xf32>
        %get3A_470 = arith.index_cast %scan3A_315 : i32 to index
        %get3A_471 = arith.constant 112 : index
        %get3A_472 = tpu.vector_load %arg13[%get3A_470, %get3A_471] {strides = array<i32>} : memref<80x128xf32, #tpu.memory_space<vmem>>, vector<1x16xf32>,
        %get3A_473 = vector.shape_cast %get3A_472 : vector<1x16xf32> to vector<16xf32>
        %add3A_474 = arith.addf %get3A_469, %get3A_473 : vector<16xf32>
        %neg3A_475 = arith.constant 0.000000e+00 : f32
        %neg3A_476 = vector.broadcast %neg3A_475 : f32 to vector<16xf32>
        %neg3A_477 = arith.subf %neg3A_476, %add3A_474 : vector<16xf32>
        %exp3A_478 = math.exp %neg3A_477 : vector<16xf32>
        %add3A_479 = arith.constant 1.000000e+00 : f32
        %add3A_480 = vector.broadcast %add3A_479 : f32 to vector<16xf32>
        %add3A_481 = arith.addf %add3A_480, %exp3A_478 : vector<16xf32>
        %div3A_482 = arith.divf %add3A_474, %add3A_481 : vector<16xf32>
        %swap3A_483 = arith.index_cast %scan3A_315 : i32 to index
        %swap3A_484 = arith.constant 112 : index
        %swap3A_485 = tpu.vector_load %arg13[%swap3A_483, %swap3A_484] {strides = array<i32>} : memref<80x128xf32, #tpu.memory_space<vmem>>, vector<1x16xf32>,
        %swap3A_486 = vector.shape_cast %swap3A_485 : vector<1x16xf32> to vector<16xf32>
        %swap3A_487 = vector.shape_cast %div3A_482 : vector<16xf32> to vector<1x16xf32>
        tpu.vector_store %arg13[%swap3A_483, %swap3A_484], %swap3A_487 {strides = array<i32>} : memref<80x128xf32, #tpu.memory_space<vmem>>, vector<1x16xf32>,
        %scan3A_488 = arith.constant 0 : i32
        scf.yield %scan3A_488 : i32
      }
      %scan3A_274 = arith.constant 80 : i32
      %run_scoped3A_275 = arith.constant 1 : i32
      "tpu.region"() ({
        %run_scoped3A_315 = tpu.sem_alloc : memref<!tpu.dma_semaphore, #tpu.memory_space<semaphore_mem>>
        %dma_start3A_316 = arith.constant 0 : i32
        %dma_start3A_317 = tpu.memref_slice %arg9[%run_scoped3A_275, %dma_start3A_316] : memref<2x80xi32, #tpu.memory_space<vmem>> -> memref<1x80xi32, #tpu.memory_space<vmem>>
        %dma_start3A_318 = tpu.memref_squeeze %dma_start3A_317 : memref<1x80xi32, #tpu.memory_space<vmem>> -> memref<80xi32, #tpu.memory_space<vmem>>
        %dma_start3A_319 = arith.constant 0 : i32
        %dma_start3A_320 = arith.constant 0 : i32
        %dma_start3A_321 = tpu.memref_slice %arg6[%dma_start3A_319, %dma_start3A_320] : memref<10240x128xf32, #tpu.memory_space<vmem_shared>> -> memref<10240x128xf32, #tpu.memory_space<vmem_shared>>
        tpu.enqueue_indirect_dma source(%arg13 : memref<80x128xf32, #tpu.memory_space<vmem>>) target(%dma_start3A_321 : memref<10240x128xf32, #tpu.memory_space<vmem_shared>>) offsets(%dma_start3A_318 : memref<80xi32, #tpu.memory_space<vmem>>) semaphore(%run_scoped3A_315 : memref<!tpu.dma_semaphore, #tpu.memory_space<semaphore_mem>>) {add = true}
        %dma_wait3A_322 = arith.constant 0 : i32
        %dma_wait3A_323 = tpu.memref_slice %arg9[%run_scoped3A_275, %dma_wait3A_322] : memref<2x80xi32, #tpu.memory_space<vmem>> -> memref<1x80xi32, #tpu.memory_space<vmem>>
        %dma_wait3A_324 = tpu.memref_squeeze %dma_wait3A_323 : memref<1x80xi32, #tpu.memory_space<vmem>> -> memref<80xi32, #tpu.memory_space<vmem>>
        %dma_wait3A_325 = arith.constant 0 : i32
        %dma_wait3A_326 = arith.constant 0 : i32
        %dma_wait3A_327 = tpu.memref_slice %arg6[%dma_wait3A_325, %dma_wait3A_326] : memref<10240x128xf32, #tpu.memory_space<vmem_shared>> -> memref<10240x128xf32, #tpu.memory_space<vmem_shared>>
        tpu.wait_indirect_dma semaphore(%run_scoped3A_315 : memref<!tpu.dma_semaphore, #tpu.memory_space<semaphore_mem>>) src(%arg13 : memref<80x128xf32, #tpu.memory_space<vmem>>) dst(%dma_wait3A_327 : memref<10240x128xf32, #tpu.memory_space<vmem_shared>>)
        tpu.yield
      }) : () -> ()
      %add3A_276 = arith.constant 2 : i32
      %add3A_277 = arith.addi %add3A_253, %add3A_276 : i32
      %lt3A_278 = arith.constant 125 : i32
      %lt3A_279 = arith.cmpi slt, %add3A_277, %lt3A_278 : i32
      %convert_element_type3A_280 = arith.extui %lt3A_279 : i1 to i32
      %cond3A_281 = arith.constant 0 : i32
      %cond3A_282 = arith.cmpi ne, %convert_element_type3A_280, %cond3A_281 : i32
      scf.if %cond3A_282 {
        %add3A_315 = arith.constant 2 : i32
        %add3A_316 = arith.addi %add3A_253, %add3A_315 : i32
        %add3A_317 = arith.addi %mul3A_42, %add3A_316 : i32
        %dma_wait3A_318 = arith.constant 0 : i32
        %dma_wait3A_319 = arith.constant 0 : i32
        %dma_wait3A_320 = tpu.memref_slice %arg4[%add3A_317, %dma_wait3A_318, %dma_wait3A_319] : memref<4000x2x80xi32, #tpu.memory_space<hbm>> -> memref<1x2x80xi32, #tpu.memory_space<hbm>>
        %dma_wait3A_321 = tpu.memref_squeeze %dma_wait3A_320 : memref<1x2x80xi32, #tpu.memory_space<hbm>> -> memref<2x80xi32, #tpu.memory_space<hbm>>
        %dma_wait3A_322 = arith.constant 0 : i32
        %dma_wait3A_323 = arith.constant 0 : i32
        %dma_wait3A_324 = tpu.memref_slice %arg4[%add3A_317, %dma_wait3A_322, %dma_wait3A_323] : memref<4000x2x80xi32, #tpu.memory_space<hbm>> -> memref<1x2x80xi32, #tpu.memory_space<hbm>>
        %dma_wait3A_325 = tpu.memref_squeeze %dma_wait3A_324 : memref<1x2x80xi32, #tpu.memory_space<hbm>> -> memref<2x80xi32, #tpu.memory_space<hbm>>
        tpu.wait_dma2 semaphore(%arg19 : memref<!tpu.dma_semaphore, #tpu.memory_space<semaphore_mem>>) src(%dma_wait3A_325 : memref<2x80xi32, #tpu.memory_space<hbm>>) dst(%arg7 : memref<2x80xi32, #tpu.memory_space<vmem>>)
        %dma_start3A_326 = arith.constant 0 : i32
        %dma_start3A_327 = arith.constant 0 : i32
        %dma_start3A_328 = tpu.memref_slice %arg7[%dma_start3A_326, %dma_start3A_327] : memref<2x80xi32, #tpu.memory_space<vmem>> -> memref<1x80xi32, #tpu.memory_space<vmem>>
        %dma_start3A_329 = tpu.memref_squeeze %dma_start3A_328 : memref<1x80xi32, #tpu.memory_space<vmem>> -> memref<80xi32, #tpu.memory_space<vmem>>
        %dma_start3A_330 = arith.constant 0 : i32
        %dma_start3A_331 = arith.constant 0 : i32
        %dma_start3A_332 = tpu.memref_slice %arg2[%dma_start3A_330, %dma_start3A_331] : memref<10000x128xf32, #tpu.memory_space<hbm>> -> memref<10000x128xf32, #tpu.memory_space<hbm>>
        tpu.enqueue_indirect_dma source(%dma_start3A_332 : memref<10000x128xf32, #tpu.memory_space<hbm>>) target(%arg11 : memref<80x128xf32, #tpu.memory_space<vmem>>) offsets(%dma_start3A_329 : memref<80xi32, #tpu.memory_space<vmem>>) semaphore(%arg15 : memref<!tpu.dma_semaphore, #tpu.memory_space<semaphore_mem>>)
        %mul3A_333 = arith.constant 80 : i32
        %mul3A_334 = arith.muli %add3A_316, %mul3A_333 : i32
        %add3A_335 = arith.addi %mul3A_40, %mul3A_334 : i32
        %dma_start3A_336 = arith.constant 0 : i32
        %dma_start3A_337 = tpu.memref_slice %arg3[%add3A_335, %dma_start3A_336] : memref<320000x128xf32, #tpu.memory_space<hbm>> -> memref<80x128xf32, #tpu.memory_space<hbm>>
        %dma_start3A_338 = arith.constant 0 : i32
        %dma_start3A_339 = tpu.memref_slice %arg3[%add3A_335, %dma_start3A_338] : memref<320000x128xf32, #tpu.memory_space<hbm>> -> memref<80x128xf32, #tpu.memory_space<hbm>>
        tpu.enqueue_dma source(%dma_start3A_339 : memref<80x128xf32, #tpu.memory_space<hbm>>) target(%arg13 : memref<80x128xf32, #tpu.memory_space<vmem>>) target_semaphore(%arg17 : memref<!tpu.dma_semaphore, #tpu.memory_space<semaphore_mem>>)
        %add3A_340 = arith.constant 2 : i32
        %add3A_341 = arith.addi %add3A_316, %add3A_340 : i32
        %lt3A_342 = arith.constant 125 : i32
        %lt3A_343 = arith.cmpi slt, %add3A_341, %lt3A_342 : i32
        %convert_element_type3A_344 = arith.extui %lt3A_343 : i1 to i32
        %cond3A_345 = arith.constant 0 : i32
        %cond3A_346 = arith.cmpi ne, %convert_element_type3A_344, %cond3A_345 : i32
        scf.if %cond3A_346 {
          %add3A_347 = arith.addi %mul3A_42, %add3A_316 : i32
          %add3A_348 = arith.constant 2 : i32
          %add3A_349 = arith.addi %add3A_347, %add3A_348 : i32
          %dma_start3A_350 = arith.constant 0 : i32
          %dma_start3A_351 = arith.constant 0 : i32
          %dma_start3A_352 = tpu.memref_slice %arg4[%add3A_349, %dma_start3A_350, %dma_start3A_351] : memref<4000x2x80xi32, #tpu.memory_space<hbm>> -> memref<1x2x80xi32, #tpu.memory_space<hbm>>
          %dma_start3A_353 = tpu.memref_squeeze %dma_start3A_352 : memref<1x2x80xi32, #tpu.memory_space<hbm>> -> memref<2x80xi32, #tpu.memory_space<hbm>>
          %dma_start3A_354 = arith.constant 0 : i32
          %dma_start3A_355 = arith.constant 0 : i32
          %dma_start3A_356 = tpu.memref_slice %arg4[%add3A_349, %dma_start3A_354, %dma_start3A_355] : memref<4000x2x80xi32, #tpu.memory_space<hbm>> -> memref<1x2x80xi32, #tpu.memory_space<hbm>>
          %dma_start3A_357 = tpu.memref_squeeze %dma_start3A_356 : memref<1x2x80xi32, #tpu.memory_space<hbm>> -> memref<2x80xi32, #tpu.memory_space<hbm>>
          tpu.enqueue_dma source(%dma_start3A_357 : memref<2x80xi32, #tpu.memory_space<hbm>>) target(%arg9 : memref<2x80xi32, #tpu.memory_space<vmem>>) target_semaphore(%arg19 : memref<!tpu.dma_semaphore, #tpu.memory_space<semaphore_mem>>)
        } else {
        }
      } else {
      }
      %add3A_283 = arith.constant 3 : i32
      %add3A_284 = arith.addi %mul3A_192, %add3A_283 : i32
      %dma_wait3A_285 = arith.constant 0 : i32
      %dma_wait3A_286 = arith.constant 0 : i32
      %dma_wait3A_287 = tpu.memref_slice %arg10[%dma_wait3A_285, %dma_wait3A_286] : memref<2x80xi32, #tpu.memory_space<vmem>> -> memref<1x80xi32, #tpu.memory_space<vmem>>
      %dma_wait3A_288 = tpu.memref_squeeze %dma_wait3A_287 : memref<1x80xi32, #tpu.memory_space<vmem>> -> memref<80xi32, #tpu.memory_space<vmem>>
      %dma_wait3A_289 = arith.constant 0 : i32
      %dma_wait3A_290 = arith.constant 0 : i32
      %dma_wait3A_291 = tpu.memref_slice %arg2[%dma_wait3A_289, %dma_wait3A_290] : memref<10000x128xf32, #tpu.memory_space<hbm>> -> memref<10000x128xf32, #tpu.memory_space<hbm>>
      tpu.wait_indirect_dma semaphore(%arg16 : memref<!tpu.dma_semaphore, #tpu.memory_space<semaphore_mem>>) src(%dma_wait3A_291 : memref<10000x128xf32, #tpu.memory_space<hbm>>) dst(%arg12 : memref<80x128xf32, #tpu.memory_space<vmem>>)
      %mul3A_292 = arith.constant 80 : i32
      %mul3A_293 = arith.muli %add3A_284, %mul3A_292 : i32
      %add3A_294 = arith.addi %mul3A_40, %mul3A_293 : i32
      %dma_wait3A_295 = arith.constant 0 : i32
      %dma_wait3A_296 = tpu.memref_slice %arg3[%add3A_294, %dma_wait3A_295] : memref<320000x128xf32, #tpu.memory_space<hbm>> -> memref<80x128xf32, #tpu.memory_space<hbm>>
      %dma_wait3A_297 = arith.constant 0 : i32
      %dma_wait3A_298 = tpu.memref_slice %arg3[%add3A_294, %dma_wait3A_297] : memref<320000x128xf32, #tpu.memory_space<hbm>> -> memref<80x128xf32, #tpu.memory_space<hbm>>
      tpu.wait_dma2 semaphore(%arg18 : memref<!tpu.dma_semaphore, #tpu.memory_space<semaphore_mem>>) src(%dma_wait3A_298 : memref<80x128xf32, #tpu.memory_space<hbm>>) dst(%arg14 : memref<80x128xf32, #tpu.memory_space<vmem>>)
      %scan3A_299 = arith.constant 0 : i32
      %scan3A_300 = arith.constant 0 : i32
      %scan3A_301 = arith.constant 80 : i32
      %scan3A_302 = arith.addi %scan3A_300, %scan3A_301 : i32
      %scan3A_303 = arith.constant 1 : i32
      %scan3A_304 = scf.for %scan3A_315 = %scan3A_300 to %scan3A_302 step %scan3A_303 iter_args(%scan3A_316 = %scan3A_299) -> (i32)  : i32 {
        %get3A = arith.index_cast %scan3A_315 : i32 to index
        %get3A_317 = arith.constant 0 : index
        %get3A_318 = tpu.vector_load %arg12[%get3A, %get3A_317] {strides = array<i32>} : memref<80x128xf32, #tpu.memory_space<vmem>>, vector<1x16xf32>,
        %get3A_319 = vector.shape_cast %get3A_318 : vector<1x16xf32> to vector<16xf32>
        %get3A_320 = arith.index_cast %scan3A_315 : i32 to index
        %get3A_321 = arith.constant 0 : index
        %get3A_322 = tpu.vector_load %arg14[%get3A_320, %get3A_321] {strides = array<i32>} : memref<80x128xf32, #tpu.memory_space<vmem>>, vector<1x16xf32>,
        %get3A_323 = vector.shape_cast %get3A_322 : vector<1x16xf32> to vector<16xf32>
        %add3A_324 = arith.addf %get3A_319, %get3A_323 : vector<16xf32>
        %neg3A = arith.constant 0.000000e+00 : f32
        %neg3A_325 = vector.broadcast %neg3A : f32 to vector<16xf32>
        %neg3A_326 = arith.subf %neg3A_325, %add3A_324 : vector<16xf32>
        %exp3A = math.exp %neg3A_326 : vector<16xf32>
        %add3A_327 = arith.constant 1.000000e+00 : f32
        %add3A_328 = vector.broadcast %add3A_327 : f32 to vector<16xf32>
        %add3A_329 = arith.addf %add3A_328, %exp3A : vector<16xf32>
        %div3A = arith.divf %add3A_324, %add3A_329 : vector<16xf32>
        %swap3A = arith.index_cast %scan3A_315 : i32 to index
        %swap3A_330 = arith.constant 0 : index
        %swap3A_331 = tpu.vector_load %arg14[%swap3A, %swap3A_330] {strides = array<i32>} : memref<80x128xf32, #tpu.memory_space<vmem>>, vector<1x16xf32>,
        %swap3A_332 = vector.shape_cast %swap3A_331 : vector<1x16xf32> to vector<16xf32>
        %swap3A_333 = vector.shape_cast %div3A : vector<16xf32> to vector<1x16xf32>
        tpu.vector_store %arg14[%swap3A, %swap3A_330], %swap3A_333 {strides = array<i32>} : memref<80x128xf32, #tpu.memory_space<vmem>>, vector<1x16xf32>,
        %get3A_334 = arith.index_cast %scan3A_315 : i32 to index
        %get3A_335 = arith.constant 16 : index
        %get3A_336 = tpu.vector_load %arg12[%get3A_334, %get3A_335] {strides = array<i32>} : memref<80x128xf32, #tpu.memory_space<vmem>>, vector<1x16xf32>,
        %get3A_337 = vector.shape_cast %get3A_336 : vector<1x16xf32> to vector<16xf32>
        %get3A_338 = arith.index_cast %scan3A_315 : i32 to index
        %get3A_339 = arith.constant 16 : index
        %get3A_340 = tpu.vector_load %arg14[%get3A_338, %get3A_339] {strides = array<i32>} : memref<80x128xf32, #tpu.memory_space<vmem>>, vector<1x16xf32>,
        %get3A_341 = vector.shape_cast %get3A_340 : vector<1x16xf32> to vector<16xf32>
        %add3A_342 = arith.addf %get3A_337, %get3A_341 : vector<16xf32>
        %neg3A_343 = arith.constant 0.000000e+00 : f32
        %neg3A_344 = vector.broadcast %neg3A_343 : f32 to vector<16xf32>
        %neg3A_345 = arith.subf %neg3A_344, %add3A_342 : vector<16xf32>
        %exp3A_346 = math.exp %neg3A_345 : vector<16xf32>
        %add3A_347 = arith.constant 1.000000e+00 : f32
        %add3A_348 = vector.broadcast %add3A_347 : f32 to vector<16xf32>
        %add3A_349 = arith.addf %add3A_348, %exp3A_346 : vector<16xf32>
        %div3A_350 = arith.divf %add3A_342, %add3A_349 : vector<16xf32>
        %swap3A_351 = arith.index_cast %scan3A_315 : i32 to index
        %swap3A_352 = arith.constant 16 : index
        %swap3A_353 = tpu.vector_load %arg14[%swap3A_351, %swap3A_352] {strides = array<i32>} : memref<80x128xf32, #tpu.memory_space<vmem>>, vector<1x16xf32>,
        %swap3A_354 = vector.shape_cast %swap3A_353 : vector<1x16xf32> to vector<16xf32>
        %swap3A_355 = vector.shape_cast %div3A_350 : vector<16xf32> to vector<1x16xf32>
        tpu.vector_store %arg14[%swap3A_351, %swap3A_352], %swap3A_355 {strides = array<i32>} : memref<80x128xf32, #tpu.memory_space<vmem>>, vector<1x16xf32>,
        %get3A_356 = arith.index_cast %scan3A_315 : i32 to index
        %get3A_357 = arith.constant 32 : index
        %get3A_358 = tpu.vector_load %arg12[%get3A_356, %get3A_357] {strides = array<i32>} : memref<80x128xf32, #tpu.memory_space<vmem>>, vector<1x16xf32>,
        %get3A_359 = vector.shape_cast %get3A_358 : vector<1x16xf32> to vector<16xf32>
        %get3A_360 = arith.index_cast %scan3A_315 : i32 to index
        %get3A_361 = arith.constant 32 : index
        %get3A_362 = tpu.vector_load %arg14[%get3A_360, %get3A_361] {strides = array<i32>} : memref<80x128xf32, #tpu.memory_space<vmem>>, vector<1x16xf32>,
        %get3A_363 = vector.shape_cast %get3A_362 : vector<1x16xf32> to vector<16xf32>
        %add3A_364 = arith.addf %get3A_359, %get3A_363 : vector<16xf32>
        %neg3A_365 = arith.constant 0.000000e+00 : f32
        %neg3A_366 = vector.broadcast %neg3A_365 : f32 to vector<16xf32>
        %neg3A_367 = arith.subf %neg3A_366, %add3A_364 : vector<16xf32>
        %exp3A_368 = math.exp %neg3A_367 : vector<16xf32>
        %add3A_369 = arith.constant 1.000000e+00 : f32
        %add3A_370 = vector.broadcast %add3A_369 : f32 to vector<16xf32>
        %add3A_371 = arith.addf %add3A_370, %exp3A_368 : vector<16xf32>
        %div3A_372 = arith.divf %add3A_364, %add3A_371 : vector<16xf32>
        %swap3A_373 = arith.index_cast %scan3A_315 : i32 to index
        %swap3A_374 = arith.constant 32 : index
        %swap3A_375 = tpu.vector_load %arg14[%swap3A_373, %swap3A_374] {strides = array<i32>} : memref<80x128xf32, #tpu.memory_space<vmem>>, vector<1x16xf32>,
        %swap3A_376 = vector.shape_cast %swap3A_375 : vector<1x16xf32> to vector<16xf32>
        %swap3A_377 = vector.shape_cast %div3A_372 : vector<16xf32> to vector<1x16xf32>
        tpu.vector_store %arg14[%swap3A_373, %swap3A_374], %swap3A_377 {strides = array<i32>} : memref<80x128xf32, #tpu.memory_space<vmem>>, vector<1x16xf32>,
        %get3A_378 = arith.index_cast %scan3A_315 : i32 to index
        %get3A_379 = arith.constant 48 : index
        %get3A_380 = tpu.vector_load %arg12[%get3A_378, %get3A_379] {strides = array<i32>} : memref<80x128xf32, #tpu.memory_space<vmem>>, vector<1x16xf32>,
        %get3A_381 = vector.shape_cast %get3A_380 : vector<1x16xf32> to vector<16xf32>
        %get3A_382 = arith.index_cast %scan3A_315 : i32 to index
        %get3A_383 = arith.constant 48 : index
        %get3A_384 = tpu.vector_load %arg14[%get3A_382, %get3A_383] {strides = array<i32>} : memref<80x128xf32, #tpu.memory_space<vmem>>, vector<1x16xf32>,
        %get3A_385 = vector.shape_cast %get3A_384 : vector<1x16xf32> to vector<16xf32>
        %add3A_386 = arith.addf %get3A_381, %get3A_385 : vector<16xf32>
        %neg3A_387 = arith.constant 0.000000e+00 : f32
        %neg3A_388 = vector.broadcast %neg3A_387 : f32 to vector<16xf32>
        %neg3A_389 = arith.subf %neg3A_388, %add3A_386 : vector<16xf32>
        %exp3A_390 = math.exp %neg3A_389 : vector<16xf32>
        %add3A_391 = arith.constant 1.000000e+00 : f32
        %add3A_392 = vector.broadcast %add3A_391 : f32 to vector<16xf32>
        %add3A_393 = arith.addf %add3A_392, %exp3A_390 : vector<16xf32>
        %div3A_394 = arith.divf %add3A_386, %add3A_393 : vector<16xf32>
        %swap3A_395 = arith.index_cast %scan3A_315 : i32 to index
        %swap3A_396 = arith.constant 48 : index
        %swap3A_397 = tpu.vector_load %arg14[%swap3A_395, %swap3A_396] {strides = array<i32>} : memref<80x128xf32, #tpu.memory_space<vmem>>, vector<1x16xf32>,
        %swap3A_398 = vector.shape_cast %swap3A_397 : vector<1x16xf32> to vector<16xf32>
        %swap3A_399 = vector.shape_cast %div3A_394 : vector<16xf32> to vector<1x16xf32>
        tpu.vector_store %arg14[%swap3A_395, %swap3A_396], %swap3A_399 {strides = array<i32>} : memref<80x128xf32, #tpu.memory_space<vmem>>, vector<1x16xf32>,
        %get3A_400 = arith.index_cast %scan3A_315 : i32 to index
        %get3A_401 = arith.constant 64 : index
        %get3A_402 = tpu.vector_load %arg12[%get3A_400, %get3A_401] {strides = array<i32>} : memref<80x128xf32, #tpu.memory_space<vmem>>, vector<1x16xf32>,
        %get3A_403 = vector.shape_cast %get3A_402 : vector<1x16xf32> to vector<16xf32>
        %get3A_404 = arith.index_cast %scan3A_315 : i32 to index
        %get3A_405 = arith.constant 64 : index
        %get3A_406 = tpu.vector_load %arg14[%get3A_404, %get3A_405] {strides = array<i32>} : memref<80x128xf32, #tpu.memory_space<vmem>>, vector<1x16xf32>,
        %get3A_407 = vector.shape_cast %get3A_406 : vector<1x16xf32> to vector<16xf32>
        %add3A_408 = arith.addf %get3A_403, %get3A_407 : vector<16xf32>
        %neg3A_409 = arith.constant 0.000000e+00 : f32
        %neg3A_410 = vector.broadcast %neg3A_409 : f32 to vector<16xf32>
        %neg3A_411 = arith.subf %neg3A_410, %add3A_408 : vector<16xf32>
        %exp3A_412 = math.exp %neg3A_411 : vector<16xf32>
        %add3A_413 = arith.constant 1.000000e+00 : f32
        %add3A_414 = vector.broadcast %add3A_413 : f32 to vector<16xf32>
        %add3A_415 = arith.addf %add3A_414, %exp3A_412 : vector<16xf32>
        %div3A_416 = arith.divf %add3A_408, %add3A_415 : vector<16xf32>
        %swap3A_417 = arith.index_cast %scan3A_315 : i32 to index
        %swap3A_418 = arith.constant 64 : index
        %swap3A_419 = tpu.vector_load %arg14[%swap3A_417, %swap3A_418] {strides = array<i32>} : memref<80x128xf32, #tpu.memory_space<vmem>>, vector<1x16xf32>,
        %swap3A_420 = vector.shape_cast %swap3A_419 : vector<1x16xf32> to vector<16xf32>
        %swap3A_421 = vector.shape_cast %div3A_416 : vector<16xf32> to vector<1x16xf32>
        tpu.vector_store %arg14[%swap3A_417, %swap3A_418], %swap3A_421 {strides = array<i32>} : memref<80x128xf32, #tpu.memory_space<vmem>>, vector<1x16xf32>,
        %get3A_422 = arith.index_cast %scan3A_315 : i32 to index
        %get3A_423 = arith.constant 80 : index
        %get3A_424 = tpu.vector_load %arg12[%get3A_422, %get3A_423] {strides = array<i32>} : memref<80x128xf32, #tpu.memory_space<vmem>>, vector<1x16xf32>,
        %get3A_425 = vector.shape_cast %get3A_424 : vector<1x16xf32> to vector<16xf32>
        %get3A_426 = arith.index_cast %scan3A_315 : i32 to index
        %get3A_427 = arith.constant 80 : index
        %get3A_428 = tpu.vector_load %arg14[%get3A_426, %get3A_427] {strides = array<i32>} : memref<80x128xf32, #tpu.memory_space<vmem>>, vector<1x16xf32>,
        %get3A_429 = vector.shape_cast %get3A_428 : vector<1x16xf32> to vector<16xf32>
        %add3A_430 = arith.addf %get3A_425, %get3A_429 : vector<16xf32>
        %neg3A_431 = arith.constant 0.000000e+00 : f32
        %neg3A_432 = vector.broadcast %neg3A_431 : f32 to vector<16xf32>
        %neg3A_433 = arith.subf %neg3A_432, %add3A_430 : vector<16xf32>
        %exp3A_434 = math.exp %neg3A_433 : vector<16xf32>
        %add3A_435 = arith.constant 1.000000e+00 : f32
        %add3A_436 = vector.broadcast %add3A_435 : f32 to vector<16xf32>
        %add3A_437 = arith.addf %add3A_436, %exp3A_434 : vector<16xf32>
        %div3A_438 = arith.divf %add3A_430, %add3A_437 : vector<16xf32>
        %swap3A_439 = arith.index_cast %scan3A_315 : i32 to index
        %swap3A_440 = arith.constant 80 : index
        %swap3A_441 = tpu.vector_load %arg14[%swap3A_439, %swap3A_440] {strides = array<i32>} : memref<80x128xf32, #tpu.memory_space<vmem>>, vector<1x16xf32>,
        %swap3A_442 = vector.shape_cast %swap3A_441 : vector<1x16xf32> to vector<16xf32>
        %swap3A_443 = vector.shape_cast %div3A_438 : vector<16xf32> to vector<1x16xf32>
        tpu.vector_store %arg14[%swap3A_439, %swap3A_440], %swap3A_443 {strides = array<i32>} : memref<80x128xf32, #tpu.memory_space<vmem>>, vector<1x16xf32>,
        %get3A_444 = arith.index_cast %scan3A_315 : i32 to index
        %get3A_445 = arith.constant 96 : index
        %get3A_446 = tpu.vector_load %arg12[%get3A_444, %get3A_445] {strides = array<i32>} : memref<80x128xf32, #tpu.memory_space<vmem>>, vector<1x16xf32>,
        %get3A_447 = vector.shape_cast %get3A_446 : vector<1x16xf32> to vector<16xf32>
        %get3A_448 = arith.index_cast %scan3A_315 : i32 to index
        %get3A_449 = arith.constant 96 : index
        %get3A_450 = tpu.vector_load %arg14[%get3A_448, %get3A_449] {strides = array<i32>} : memref<80x128xf32, #tpu.memory_space<vmem>>, vector<1x16xf32>,
        %get3A_451 = vector.shape_cast %get3A_450 : vector<1x16xf32> to vector<16xf32>
        %add3A_452 = arith.addf %get3A_447, %get3A_451 : vector<16xf32>
        %neg3A_453 = arith.constant 0.000000e+00 : f32
        %neg3A_454 = vector.broadcast %neg3A_453 : f32 to vector<16xf32>
        %neg3A_455 = arith.subf %neg3A_454, %add3A_452 : vector<16xf32>
        %exp3A_456 = math.exp %neg3A_455 : vector<16xf32>
        %add3A_457 = arith.constant 1.000000e+00 : f32
        %add3A_458 = vector.broadcast %add3A_457 : f32 to vector<16xf32>
        %add3A_459 = arith.addf %add3A_458, %exp3A_456 : vector<16xf32>
        %div3A_460 = arith.divf %add3A_452, %add3A_459 : vector<16xf32>
        %swap3A_461 = arith.index_cast %scan3A_315 : i32 to index
        %swap3A_462 = arith.constant 96 : index
        %swap3A_463 = tpu.vector_load %arg14[%swap3A_461, %swap3A_462] {strides = array<i32>} : memref<80x128xf32, #tpu.memory_space<vmem>>, vector<1x16xf32>,
        %swap3A_464 = vector.shape_cast %swap3A_463 : vector<1x16xf32> to vector<16xf32>
        %swap3A_465 = vector.shape_cast %div3A_460 : vector<16xf32> to vector<1x16xf32>
        tpu.vector_store %arg14[%swap3A_461, %swap3A_462], %swap3A_465 {strides = array<i32>} : memref<80x128xf32, #tpu.memory_space<vmem>>, vector<1x16xf32>,
        %get3A_466 = arith.index_cast %scan3A_315 : i32 to index
        %get3A_467 = arith.constant 112 : index
        %get3A_468 = tpu.vector_load %arg12[%get3A_466, %get3A_467] {strides = array<i32>} : memref<80x128xf32, #tpu.memory_space<vmem>>, vector<1x16xf32>,
        %get3A_469 = vector.shape_cast %get3A_468 : vector<1x16xf32> to vector<16xf32>
        %get3A_470 = arith.index_cast %scan3A_315 : i32 to index
        %get3A_471 = arith.constant 112 : index
        %get3A_472 = tpu.vector_load %arg14[%get3A_470, %get3A_471] {strides = array<i32>} : memref<80x128xf32, #tpu.memory_space<vmem>>, vector<1x16xf32>,
        %get3A_473 = vector.shape_cast %get3A_472 : vector<1x16xf32> to vector<16xf32>
        %add3A_474 = arith.addf %get3A_469, %get3A_473 : vector<16xf32>
        %neg3A_475 = arith.constant 0.000000e+00 : f32
        %neg3A_476 = vector.broadcast %neg3A_475 : f32 to vector<16xf32>
        %neg3A_477 = arith.subf %neg3A_476, %add3A_474 : vector<16xf32>
        %exp3A_478 = math.exp %neg3A_477 : vector<16xf32>
        %add3A_479 = arith.constant 1.000000e+00 : f32
        %add3A_480 = vector.broadcast %add3A_479 : f32 to vector<16xf32>
        %add3A_481 = arith.addf %add3A_480, %exp3A_478 : vector<16xf32>
        %div3A_482 = arith.divf %add3A_474, %add3A_481 : vector<16xf32>
        %swap3A_483 = arith.index_cast %scan3A_315 : i32 to index
        %swap3A_484 = arith.constant 112 : index
        %swap3A_485 = tpu.vector_load %arg14[%swap3A_483, %swap3A_484] {strides = array<i32>} : memref<80x128xf32, #tpu.memory_space<vmem>>, vector<1x16xf32>,
        %swap3A_486 = vector.shape_cast %swap3A_485 : vector<1x16xf32> to vector<16xf32>
        %swap3A_487 = vector.shape_cast %div3A_482 : vector<16xf32> to vector<1x16xf32>
        tpu.vector_store %arg14[%swap3A_483, %swap3A_484], %swap3A_487 {strides = array<i32>} : memref<80x128xf32, #tpu.memory_space<vmem>>, vector<1x16xf32>,
        %scan3A_488 = arith.constant 0 : i32
        scf.yield %scan3A_488 : i32
      }
      %scan3A_305 = arith.constant 80 : i32
      %run_scoped3A_306 = arith.constant 1 : i32
      "tpu.region"() ({
        %run_scoped3A_315 = tpu.sem_alloc : memref<!tpu.dma_semaphore, #tpu.memory_space<semaphore_mem>>
        %dma_start3A_316 = arith.constant 0 : i32
        %dma_start3A_317 = tpu.memref_slice %arg10[%run_scoped3A_306, %dma_start3A_316] : memref<2x80xi32, #tpu.memory_space<vmem>> -> memref<1x80xi32, #tpu.memory_space<vmem>>
        %dma_start3A_318 = tpu.memref_squeeze %dma_start3A_317 : memref<1x80xi32, #tpu.memory_space<vmem>> -> memref<80xi32, #tpu.memory_space<vmem>>
        %dma_start3A_319 = arith.constant 0 : i32
        %dma_start3A_320 = arith.constant 0 : i32
        %dma_start3A_321 = tpu.memref_slice %arg6[%dma_start3A_319, %dma_start3A_320] : memref<10240x128xf32, #tpu.memory_space<vmem_shared>> -> memref<10240x128xf32, #tpu.memory_space<vmem_shared>>
        tpu.enqueue_indirect_dma source(%arg14 : memref<80x128xf32, #tpu.memory_space<vmem>>) target(%dma_start3A_321 : memref<10240x128xf32, #tpu.memory_space<vmem_shared>>) offsets(%dma_start3A_318 : memref<80xi32, #tpu.memory_space<vmem>>) semaphore(%run_scoped3A_315 : memref<!tpu.dma_semaphore, #tpu.memory_space<semaphore_mem>>) {add = true}
        %dma_wait3A_322 = arith.constant 0 : i32
        %dma_wait3A_323 = tpu.memref_slice %arg10[%run_scoped3A_306, %dma_wait3A_322] : memref<2x80xi32, #tpu.memory_space<vmem>> -> memref<1x80xi32, #tpu.memory_space<vmem>>
        %dma_wait3A_324 = tpu.memref_squeeze %dma_wait3A_323 : memref<1x80xi32, #tpu.memory_space<vmem>> -> memref<80xi32, #tpu.memory_space<vmem>>
        %dma_wait3A_325 = arith.constant 0 : i32
        %dma_wait3A_326 = arith.constant 0 : i32
        %dma_wait3A_327 = tpu.memref_slice %arg6[%dma_wait3A_325, %dma_wait3A_326] : memref<10240x128xf32, #tpu.memory_space<vmem_shared>> -> memref<10240x128xf32, #tpu.memory_space<vmem_shared>>
        tpu.wait_indirect_dma semaphore(%run_scoped3A_315 : memref<!tpu.dma_semaphore, #tpu.memory_space<semaphore_mem>>) src(%arg14 : memref<80x128xf32, #tpu.memory_space<vmem>>) dst(%dma_wait3A_327 : memref<10240x128xf32, #tpu.memory_space<vmem_shared>>)
        tpu.yield
      }) : () -> ()
      %add3A_307 = arith.constant 2 : i32
      %add3A_308 = arith.addi %add3A_284, %add3A_307 : i32
      %lt3A_309 = arith.constant 125 : i32
      %lt3A_310 = arith.cmpi slt, %add3A_308, %lt3A_309 : i32
      %convert_element_type3A_311 = arith.extui %lt3A_310 : i1 to i32
      %cond3A_312 = arith.constant 0 : i32
      %cond3A_313 = arith.cmpi ne, %convert_element_type3A_311, %cond3A_312 : i32
      scf.if %cond3A_313 {
        %add3A_315 = arith.constant 2 : i32
        %add3A_316 = arith.addi %add3A_284, %add3A_315 : i32
        %add3A_317 = arith.addi %mul3A_42, %add3A_316 : i32
        %dma_wait3A_318 = arith.constant 0 : i32
        %dma_wait3A_319 = arith.constant 0 : i32
        %dma_wait3A_320 = tpu.memref_slice %arg4[%add3A_317, %dma_wait3A_318, %dma_wait3A_319] : memref<4000x2x80xi32, #tpu.memory_space<hbm>> -> memref<1x2x80xi32, #tpu.memory_space<hbm>>
        %dma_wait3A_321 = tpu.memref_squeeze %dma_wait3A_320 : memref<1x2x80xi32, #tpu.memory_space<hbm>> -> memref<2x80xi32, #tpu.memory_space<hbm>>
        %dma_wait3A_322 = arith.constant 0 : i32
        %dma_wait3A_323 = arith.constant 0 : i32
        %dma_wait3A_324 = tpu.memref_slice %arg4[%add3A_317, %dma_wait3A_322, %dma_wait3A_323] : memref<4000x2x80xi32, #tpu.memory_space<hbm>> -> memref<1x2x80xi32, #tpu.memory_space<hbm>>
        %dma_wait3A_325 = tpu.memref_squeeze %dma_wait3A_324 : memref<1x2x80xi32, #tpu.memory_space<hbm>> -> memref<2x80xi32, #tpu.memory_space<hbm>>
        tpu.wait_dma2 semaphore(%arg20 : memref<!tpu.dma_semaphore, #tpu.memory_space<semaphore_mem>>) src(%dma_wait3A_325 : memref<2x80xi32, #tpu.memory_space<hbm>>) dst(%arg8 : memref<2x80xi32, #tpu.memory_space<vmem>>)
        %dma_start3A_326 = arith.constant 0 : i32
        %dma_start3A_327 = arith.constant 0 : i32
        %dma_start3A_328 = tpu.memref_slice %arg8[%dma_start3A_326, %dma_start3A_327] : memref<2x80xi32, #tpu.memory_space<vmem>> -> memref<1x80xi32, #tpu.memory_space<vmem>>
        %dma_start3A_329 = tpu.memref_squeeze %dma_start3A_328 : memref<1x80xi32, #tpu.memory_space<vmem>> -> memref<80xi32, #tpu.memory_space<vmem>>
        %dma_start3A_330 = arith.constant 0 : i32
        %dma_start3A_331 = arith.constant 0 : i32
        %dma_start3A_332 = tpu.memref_slice %arg2[%dma_start3A_330, %dma_start3A_331] : memref<10000x128xf32, #tpu.memory_space<hbm>> -> memref<10000x128xf32, #tpu.memory_space<hbm>>
        tpu.enqueue_indirect_dma source(%dma_start3A_332 : memref<10000x128xf32, #tpu.memory_space<hbm>>) target(%arg12 : memref<80x128xf32, #tpu.memory_space<vmem>>) offsets(%dma_start3A_329 : memref<80xi32, #tpu.memory_space<vmem>>) semaphore(%arg16 : memref<!tpu.dma_semaphore, #tpu.memory_space<semaphore_mem>>)
        %mul3A_333 = arith.constant 80 : i32
        %mul3A_334 = arith.muli %add3A_316, %mul3A_333 : i32
        %add3A_335 = arith.addi %mul3A_40, %mul3A_334 : i32
        %dma_start3A_336 = arith.constant 0 : i32
        %dma_start3A_337 = tpu.memref_slice %arg3[%add3A_335, %dma_start3A_336] : memref<320000x128xf32, #tpu.memory_space<hbm>> -> memref<80x128xf32, #tpu.memory_space<hbm>>
        %dma_start3A_338 = arith.constant 0 : i32
        %dma_start3A_339 = tpu.memref_slice %arg3[%add3A_335, %dma_start3A_338] : memref<320000x128xf32, #tpu.memory_space<hbm>> -> memref<80x128xf32, #tpu.memory_space<hbm>>
        tpu.enqueue_dma source(%dma_start3A_339 : memref<80x128xf32, #tpu.memory_space<hbm>>) target(%arg14 : memref<80x128xf32, #tpu.memory_space<vmem>>) target_semaphore(%arg18 : memref<!tpu.dma_semaphore, #tpu.memory_space<semaphore_mem>>)
        %add3A_340 = arith.constant 2 : i32
        %add3A_341 = arith.addi %add3A_316, %add3A_340 : i32
        %lt3A_342 = arith.constant 125 : i32
        %lt3A_343 = arith.cmpi slt, %add3A_341, %lt3A_342 : i32
        %convert_element_type3A_344 = arith.extui %lt3A_343 : i1 to i32
        %cond3A_345 = arith.constant 0 : i32
        %cond3A_346 = arith.cmpi ne, %convert_element_type3A_344, %cond3A_345 : i32
        scf.if %cond3A_346 {
          %add3A_347 = arith.addi %mul3A_42, %add3A_316 : i32
          %add3A_348 = arith.constant 2 : i32
          %add3A_349 = arith.addi %add3A_347, %add3A_348 : i32
          %dma_start3A_350 = arith.constant 0 : i32
          %dma_start3A_351 = arith.constant 0 : i32
          %dma_start3A_352 = tpu.memref_slice %arg4[%add3A_349, %dma_start3A_350, %dma_start3A_351] : memref<4000x2x80xi32, #tpu.memory_space<hbm>> -> memref<1x2x80xi32, #tpu.memory_space<hbm>>
          %dma_start3A_353 = tpu.memref_squeeze %dma_start3A_352 : memref<1x2x80xi32, #tpu.memory_space<hbm>> -> memref<2x80xi32, #tpu.memory_space<hbm>>
          %dma_start3A_354 = arith.constant 0 : i32
          %dma_start3A_355 = arith.constant 0 : i32
          %dma_start3A_356 = tpu.memref_slice %arg4[%add3A_349, %dma_start3A_354, %dma_start3A_355] : memref<4000x2x80xi32, #tpu.memory_space<hbm>> -> memref<1x2x80xi32, #tpu.memory_space<hbm>>
          %dma_start3A_357 = tpu.memref_squeeze %dma_start3A_356 : memref<1x2x80xi32, #tpu.memory_space<hbm>> -> memref<2x80xi32, #tpu.memory_space<hbm>>
          tpu.enqueue_dma source(%dma_start3A_357 : memref<2x80xi32, #tpu.memory_space<hbm>>) target(%arg10 : memref<2x80xi32, #tpu.memory_space<vmem>>) target_semaphore(%arg20 : memref<!tpu.dma_semaphore, #tpu.memory_space<semaphore_mem>>)
        } else {
        }
      } else {
      }
      %scan3A_314 = arith.constant 0 : i32
      scf.yield %scan3A_314 : i32
    }
    %scan3A_135 = arith.constant 31 : i32
    %dma_wait3A_136 = arith.constant 0 : i32
    %dma_wait3A_137 = arith.constant 0 : i32
    %dma_wait3A_138 = tpu.memref_slice %arg7[%dma_wait3A_136, %dma_wait3A_137] : memref<2x80xi32, #tpu.memory_space<vmem>> -> memref<1x80xi32, #tpu.memory_space<vmem>>
    %dma_wait3A_139 = tpu.memref_squeeze %dma_wait3A_138 : memref<1x80xi32, #tpu.memory_space<vmem>> -> memref<80xi32, #tpu.memory_space<vmem>>
    %dma_wait3A_140 = arith.constant 0 : i32
    %dma_wait3A_141 = arith.constant 0 : i32
    %dma_wait3A_142 = tpu.memref_slice %arg2[%dma_wait3A_140, %dma_wait3A_141] : memref<10000x128xf32, #tpu.memory_space<hbm>> -> memref<10000x128xf32, #tpu.memory_space<hbm>>
    tpu.wait_indirect_dma semaphore(%arg15 : memref<!tpu.dma_semaphore, #tpu.memory_space<semaphore_mem>>) src(%dma_wait3A_142 : memref<10000x128xf32, #tpu.memory_space<hbm>>) dst(%arg11 : memref<80x128xf32, #tpu.memory_space<vmem>>)
    %add3A_143 = arith.constant 9920 : i32
    %add3A_144 = arith.addi %mul3A_40, %add3A_143 : i32
    %dma_wait3A_145 = arith.constant 0 : i32
    %dma_wait3A_146 = tpu.memref_slice %arg3[%add3A_144, %dma_wait3A_145] : memref<320000x128xf32, #tpu.memory_space<hbm>> -> memref<80x128xf32, #tpu.memory_space<hbm>>
    %dma_wait3A_147 = arith.constant 0 : i32
    %dma_wait3A_148 = tpu.memref_slice %arg3[%add3A_144, %dma_wait3A_147] : memref<320000x128xf32, #tpu.memory_space<hbm>> -> memref<80x128xf32, #tpu.memory_space<hbm>>
    tpu.wait_dma2 semaphore(%arg17 : memref<!tpu.dma_semaphore, #tpu.memory_space<semaphore_mem>>) src(%dma_wait3A_148 : memref<80x128xf32, #tpu.memory_space<hbm>>) dst(%arg13 : memref<80x128xf32, #tpu.memory_space<vmem>>)
    %scan3A_149 = arith.constant 0 : i32
    %scan3A_150 = arith.constant 0 : i32
    %scan3A_151 = arith.constant 80 : i32
    %scan3A_152 = arith.addi %scan3A_150, %scan3A_151 : i32
    %scan3A_153 = arith.constant 1 : i32
    %scan3A_154 = scf.for %scan3A_189 = %scan3A_150 to %scan3A_152 step %scan3A_153 iter_args(%scan3A_190 = %scan3A_149) -> (i32)  : i32 {
      %get3A = arith.index_cast %scan3A_189 : i32 to index
      %get3A_191 = arith.constant 0 : index
      %get3A_192 = tpu.vector_load %arg11[%get3A, %get3A_191] {strides = array<i32>} : memref<80x128xf32, #tpu.memory_space<vmem>>, vector<1x16xf32>,
      %get3A_193 = vector.shape_cast %get3A_192 : vector<1x16xf32> to vector<16xf32>
      %get3A_194 = arith.index_cast %scan3A_189 : i32 to index
      %get3A_195 = arith.constant 0 : index
      %get3A_196 = tpu.vector_load %arg13[%get3A_194, %get3A_195] {strides = array<i32>} : memref<80x128xf32, #tpu.memory_space<vmem>>, vector<1x16xf32>,
      %get3A_197 = vector.shape_cast %get3A_196 : vector<1x16xf32> to vector<16xf32>
      %add3A_198 = arith.addf %get3A_193, %get3A_197 : vector<16xf32>
      %neg3A = arith.constant 0.000000e+00 : f32
      %neg3A_199 = vector.broadcast %neg3A : f32 to vector<16xf32>
      %neg3A_200 = arith.subf %neg3A_199, %add3A_198 : vector<16xf32>
      %exp3A = math.exp %neg3A_200 : vector<16xf32>
      %add3A_201 = arith.constant 1.000000e+00 : f32
      %add3A_202 = vector.broadcast %add3A_201 : f32 to vector<16xf32>
      %add3A_203 = arith.addf %add3A_202, %exp3A : vector<16xf32>
      %div3A = arith.divf %add3A_198, %add3A_203 : vector<16xf32>
      %swap3A = arith.index_cast %scan3A_189 : i32 to index
      %swap3A_204 = arith.constant 0 : index
      %swap3A_205 = tpu.vector_load %arg13[%swap3A, %swap3A_204] {strides = array<i32>} : memref<80x128xf32, #tpu.memory_space<vmem>>, vector<1x16xf32>,
      %swap3A_206 = vector.shape_cast %swap3A_205 : vector<1x16xf32> to vector<16xf32>
      %swap3A_207 = vector.shape_cast %div3A : vector<16xf32> to vector<1x16xf32>
      tpu.vector_store %arg13[%swap3A, %swap3A_204], %swap3A_207 {strides = array<i32>} : memref<80x128xf32, #tpu.memory_space<vmem>>, vector<1x16xf32>,
      %get3A_208 = arith.index_cast %scan3A_189 : i32 to index
      %get3A_209 = arith.constant 16 : index
      %get3A_210 = tpu.vector_load %arg11[%get3A_208, %get3A_209] {strides = array<i32>} : memref<80x128xf32, #tpu.memory_space<vmem>>, vector<1x16xf32>,
      %get3A_211 = vector.shape_cast %get3A_210 : vector<1x16xf32> to vector<16xf32>
      %get3A_212 = arith.index_cast %scan3A_189 : i32 to index
      %get3A_213 = arith.constant 16 : index
      %get3A_214 = tpu.vector_load %arg13[%get3A_212, %get3A_213] {strides = array<i32>} : memref<80x128xf32, #tpu.memory_space<vmem>>, vector<1x16xf32>,
      %get3A_215 = vector.shape_cast %get3A_214 : vector<1x16xf32> to vector<16xf32>
      %add3A_216 = arith.addf %get3A_211, %get3A_215 : vector<16xf32>
      %neg3A_217 = arith.constant 0.000000e+00 : f32
      %neg3A_218 = vector.broadcast %neg3A_217 : f32 to vector<16xf32>
      %neg3A_219 = arith.subf %neg3A_218, %add3A_216 : vector<16xf32>
      %exp3A_220 = math.exp %neg3A_219 : vector<16xf32>
      %add3A_221 = arith.constant 1.000000e+00 : f32
      %add3A_222 = vector.broadcast %add3A_221 : f32 to vector<16xf32>
      %add3A_223 = arith.addf %add3A_222, %exp3A_220 : vector<16xf32>
      %div3A_224 = arith.divf %add3A_216, %add3A_223 : vector<16xf32>
      %swap3A_225 = arith.index_cast %scan3A_189 : i32 to index
      %swap3A_226 = arith.constant 16 : index
      %swap3A_227 = tpu.vector_load %arg13[%swap3A_225, %swap3A_226] {strides = array<i32>} : memref<80x128xf32, #tpu.memory_space<vmem>>, vector<1x16xf32>,
      %swap3A_228 = vector.shape_cast %swap3A_227 : vector<1x16xf32> to vector<16xf32>
      %swap3A_229 = vector.shape_cast %div3A_224 : vector<16xf32> to vector<1x16xf32>
      tpu.vector_store %arg13[%swap3A_225, %swap3A_226], %swap3A_229 {strides = array<i32>} : memref<80x128xf32, #tpu.memory_space<vmem>>, vector<1x16xf32>,
      %get3A_230 = arith.index_cast %scan3A_189 : i32 to index
      %get3A_231 = arith.constant 32 : index
      %get3A_232 = tpu.vector_load %arg11[%get3A_230, %get3A_231] {strides = array<i32>} : memref<80x128xf32, #tpu.memory_space<vmem>>, vector<1x16xf32>,
      %get3A_233 = vector.shape_cast %get3A_232 : vector<1x16xf32> to vector<16xf32>
      %get3A_234 = arith.index_cast %scan3A_189 : i32 to index
      %get3A_235 = arith.constant 32 : index
      %get3A_236 = tpu.vector_load %arg13[%get3A_234, %get3A_235] {strides = array<i32>} : memref<80x128xf32, #tpu.memory_space<vmem>>, vector<1x16xf32>,
      %get3A_237 = vector.shape_cast %get3A_236 : vector<1x16xf32> to vector<16xf32>
      %add3A_238 = arith.addf %get3A_233, %get3A_237 : vector<16xf32>
      %neg3A_239 = arith.constant 0.000000e+00 : f32
      %neg3A_240 = vector.broadcast %neg3A_239 : f32 to vector<16xf32>
      %neg3A_241 = arith.subf %neg3A_240, %add3A_238 : vector<16xf32>
      %exp3A_242 = math.exp %neg3A_241 : vector<16xf32>
      %add3A_243 = arith.constant 1.000000e+00 : f32
      %add3A_244 = vector.broadcast %add3A_243 : f32 to vector<16xf32>
      %add3A_245 = arith.addf %add3A_244, %exp3A_242 : vector<16xf32>
      %div3A_246 = arith.divf %add3A_238, %add3A_245 : vector<16xf32>
      %swap3A_247 = arith.index_cast %scan3A_189 : i32 to index
      %swap3A_248 = arith.constant 32 : index
      %swap3A_249 = tpu.vector_load %arg13[%swap3A_247, %swap3A_248] {strides = array<i32>} : memref<80x128xf32, #tpu.memory_space<vmem>>, vector<1x16xf32>,
      %swap3A_250 = vector.shape_cast %swap3A_249 : vector<1x16xf32> to vector<16xf32>
      %swap3A_251 = vector.shape_cast %div3A_246 : vector<16xf32> to vector<1x16xf32>
      tpu.vector_store %arg13[%swap3A_247, %swap3A_248], %swap3A_251 {strides = array<i32>} : memref<80x128xf32, #tpu.memory_space<vmem>>, vector<1x16xf32>,
      %get3A_252 = arith.index_cast %scan3A_189 : i32 to index
      %get3A_253 = arith.constant 48 : index
      %get3A_254 = tpu.vector_load %arg11[%get3A_252, %get3A_253] {strides = array<i32>} : memref<80x128xf32, #tpu.memory_space<vmem>>, vector<1x16xf32>,
      %get3A_255 = vector.shape_cast %get3A_254 : vector<1x16xf32> to vector<16xf32>
      %get3A_256 = arith.index_cast %scan3A_189 : i32 to index
      %get3A_257 = arith.constant 48 : index
      %get3A_258 = tpu.vector_load %arg13[%get3A_256, %get3A_257] {strides = array<i32>} : memref<80x128xf32, #tpu.memory_space<vmem>>, vector<1x16xf32>,
      %get3A_259 = vector.shape_cast %get3A_258 : vector<1x16xf32> to vector<16xf32>
      %add3A_260 = arith.addf %get3A_255, %get3A_259 : vector<16xf32>
      %neg3A_261 = arith.constant 0.000000e+00 : f32
      %neg3A_262 = vector.broadcast %neg3A_261 : f32 to vector<16xf32>
      %neg3A_263 = arith.subf %neg3A_262, %add3A_260 : vector<16xf32>
      %exp3A_264 = math.exp %neg3A_263 : vector<16xf32>
      %add3A_265 = arith.constant 1.000000e+00 : f32
      %add3A_266 = vector.broadcast %add3A_265 : f32 to vector<16xf32>
      %add3A_267 = arith.addf %add3A_266, %exp3A_264 : vector<16xf32>
      %div3A_268 = arith.divf %add3A_260, %add3A_267 : vector<16xf32>
      %swap3A_269 = arith.index_cast %scan3A_189 : i32 to index
      %swap3A_270 = arith.constant 48 : index
      %swap3A_271 = tpu.vector_load %arg13[%swap3A_269, %swap3A_270] {strides = array<i32>} : memref<80x128xf32, #tpu.memory_space<vmem>>, vector<1x16xf32>,
      %swap3A_272 = vector.shape_cast %swap3A_271 : vector<1x16xf32> to vector<16xf32>
      %swap3A_273 = vector.shape_cast %div3A_268 : vector<16xf32> to vector<1x16xf32>
      tpu.vector_store %arg13[%swap3A_269, %swap3A_270], %swap3A_273 {strides = array<i32>} : memref<80x128xf32, #tpu.memory_space<vmem>>, vector<1x16xf32>,
      %get3A_274 = arith.index_cast %scan3A_189 : i32 to index
      %get3A_275 = arith.constant 64 : index
      %get3A_276 = tpu.vector_load %arg11[%get3A_274, %get3A_275] {strides = array<i32>} : memref<80x128xf32, #tpu.memory_space<vmem>>, vector<1x16xf32>,
      %get3A_277 = vector.shape_cast %get3A_276 : vector<1x16xf32> to vector<16xf32>
      %get3A_278 = arith.index_cast %scan3A_189 : i32 to index
      %get3A_279 = arith.constant 64 : index
      %get3A_280 = tpu.vector_load %arg13[%get3A_278, %get3A_279] {strides = array<i32>} : memref<80x128xf32, #tpu.memory_space<vmem>>, vector<1x16xf32>,
      %get3A_281 = vector.shape_cast %get3A_280 : vector<1x16xf32> to vector<16xf32>
      %add3A_282 = arith.addf %get3A_277, %get3A_281 : vector<16xf32>
      %neg3A_283 = arith.constant 0.000000e+00 : f32
      %neg3A_284 = vector.broadcast %neg3A_283 : f32 to vector<16xf32>
      %neg3A_285 = arith.subf %neg3A_284, %add3A_282 : vector<16xf32>
      %exp3A_286 = math.exp %neg3A_285 : vector<16xf32>
      %add3A_287 = arith.constant 1.000000e+00 : f32
      %add3A_288 = vector.broadcast %add3A_287 : f32 to vector<16xf32>
      %add3A_289 = arith.addf %add3A_288, %exp3A_286 : vector<16xf32>
      %div3A_290 = arith.divf %add3A_282, %add3A_289 : vector<16xf32>
      %swap3A_291 = arith.index_cast %scan3A_189 : i32 to index
      %swap3A_292 = arith.constant 64 : index
      %swap3A_293 = tpu.vector_load %arg13[%swap3A_291, %swap3A_292] {strides = array<i32>} : memref<80x128xf32, #tpu.memory_space<vmem>>, vector<1x16xf32>,
      %swap3A_294 = vector.shape_cast %swap3A_293 : vector<1x16xf32> to vector<16xf32>
      %swap3A_295 = vector.shape_cast %div3A_290 : vector<16xf32> to vector<1x16xf32>
      tpu.vector_store %arg13[%swap3A_291, %swap3A_292], %swap3A_295 {strides = array<i32>} : memref<80x128xf32, #tpu.memory_space<vmem>>, vector<1x16xf32>,
      %get3A_296 = arith.index_cast %scan3A_189 : i32 to index
      %get3A_297 = arith.constant 80 : index
      %get3A_298 = tpu.vector_load %arg11[%get3A_296, %get3A_297] {strides = array<i32>} : memref<80x128xf32, #tpu.memory_space<vmem>>, vector<1x16xf32>,
      %get3A_299 = vector.shape_cast %get3A_298 : vector<1x16xf32> to vector<16xf32>
      %get3A_300 = arith.index_cast %scan3A_189 : i32 to index
      %get3A_301 = arith.constant 80 : index
      %get3A_302 = tpu.vector_load %arg13[%get3A_300, %get3A_301] {strides = array<i32>} : memref<80x128xf32, #tpu.memory_space<vmem>>, vector<1x16xf32>,
      %get3A_303 = vector.shape_cast %get3A_302 : vector<1x16xf32> to vector<16xf32>
      %add3A_304 = arith.addf %get3A_299, %get3A_303 : vector<16xf32>
      %neg3A_305 = arith.constant 0.000000e+00 : f32
      %neg3A_306 = vector.broadcast %neg3A_305 : f32 to vector<16xf32>
      %neg3A_307 = arith.subf %neg3A_306, %add3A_304 : vector<16xf32>
      %exp3A_308 = math.exp %neg3A_307 : vector<16xf32>
      %add3A_309 = arith.constant 1.000000e+00 : f32
      %add3A_310 = vector.broadcast %add3A_309 : f32 to vector<16xf32>
      %add3A_311 = arith.addf %add3A_310, %exp3A_308 : vector<16xf32>
      %div3A_312 = arith.divf %add3A_304, %add3A_311 : vector<16xf32>
      %swap3A_313 = arith.index_cast %scan3A_189 : i32 to index
      %swap3A_314 = arith.constant 80 : index
      %swap3A_315 = tpu.vector_load %arg13[%swap3A_313, %swap3A_314] {strides = array<i32>} : memref<80x128xf32, #tpu.memory_space<vmem>>, vector<1x16xf32>,
      %swap3A_316 = vector.shape_cast %swap3A_315 : vector<1x16xf32> to vector<16xf32>
      %swap3A_317 = vector.shape_cast %div3A_312 : vector<16xf32> to vector<1x16xf32>
      tpu.vector_store %arg13[%swap3A_313, %swap3A_314], %swap3A_317 {strides = array<i32>} : memref<80x128xf32, #tpu.memory_space<vmem>>, vector<1x16xf32>,
      %get3A_318 = arith.index_cast %scan3A_189 : i32 to index
      %get3A_319 = arith.constant 96 : index
      %get3A_320 = tpu.vector_load %arg11[%get3A_318, %get3A_319] {strides = array<i32>} : memref<80x128xf32, #tpu.memory_space<vmem>>, vector<1x16xf32>,
      %get3A_321 = vector.shape_cast %get3A_320 : vector<1x16xf32> to vector<16xf32>
      %get3A_322 = arith.index_cast %scan3A_189 : i32 to index
      %get3A_323 = arith.constant 96 : index
      %get3A_324 = tpu.vector_load %arg13[%get3A_322, %get3A_323] {strides = array<i32>} : memref<80x128xf32, #tpu.memory_space<vmem>>, vector<1x16xf32>,
      %get3A_325 = vector.shape_cast %get3A_324 : vector<1x16xf32> to vector<16xf32>
      %add3A_326 = arith.addf %get3A_321, %get3A_325 : vector<16xf32>
      %neg3A_327 = arith.constant 0.000000e+00 : f32
      %neg3A_328 = vector.broadcast %neg3A_327 : f32 to vector<16xf32>
      %neg3A_329 = arith.subf %neg3A_328, %add3A_326 : vector<16xf32>
      %exp3A_330 = math.exp %neg3A_329 : vector<16xf32>
      %add3A_331 = arith.constant 1.000000e+00 : f32
      %add3A_332 = vector.broadcast %add3A_331 : f32 to vector<16xf32>
      %add3A_333 = arith.addf %add3A_332, %exp3A_330 : vector<16xf32>
      %div3A_334 = arith.divf %add3A_326, %add3A_333 : vector<16xf32>
      %swap3A_335 = arith.index_cast %scan3A_189 : i32 to index
      %swap3A_336 = arith.constant 96 : index
      %swap3A_337 = tpu.vector_load %arg13[%swap3A_335, %swap3A_336] {strides = array<i32>} : memref<80x128xf32, #tpu.memory_space<vmem>>, vector<1x16xf32>,
      %swap3A_338 = vector.shape_cast %swap3A_337 : vector<1x16xf32> to vector<16xf32>
      %swap3A_339 = vector.shape_cast %div3A_334 : vector<16xf32> to vector<1x16xf32>
      tpu.vector_store %arg13[%swap3A_335, %swap3A_336], %swap3A_339 {strides = array<i32>} : memref<80x128xf32, #tpu.memory_space<vmem>>, vector<1x16xf32>,
      %get3A_340 = arith.index_cast %scan3A_189 : i32 to index
      %get3A_341 = arith.constant 112 : index
      %get3A_342 = tpu.vector_load %arg11[%get3A_340, %get3A_341] {strides = array<i32>} : memref<80x128xf32, #tpu.memory_space<vmem>>, vector<1x16xf32>,
      %get3A_343 = vector.shape_cast %get3A_342 : vector<1x16xf32> to vector<16xf32>
      %get3A_344 = arith.index_cast %scan3A_189 : i32 to index
      %get3A_345 = arith.constant 112 : index
      %get3A_346 = tpu.vector_load %arg13[%get3A_344, %get3A_345] {strides = array<i32>} : memref<80x128xf32, #tpu.memory_space<vmem>>, vector<1x16xf32>,
      %get3A_347 = vector.shape_cast %get3A_346 : vector<1x16xf32> to vector<16xf32>
      %add3A_348 = arith.addf %get3A_343, %get3A_347 : vector<16xf32>
      %neg3A_349 = arith.constant 0.000000e+00 : f32
      %neg3A_350 = vector.broadcast %neg3A_349 : f32 to vector<16xf32>
      %neg3A_351 = arith.subf %neg3A_350, %add3A_348 : vector<16xf32>
      %exp3A_352 = math.exp %neg3A_351 : vector<16xf32>
      %add3A_353 = arith.constant 1.000000e+00 : f32
      %add3A_354 = vector.broadcast %add3A_353 : f32 to vector<16xf32>
      %add3A_355 = arith.addf %add3A_354, %exp3A_352 : vector<16xf32>
      %div3A_356 = arith.divf %add3A_348, %add3A_355 : vector<16xf32>
      %swap3A_357 = arith.index_cast %scan3A_189 : i32 to index
      %swap3A_358 = arith.constant 112 : index
      %swap3A_359 = tpu.vector_load %arg13[%swap3A_357, %swap3A_358] {strides = array<i32>} : memref<80x128xf32, #tpu.memory_space<vmem>>, vector<1x16xf32>,
      %swap3A_360 = vector.shape_cast %swap3A_359 : vector<1x16xf32> to vector<16xf32>
      %swap3A_361 = vector.shape_cast %div3A_356 : vector<16xf32> to vector<1x16xf32>
      tpu.vector_store %arg13[%swap3A_357, %swap3A_358], %swap3A_361 {strides = array<i32>} : memref<80x128xf32, #tpu.memory_space<vmem>>, vector<1x16xf32>,
      %scan3A_362 = arith.constant 0 : i32
      scf.yield %scan3A_362 : i32
    }
    %scan3A_155 = arith.constant 80 : i32
    %run_scoped3A = arith.constant 1 : i32
    "tpu.region"() ({
      %run_scoped3A_189 = tpu.sem_alloc : memref<!tpu.dma_semaphore, #tpu.memory_space<semaphore_mem>>
      %dma_start3A_190 = arith.constant 0 : i32
      %dma_start3A_191 = tpu.memref_slice %arg7[%run_scoped3A, %dma_start3A_190] : memref<2x80xi32, #tpu.memory_space<vmem>> -> memref<1x80xi32, #tpu.memory_space<vmem>>
      %dma_start3A_192 = tpu.memref_squeeze %dma_start3A_191 : memref<1x80xi32, #tpu.memory_space<vmem>> -> memref<80xi32, #tpu.memory_space<vmem>>
      %dma_start3A_193 = arith.constant 0 : i32
      %dma_start3A_194 = arith.constant 0 : i32
      %dma_start3A_195 = tpu.memref_slice %arg6[%dma_start3A_193, %dma_start3A_194] : memref<10240x128xf32, #tpu.memory_space<vmem_shared>> -> memref<10240x128xf32, #tpu.memory_space<vmem_shared>>
      tpu.enqueue_indirect_dma source(%arg13 : memref<80x128xf32, #tpu.memory_space<vmem>>) target(%dma_start3A_195 : memref<10240x128xf32, #tpu.memory_space<vmem_shared>>) offsets(%dma_start3A_192 : memref<80xi32, #tpu.memory_space<vmem>>) semaphore(%run_scoped3A_189 : memref<!tpu.dma_semaphore, #tpu.memory_space<semaphore_mem>>) {add = true}
      %dma_wait3A_196 = arith.constant 0 : i32
      %dma_wait3A_197 = tpu.memref_slice %arg7[%run_scoped3A, %dma_wait3A_196] : memref<2x80xi32, #tpu.memory_space<vmem>> -> memref<1x80xi32, #tpu.memory_space<vmem>>
      %dma_wait3A_198 = tpu.memref_squeeze %dma_wait3A_197 : memref<1x80xi32, #tpu.memory_space<vmem>> -> memref<80xi32, #tpu.memory_space<vmem>>
      %dma_wait3A_199 = arith.constant 0 : i32
      %dma_wait3A_200 = arith.constant 0 : i32
      %dma_wait3A_201 = tpu.memref_slice %arg6[%dma_wait3A_199, %dma_wait3A_200] : memref<10240x128xf32, #tpu.memory_space<vmem_shared>> -> memref<10240x128xf32, #tpu.memory_space<vmem_shared>>
      tpu.wait_indirect_dma semaphore(%run_scoped3A_189 : memref<!tpu.dma_semaphore, #tpu.memory_space<semaphore_mem>>) src(%arg13 : memref<80x128xf32, #tpu.memory_space<vmem>>) dst(%dma_wait3A_201 : memref<10240x128xf32, #tpu.memory_space<vmem_shared>>)
      tpu.yield
    }) : () -> ()
    %barrier3A_156 = arith.constant 0 : index
    tpu.barrier barrier_id(%barrier3A_156)
    %mul3A_157 = arith.constant 640 : i32
    %mul3A_158 = arith.muli %arg1, %mul3A_157 : i32
    %add3A_159 = arith.constant 0 : i32
    %add3A_160 = arith.addi %mul3A_158, %add3A_159 : i32
    "tpu.region"() ({
      %run_scoped3A_189 = tpu.sem_alloc : memref<!tpu.dma_semaphore, #tpu.memory_space<semaphore_mem>>
      %dma_start3A_190 = arith.constant 0 : i32
      %dma_start3A_191 = tpu.memref_slice %arg5[%arg0, %add3A_160, %dma_start3A_190] : memref<2x10240x128xf32, #tpu.memory_space<hbm>> -> memref<1x80x128xf32, #tpu.memory_space<hbm>>
      %dma_start3A_192 = tpu.memref_squeeze %dma_start3A_191 : memref<1x80x128xf32, #tpu.memory_space<hbm>> -> memref<80x128xf32, #tpu.memory_space<hbm>>
      %dma_start3A_193 = arith.constant 0 : i32
      %dma_start3A_194 = tpu.memref_slice %arg6[%add3A_160, %dma_start3A_193] : memref<10240x128xf32, #tpu.memory_space<vmem_shared>> -> memref<80x128xf32, #tpu.memory_space<vmem_shared>>
      tpu.enqueue_dma source(%dma_start3A_194 : memref<80x128xf32, #tpu.memory_space<vmem_shared>>) target(%dma_start3A_192 : memref<80x128xf32, #tpu.memory_space<hbm>>) target_semaphore(%run_scoped3A_189 : memref<!tpu.dma_semaphore, #tpu.memory_space<semaphore_mem>>)
      %dma_wait3A_195 = arith.constant 0 : i32
      %dma_wait3A_196 = tpu.memref_slice %arg5[%arg0, %add3A_160, %dma_wait3A_195] : memref<2x10240x128xf32, #tpu.memory_space<hbm>> -> memref<1x80x128xf32, #tpu.memory_space<hbm>>
      %dma_wait3A_197 = tpu.memref_squeeze %dma_wait3A_196 : memref<1x80x128xf32, #tpu.memory_space<hbm>> -> memref<80x128xf32, #tpu.memory_space<hbm>>
      %dma_wait3A_198 = arith.constant 0 : i32
      %dma_wait3A_199 = tpu.memref_slice %arg6[%add3A_160, %dma_wait3A_198] : memref<10240x128xf32, #tpu.memory_space<vmem_shared>> -> memref<80x128xf32, #tpu.memory_space<vmem_shared>>
      tpu.wait_dma2 semaphore(%run_scoped3A_189 : memref<!tpu.dma_semaphore, #tpu.memory_space<semaphore_mem>>) src(%dma_wait3A_199 : memref<80x128xf32, #tpu.memory_space<vmem_shared>>) dst(%dma_wait3A_197 : memref<80x128xf32, #tpu.memory_space<hbm>>)
      tpu.yield
    }) : () -> ()
    %mul3A_161 = arith.constant 640 : i32
    %mul3A_162 = arith.muli %arg1, %mul3A_161 : i32
    %add3A_163 = arith.constant 80 : i32
    %add3A_164 = arith.addi %mul3A_162, %add3A_163 : i32
    "tpu.region"() ({
      %run_scoped3A_189 = tpu.sem_alloc : memref<!tpu.dma_semaphore, #tpu.memory_space<semaphore_mem>>
      %dma_start3A_190 = arith.constant 0 : i32
      %dma_start3A_191 = tpu.memref_slice %arg5[%arg0, %add3A_164, %dma_start3A_190] : memref<2x10240x128xf32, #tpu.memory_space<hbm>> -> memref<1x80x128xf32, #tpu.memory_space<hbm>>
      %dma_start3A_192 = tpu.memref_squeeze %dma_start3A_191 : memref<1x80x128xf32, #tpu.memory_space<hbm>> -> memref<80x128xf32, #tpu.memory_space<hbm>>
      %dma_start3A_193 = arith.constant 0 : i32
      %dma_start3A_194 = tpu.memref_slice %arg6[%add3A_164, %dma_start3A_193] : memref<10240x128xf32, #tpu.memory_space<vmem_shared>> -> memref<80x128xf32, #tpu.memory_space<vmem_shared>>
      tpu.enqueue_dma source(%dma_start3A_194 : memref<80x128xf32, #tpu.memory_space<vmem_shared>>) target(%dma_start3A_192 : memref<80x128xf32, #tpu.memory_space<hbm>>) target_semaphore(%run_scoped3A_189 : memref<!tpu.dma_semaphore, #tpu.memory_space<semaphore_mem>>)
      %dma_wait3A_195 = arith.constant 0 : i32
      %dma_wait3A_196 = tpu.memref_slice %arg5[%arg0, %add3A_164, %dma_wait3A_195] : memref<2x10240x128xf32, #tpu.memory_space<hbm>> -> memref<1x80x128xf32, #tpu.memory_space<hbm>>
      %dma_wait3A_197 = tpu.memref_squeeze %dma_wait3A_196 : memref<1x80x128xf32, #tpu.memory_space<hbm>> -> memref<80x128xf32, #tpu.memory_space<hbm>>
      %dma_wait3A_198 = arith.constant 0 : i32
      %dma_wait3A_199 = tpu.memref_slice %arg6[%add3A_164, %dma_wait3A_198] : memref<10240x128xf32, #tpu.memory_space<vmem_shared>> -> memref<80x128xf32, #tpu.memory_space<vmem_shared>>
      tpu.wait_dma2 semaphore(%run_scoped3A_189 : memref<!tpu.dma_semaphore, #tpu.memory_space<semaphore_mem>>) src(%dma_wait3A_199 : memref<80x128xf32, #tpu.memory_space<vmem_shared>>) dst(%dma_wait3A_197 : memref<80x128xf32, #tpu.memory_space<hbm>>)
      tpu.yield
    }) : () -> ()
    %mul3A_165 = arith.constant 640 : i32
    %mul3A_166 = arith.muli %arg1, %mul3A_165 : i32
    %add3A_167 = arith.constant 160 : i32
    %add3A_168 = arith.addi %mul3A_166, %add3A_167 : i32
    "tpu.region"() ({
      %run_scoped3A_189 = tpu.sem_alloc : memref<!tpu.dma_semaphore, #tpu.memory_space<semaphore_mem>>
      %dma_start3A_190 = arith.constant 0 : i32
      %dma_start3A_191 = tpu.memref_slice %arg5[%arg0, %add3A_168, %dma_start3A_190] : memref<2x10240x128xf32, #tpu.memory_space<hbm>> -> memref<1x80x128xf32, #tpu.memory_space<hbm>>
      %dma_start3A_192 = tpu.memref_squeeze %dma_start3A_191 : memref<1x80x128xf32, #tpu.memory_space<hbm>> -> memref<80x128xf32, #tpu.memory_space<hbm>>
      %dma_start3A_193 = arith.constant 0 : i32
      %dma_start3A_194 = tpu.memref_slice %arg6[%add3A_168, %dma_start3A_193] : memref<10240x128xf32, #tpu.memory_space<vmem_shared>> -> memref<80x128xf32, #tpu.memory_space<vmem_shared>>
      tpu.enqueue_dma source(%dma_start3A_194 : memref<80x128xf32, #tpu.memory_space<vmem_shared>>) target(%dma_start3A_192 : memref<80x128xf32, #tpu.memory_space<hbm>>) target_semaphore(%run_scoped3A_189 : memref<!tpu.dma_semaphore, #tpu.memory_space<semaphore_mem>>)
      %dma_wait3A_195 = arith.constant 0 : i32
      %dma_wait3A_196 = tpu.memref_slice %arg5[%arg0, %add3A_168, %dma_wait3A_195] : memref<2x10240x128xf32, #tpu.memory_space<hbm>> -> memref<1x80x128xf32, #tpu.memory_space<hbm>>
      %dma_wait3A_197 = tpu.memref_squeeze %dma_wait3A_196 : memref<1x80x128xf32, #tpu.memory_space<hbm>> -> memref<80x128xf32, #tpu.memory_space<hbm>>
      %dma_wait3A_198 = arith.constant 0 : i32
      %dma_wait3A_199 = tpu.memref_slice %arg6[%add3A_168, %dma_wait3A_198] : memref<10240x128xf32, #tpu.memory_space<vmem_shared>> -> memref<80x128xf32, #tpu.memory_space<vmem_shared>>
      tpu.wait_dma2 semaphore(%run_scoped3A_189 : memref<!tpu.dma_semaphore, #tpu.memory_space<semaphore_mem>>) src(%dma_wait3A_199 : memref<80x128xf32, #tpu.memory_space<vmem_shared>>) dst(%dma_wait3A_197 : memref<80x128xf32, #tpu.memory_space<hbm>>)
      tpu.yield
    }) : () -> ()
    %mul3A_169 = arith.constant 640 : i32
    %mul3A_170 = arith.muli %arg1, %mul3A_169 : i32
    %add3A_171 = arith.constant 240 : i32
    %add3A_172 = arith.addi %mul3A_170, %add3A_171 : i32
    "tpu.region"() ({
      %run_scoped3A_189 = tpu.sem_alloc : memref<!tpu.dma_semaphore, #tpu.memory_space<semaphore_mem>>
      %dma_start3A_190 = arith.constant 0 : i32
      %dma_start3A_191 = tpu.memref_slice %arg5[%arg0, %add3A_172, %dma_start3A_190] : memref<2x10240x128xf32, #tpu.memory_space<hbm>> -> memref<1x80x128xf32, #tpu.memory_space<hbm>>
      %dma_start3A_192 = tpu.memref_squeeze %dma_start3A_191 : memref<1x80x128xf32, #tpu.memory_space<hbm>> -> memref<80x128xf32, #tpu.memory_space<hbm>>
      %dma_start3A_193 = arith.constant 0 : i32
      %dma_start3A_194 = tpu.memref_slice %arg6[%add3A_172, %dma_start3A_193] : memref<10240x128xf32, #tpu.memory_space<vmem_shared>> -> memref<80x128xf32, #tpu.memory_space<vmem_shared>>
      tpu.enqueue_dma source(%dma_start3A_194 : memref<80x128xf32, #tpu.memory_space<vmem_shared>>) target(%dma_start3A_192 : memref<80x128xf32, #tpu.memory_space<hbm>>) target_semaphore(%run_scoped3A_189 : memref<!tpu.dma_semaphore, #tpu.memory_space<semaphore_mem>>)
      %dma_wait3A_195 = arith.constant 0 : i32
      %dma_wait3A_196 = tpu.memref_slice %arg5[%arg0, %add3A_172, %dma_wait3A_195] : memref<2x10240x128xf32, #tpu.memory_space<hbm>> -> memref<1x80x128xf32, #tpu.memory_space<hbm>>
      %dma_wait3A_197 = tpu.memref_squeeze %dma_wait3A_196 : memref<1x80x128xf32, #tpu.memory_space<hbm>> -> memref<80x128xf32, #tpu.memory_space<hbm>>
      %dma_wait3A_198 = arith.constant 0 : i32
      %dma_wait3A_199 = tpu.memref_slice %arg6[%add3A_172, %dma_wait3A_198] : memref<10240x128xf32, #tpu.memory_space<vmem_shared>> -> memref<80x128xf32, #tpu.memory_space<vmem_shared>>
      tpu.wait_dma2 semaphore(%run_scoped3A_189 : memref<!tpu.dma_semaphore, #tpu.memory_space<semaphore_mem>>) src(%dma_wait3A_199 : memref<80x128xf32, #tpu.memory_space<vmem_shared>>) dst(%dma_wait3A_197 : memref<80x128xf32, #tpu.memory_space<hbm>>)
      tpu.yield
    }) : () -> ()
    %mul3A_173 = arith.constant 640 : i32
    %mul3A_174 = arith.muli %arg1, %mul3A_173 : i32
    %add3A_175 = arith.constant 320 : i32
    %add3A_176 = arith.addi %mul3A_174, %add3A_175 : i32
    "tpu.region"() ({
      %run_scoped3A_189 = tpu.sem_alloc : memref<!tpu.dma_semaphore, #tpu.memory_space<semaphore_mem>>
      %dma_start3A_190 = arith.constant 0 : i32
      %dma_start3A_191 = tpu.memref_slice %arg5[%arg0, %add3A_176, %dma_start3A_190] : memref<2x10240x128xf32, #tpu.memory_space<hbm>> -> memref<1x80x128xf32, #tpu.memory_space<hbm>>
      %dma_start3A_192 = tpu.memref_squeeze %dma_start3A_191 : memref<1x80x128xf32, #tpu.memory_space<hbm>> -> memref<80x128xf32, #tpu.memory_space<hbm>>
      %dma_start3A_193 = arith.constant 0 : i32
      %dma_start3A_194 = tpu.memref_slice %arg6[%add3A_176, %dma_start3A_193] : memref<10240x128xf32, #tpu.memory_space<vmem_shared>> -> memref<80x128xf32, #tpu.memory_space<vmem_shared>>
      tpu.enqueue_dma source(%dma_start3A_194 : memref<80x128xf32, #tpu.memory_space<vmem_shared>>) target(%dma_start3A_192 : memref<80x128xf32, #tpu.memory_space<hbm>>) target_semaphore(%run_scoped3A_189 : memref<!tpu.dma_semaphore, #tpu.memory_space<semaphore_mem>>)
      %dma_wait3A_195 = arith.constant 0 : i32
      %dma_wait3A_196 = tpu.memref_slice %arg5[%arg0, %add3A_176, %dma_wait3A_195] : memref<2x10240x128xf32, #tpu.memory_space<hbm>> -> memref<1x80x128xf32, #tpu.memory_space<hbm>>
      %dma_wait3A_197 = tpu.memref_squeeze %dma_wait3A_196 : memref<1x80x128xf32, #tpu.memory_space<hbm>> -> memref<80x128xf32, #tpu.memory_space<hbm>>
      %dma_wait3A_198 = arith.constant 0 : i32
      %dma_wait3A_199 = tpu.memref_slice %arg6[%add3A_176, %dma_wait3A_198] : memref<10240x128xf32, #tpu.memory_space<vmem_shared>> -> memref<80x128xf32, #tpu.memory_space<vmem_shared>>
      tpu.wait_dma2 semaphore(%run_scoped3A_189 : memref<!tpu.dma_semaphore, #tpu.memory_space<semaphore_mem>>) src(%dma_wait3A_199 : memref<80x128xf32, #tpu.memory_space<vmem_shared>>) dst(%dma_wait3A_197 : memref<80x128xf32, #tpu.memory_space<hbm>>)
      tpu.yield
    }) : () -> ()
    %mul3A_177 = arith.constant 640 : i32
    %mul3A_178 = arith.muli %arg1, %mul3A_177 : i32
    %add3A_179 = arith.constant 400 : i32
    %add3A_180 = arith.addi %mul3A_178, %add3A_179 : i32
    "tpu.region"() ({
      %run_scoped3A_189 = tpu.sem_alloc : memref<!tpu.dma_semaphore, #tpu.memory_space<semaphore_mem>>
      %dma_start3A_190 = arith.constant 0 : i32
      %dma_start3A_191 = tpu.memref_slice %arg5[%arg0, %add3A_180, %dma_start3A_190] : memref<2x10240x128xf32, #tpu.memory_space<hbm>> -> memref<1x80x128xf32, #tpu.memory_space<hbm>>
      %dma_start3A_192 = tpu.memref_squeeze %dma_start3A_191 : memref<1x80x128xf32, #tpu.memory_space<hbm>> -> memref<80x128xf32, #tpu.memory_space<hbm>>
      %dma_start3A_193 = arith.constant 0 : i32
      %dma_start3A_194 = tpu.memref_slice %arg6[%add3A_180, %dma_start3A_193] : memref<10240x128xf32, #tpu.memory_space<vmem_shared>> -> memref<80x128xf32, #tpu.memory_space<vmem_shared>>
      tpu.enqueue_dma source(%dma_start3A_194 : memref<80x128xf32, #tpu.memory_space<vmem_shared>>) target(%dma_start3A_192 : memref<80x128xf32, #tpu.memory_space<hbm>>) target_semaphore(%run_scoped3A_189 : memref<!tpu.dma_semaphore, #tpu.memory_space<semaphore_mem>>)
      %dma_wait3A_195 = arith.constant 0 : i32
      %dma_wait3A_196 = tpu.memref_slice %arg5[%arg0, %add3A_180, %dma_wait3A_195] : memref<2x10240x128xf32, #tpu.memory_space<hbm>> -> memref<1x80x128xf32, #tpu.memory_space<hbm>>
      %dma_wait3A_197 = tpu.memref_squeeze %dma_wait3A_196 : memref<1x80x128xf32, #tpu.memory_space<hbm>> -> memref<80x128xf32, #tpu.memory_space<hbm>>
      %dma_wait3A_198 = arith.constant 0 : i32
      %dma_wait3A_199 = tpu.memref_slice %arg6[%add3A_180, %dma_wait3A_198] : memref<10240x128xf32, #tpu.memory_space<vmem_shared>> -> memref<80x128xf32, #tpu.memory_space<vmem_shared>>
      tpu.wait_dma2 semaphore(%run_scoped3A_189 : memref<!tpu.dma_semaphore, #tpu.memory_space<semaphore_mem>>) src(%dma_wait3A_199 : memref<80x128xf32, #tpu.memory_space<vmem_shared>>) dst(%dma_wait3A_197 : memref<80x128xf32, #tpu.memory_space<hbm>>)
      tpu.yield
    }) : () -> ()
    %mul3A_181 = arith.constant 640 : i32
    %mul3A_182 = arith.muli %arg1, %mul3A_181 : i32
    %add3A_183 = arith.constant 480 : i32
    %add3A_184 = arith.addi %mul3A_182, %add3A_183 : i32
    "tpu.region"() ({
      %run_scoped3A_189 = tpu.sem_alloc : memref<!tpu.dma_semaphore, #tpu.memory_space<semaphore_mem>>
      %dma_start3A_190 = arith.constant 0 : i32
      %dma_start3A_191 = tpu.memref_slice %arg5[%arg0, %add3A_184, %dma_start3A_190] : memref<2x10240x128xf32, #tpu.memory_space<hbm>> -> memref<1x80x128xf32, #tpu.memory_space<hbm>>
      %dma_start3A_192 = tpu.memref_squeeze %dma_start3A_191 : memref<1x80x128xf32, #tpu.memory_space<hbm>> -> memref<80x128xf32, #tpu.memory_space<hbm>>
      %dma_start3A_193 = arith.constant 0 : i32
      %dma_start3A_194 = tpu.memref_slice %arg6[%add3A_184, %dma_start3A_193] : memref<10240x128xf32, #tpu.memory_space<vmem_shared>> -> memref<80x128xf32, #tpu.memory_space<vmem_shared>>
      tpu.enqueue_dma source(%dma_start3A_194 : memref<80x128xf32, #tpu.memory_space<vmem_shared>>) target(%dma_start3A_192 : memref<80x128xf32, #tpu.memory_space<hbm>>) target_semaphore(%run_scoped3A_189 : memref<!tpu.dma_semaphore, #tpu.memory_space<semaphore_mem>>)
      %dma_wait3A_195 = arith.constant 0 : i32
      %dma_wait3A_196 = tpu.memref_slice %arg5[%arg0, %add3A_184, %dma_wait3A_195] : memref<2x10240x128xf32, #tpu.memory_space<hbm>> -> memref<1x80x128xf32, #tpu.memory_space<hbm>>
      %dma_wait3A_197 = tpu.memref_squeeze %dma_wait3A_196 : memref<1x80x128xf32, #tpu.memory_space<hbm>> -> memref<80x128xf32, #tpu.memory_space<hbm>>
      %dma_wait3A_198 = arith.constant 0 : i32
      %dma_wait3A_199 = tpu.memref_slice %arg6[%add3A_184, %dma_wait3A_198] : memref<10240x128xf32, #tpu.memory_space<vmem_shared>> -> memref<80x128xf32, #tpu.memory_space<vmem_shared>>
      tpu.wait_dma2 semaphore(%run_scoped3A_189 : memref<!tpu.dma_semaphore, #tpu.memory_space<semaphore_mem>>) src(%dma_wait3A_199 : memref<80x128xf32, #tpu.memory_space<vmem_shared>>) dst(%dma_wait3A_197 : memref<80x128xf32, #tpu.memory_space<hbm>>)
      tpu.yield
    }) : () -> ()
    %mul3A_185 = arith.constant 640 : i32
    %mul3A_186 = arith.muli %arg1, %mul3A_185 : i32
    %add3A_187 = arith.constant 560 : i32
    %add3A_188 = arith.addi %mul3A_186, %add3A_187 : i32
    "tpu.region"() ({
      %run_scoped3A_189 = tpu.sem_alloc : memref<!tpu.dma_semaphore, #tpu.memory_space<semaphore_mem>>
      %dma_start3A_190 = arith.constant 0 : i32
      %dma_start3A_191 = tpu.memref_slice %arg5[%arg0, %add3A_188, %dma_start3A_190] : memref<2x10240x128xf32, #tpu.memory_space<hbm>> -> memref<1x80x128xf32, #tpu.memory_space<hbm>>
      %dma_start3A_192 = tpu.memref_squeeze %dma_start3A_191 : memref<1x80x128xf32, #tpu.memory_space<hbm>> -> memref<80x128xf32, #tpu.memory_space<hbm>>
      %dma_start3A_193 = arith.constant 0 : i32
      %dma_start3A_194 = tpu.memref_slice %arg6[%add3A_188, %dma_start3A_193] : memref<10240x128xf32, #tpu.memory_space<vmem_shared>> -> memref<80x128xf32, #tpu.memory_space<vmem_shared>>
      tpu.enqueue_dma source(%dma_start3A_194 : memref<80x128xf32, #tpu.memory_space<vmem_shared>>) target(%dma_start3A_192 : memref<80x128xf32, #tpu.memory_space<hbm>>) target_semaphore(%run_scoped3A_189 : memref<!tpu.dma_semaphore, #tpu.memory_space<semaphore_mem>>)
      %dma_wait3A_195 = arith.constant 0 : i32
      %dma_wait3A_196 = tpu.memref_slice %arg5[%arg0, %add3A_188, %dma_wait3A_195] : memref<2x10240x128xf32, #tpu.memory_space<hbm>> -> memref<1x80x128xf32, #tpu.memory_space<hbm>>
      %dma_wait3A_197 = tpu.memref_squeeze %dma_wait3A_196 : memref<1x80x128xf32, #tpu.memory_space<hbm>> -> memref<80x128xf32, #tpu.memory_space<hbm>>
      %dma_wait3A_198 = arith.constant 0 : i32
      %dma_wait3A_199 = tpu.memref_slice %arg6[%add3A_188, %dma_wait3A_198] : memref<10240x128xf32, #tpu.memory_space<vmem_shared>> -> memref<80x128xf32, #tpu.memory_space<vmem_shared>>
      tpu.wait_dma2 semaphore(%run_scoped3A_189 : memref<!tpu.dma_semaphore, #tpu.memory_space<semaphore_mem>>) src(%dma_wait3A_199 : memref<80x128xf32, #tpu.memory_space<vmem_shared>>) dst(%dma_wait3A_197 : memref<80x128xf32, #tpu.memory_space<hbm>>)
      tpu.yield
    }) : () -> ()
    return
  }
}

module attributes {stable_mosaic.version = 14 : i64} {
  func.func @_proj_body(%arg0: i32, %arg1: memref<10000x128xf32, #tpu.memory_space<vmem>>, %arg2: memref<8000x16xf32, #tpu.memory_space<vmem>>, %arg3: memref<128x128xf32, #tpu.memory_space<vmem>>, %arg4: memref<16x128xf32, #tpu.memory_space<vmem>>, %arg5: memref<1x128xf32, #tpu.memory_space<vmem>>, %arg6: memref<10000x128xf32, #tpu.memory_space<vmem>>, %arg7: memref<8000x128xf32, #tpu.memory_space<vmem>>) attributes {dimension_semantics = [#tpu.dimension_semantics<arbitrary>], iteration_bounds = array<i64: 41>, scalar_prefetch = 0 : i64, scratch_operands = 0 : i64, tpu.core_type = #tpu.core_type<tc>, window_params = [{pipeline_mode = #tpu.pipeline_mode<synchronous>, transform_indices = @transform_0, window_bounds = array<i64: 10000, 128>}, {transform_indices = @transform_1, window_bounds = array<i64: 8000, 16>}, {pipeline_mode = #tpu.pipeline_mode<synchronous>, transform_indices = @transform_2, window_bounds = array<i64: 128, 128>}, {pipeline_mode = #tpu.pipeline_mode<synchronous>, transform_indices = @transform_3, window_bounds = array<i64: 16, 128>}, {pipeline_mode = #tpu.pipeline_mode<synchronous>, transform_indices = @transform_4, window_bounds = array<i64: 1, 128>}, {pipeline_mode = #tpu.pipeline_mode<synchronous>, transform_indices = @transform_5, window_bounds = array<i64: 10000, 128>}, {transform_indices = @transform_6, window_bounds = array<i64: 8000, 128>}]} {
    %eq3A = arith.constant 0 : i32
    %eq3A_0 = arith.cmpi eq, %arg0, %eq3A : i32
    %convert_element_type3A = arith.extui %eq3A_0 : i1 to i32
    %cond3A = arith.constant 0 : i32
    %cond3A_1 = arith.cmpi ne, %convert_element_type3A, %cond3A : i32
    scf.if %cond3A_1 {
      %get3A = arith.constant 0 : index
      %get3A_6 = arith.constant 0 : index
      %get3A_7 = vector.load %arg1[%get3A, %get3A_6] : memref<10000x128xf32, #tpu.memory_space<vmem>>, vector<10000x128xf32>
      %get3A_8 = arith.constant 0 : index
      %get3A_9 = arith.constant 0 : index
      %get3A_10 = vector.load %arg3[%get3A_8, %get3A_9] : memref<128x128xf32, #tpu.memory_space<vmem>>, vector<128x128xf32>
      %dot_general3A = arith.constant dense<0.000000e+00> : vector<10000x128xf32>
      %dot_general3A_11 = tpu.matmul %get3A_7, %get3A_10, %dot_general3A {dimension_numbers = #tpu.dot_dimension_numbers<[1], [0], [0], [1], [0, 0, 1, 1], [], []>, transpose_lhs_hint = false} : vector<10000x128xf32>, vector<128x128xf32>, vector<10000x128xf32> -> vector<10000x128xf32>
      %swap3A = arith.constant 0 : index
      %swap3A_12 = arith.constant 0 : index
      %swap3A_13 = vector.load %arg6[%swap3A, %swap3A_12] : memref<10000x128xf32, #tpu.memory_space<vmem>>, vector<10000x128xf32>
      tpu.vector_store %arg6[%swap3A, %swap3A_12], %dot_general3A_11 {strides = array<i32>} : memref<10000x128xf32, #tpu.memory_space<vmem>>, vector<10000x128xf32>,
    } else {
    }
    %gt3A = arith.constant 0 : i32
    %gt3A_2 = arith.cmpi sgt, %arg0, %gt3A : i32
    %convert_element_type3A_3 = arith.extui %gt3A_2 : i1 to i32
    %cond3A_4 = arith.constant 0 : i32
    %cond3A_5 = arith.cmpi ne, %convert_element_type3A_3, %cond3A_4 : i32
    scf.if %cond3A_5 {
      %get3A = arith.constant 0 : index
      %get3A_6 = arith.constant 0 : index
      %get3A_7 = vector.load %arg2[%get3A, %get3A_6] : memref<8000x16xf32, #tpu.memory_space<vmem>>, vector<8000x16xf32>
      %get3A_8 = arith.constant 0 : index
      %get3A_9 = arith.constant 0 : index
      %get3A_10 = vector.load %arg4[%get3A_8, %get3A_9] : memref<16x128xf32, #tpu.memory_space<vmem>>, vector<16x128xf32>
      %dot_general3A = arith.constant dense<0.000000e+00> : vector<8000x128xf32>
      %dot_general3A_11 = tpu.matmul %get3A_7, %get3A_10, %dot_general3A {dimension_numbers = #tpu.dot_dimension_numbers<[1], [0], [0], [1], [0, 0, 1, 1], [], []>, transpose_lhs_hint = false} : vector<8000x16xf32>, vector<16x128xf32>, vector<8000x128xf32> -> vector<8000x128xf32>
      %get3A_12 = arith.constant 0 : index
      %get3A_13 = arith.constant 0 : index
      %get3A_14 = vector.load %arg5[%get3A_12, %get3A_13] : memref<1x128xf32, #tpu.memory_space<vmem>>, vector<1x128xf32>
      %add3A = vector.broadcast %get3A_14 : vector<1x128xf32> to vector<8000x128xf32>
      %add3A_15 = arith.addf %dot_general3A_11, %add3A : vector<8000x128xf32>
      %swap3A = arith.constant 0 : index
      %swap3A_16 = arith.constant 0 : index
      %swap3A_17 = vector.load %arg7[%swap3A, %swap3A_16] : memref<8000x128xf32, #tpu.memory_space<vmem>>, vector<8000x128xf32>
      tpu.vector_store %arg7[%swap3A, %swap3A_16], %add3A_15 {strides = array<i32>} : memref<8000x128xf32, #tpu.memory_space<vmem>>, vector<8000x128xf32>,
    } else {
    }
    return
  }
  func.func @transform_0(%arg0: i32) -> (i32, i32) {
    %c0_i32 = arith.constant 0 : i32
    %c0_i32_0 = arith.constant 0 : i32
    %c0_i32_1 = arith.constant 0 : i32
    return %c0_i32, %c0_i32_0 : i32, i32
  }
  func.func @transform_1(%arg0: i32) -> (i32, i32) {
    %sub3A = arith.constant 1 : i32
    %sub3A_0 = arith.subi %arg0, %sub3A : i32
    %max3A = arith.constant 0 : i32
    %max3A_1 = arith.maxsi %sub3A_0, %max3A : i32
    %c0_i32 = arith.constant 0 : i32
    %c0_i32_2 = arith.constant 0 : i32
    return %max3A_1, %c0_i32 : i32, i32
  }
  func.func @transform_2(%arg0: i32) -> (i32, i32) {
    %c0_i32 = arith.constant 0 : i32
    %c0_i32_0 = arith.constant 0 : i32
    %c0_i32_1 = arith.constant 0 : i32
    return %c0_i32, %c0_i32_0 : i32, i32
  }
  func.func @transform_3(%arg0: i32) -> (i32, i32) {
    %c0_i32 = arith.constant 0 : i32
    %c0_i32_0 = arith.constant 0 : i32
    %c0_i32_1 = arith.constant 0 : i32
    return %c0_i32, %c0_i32_0 : i32, i32
  }
  func.func @transform_4(%arg0: i32) -> (i32, i32) {
    %c0_i32 = arith.constant 0 : i32
    %c0_i32_0 = arith.constant 0 : i32
    %c0_i32_1 = arith.constant 0 : i32
    return %c0_i32, %c0_i32_0 : i32, i32
  }
  func.func @transform_5(%arg0: i32) -> (i32, i32) {
    %c0_i32 = arith.constant 0 : i32
    %c0_i32_0 = arith.constant 0 : i32
    %c0_i32_1 = arith.constant 0 : i32
    return %c0_i32, %c0_i32_0 : i32, i32
  }
  func.func @transform_6(%arg0: i32) -> (i32, i32) {
    %sub3A = arith.constant 1 : i32
    %sub3A_0 = arith.subi %arg0, %sub3A : i32
    %max3A = arith.constant 0 : i32
    %max3A_1 = arith.maxsi %sub3A_0, %max3A : i32
    %c0_i32 = arith.constant 0 : i32
    %c0_i32_2 = arith.constant 0 : i32
    return %max3A_1, %c0_i32 : i32, i32
  }
}

module attributes {stable_mosaic.version = 14 : i64} {
  func.func @_ln_body(%arg0: i32, %arg1: memref<2x2000x128xf32, #tpu.memory_space<vmem>>, %arg2: memref<1x128xf32, #tpu.memory_space<vmem>>, %arg3: memref<1x128xf32, #tpu.memory_space<vmem>>, %arg4: memref<2000x128xf32, #tpu.memory_space<vmem>>) attributes {dimension_semantics = [#tpu.dimension_semantics<arbitrary>], iteration_bounds = array<i64: 5>, scalar_prefetch = 0 : i64, scratch_operands = 0 : i64, tpu.core_type = #tpu.core_type<tc>, window_params = [{transform_indices = @transform_0, window_bounds = array<i64: 2, 2000, 128>}, {pipeline_mode = #tpu.pipeline_mode<synchronous>, transform_indices = @transform_1, window_bounds = array<i64: 1, 128>}, {pipeline_mode = #tpu.pipeline_mode<synchronous>, transform_indices = @transform_2, window_bounds = array<i64: 1, 128>}, {transform_indices = @transform_3, window_bounds = array<i64: 2000, 128>}]} {
    %get3A = arith.constant 0 : index
    %get3A_0 = arith.constant 0 : index
    %get3A_1 = arith.constant 0 : index
    %get3A_2 = vector.load %arg1[%get3A, %get3A_0, %get3A_1] : memref<2x2000x128xf32, #tpu.memory_space<vmem>>, vector<1x2000x128xf32>
    %get3A_3 = vector.shape_cast %get3A_2 : vector<1x2000x128xf32> to vector<2000x128xf32>
    %get3A_4 = arith.constant 1 : index
    %get3A_5 = arith.constant 0 : index
    %get3A_6 = arith.constant 0 : index
    %get3A_7 = vector.load %arg1[%get3A_4, %get3A_5, %get3A_6] : memref<2x2000x128xf32, #tpu.memory_space<vmem>>, vector<1x2000x128xf32>
    %get3A_8 = vector.shape_cast %get3A_7 : vector<1x2000x128xf32> to vector<2000x128xf32>
    %add3A = arith.addf %get3A_3, %get3A_8 : vector<2000x128xf32>
    %reduce_sum3A = arith.constant dense<0.000000e+00> : vector<2000xf32>
    %reduce_sum3A_9 = vector.multi_reduction <add>, %add3A, %reduce_sum3A [1] : vector<2000x128xf32> to vector<2000xf32>
    %broadcast_in_dim3A = vector.shape_cast %reduce_sum3A_9 : vector<2000xf32> to vector<2000x1xf32>
    %div3A = arith.constant 1.280000e+02 : f32
    %div3A_10 = vector.broadcast %div3A : f32 to vector<2000x1xf32>
    %div3A_11 = arith.divf %broadcast_in_dim3A, %div3A_10 : vector<2000x1xf32>
    %sub3A = vector.broadcast %div3A_11 : vector<2000x1xf32> to vector<2000x128xf32>
    %sub3A_12 = arith.subf %add3A, %sub3A : vector<2000x128xf32>
    %square3A = arith.mulf %sub3A_12, %sub3A_12 : vector<2000x128xf32>
    %reduce_sum3A_13 = arith.constant dense<0.000000e+00> : vector<2000xf32>
    %reduce_sum3A_14 = vector.multi_reduction <add>, %square3A, %reduce_sum3A_13 [1] : vector<2000x128xf32> to vector<2000xf32>
    %broadcast_in_dim3A_15 = vector.shape_cast %reduce_sum3A_14 : vector<2000xf32> to vector<2000x1xf32>
    %div3A_16 = arith.constant 1.280000e+02 : f32
    %div3A_17 = vector.broadcast %div3A_16 : f32 to vector<2000x1xf32>
    %div3A_18 = arith.divf %broadcast_in_dim3A_15, %div3A_17 : vector<2000x1xf32>
    %sub3A_19 = vector.broadcast %div3A_11 : vector<2000x1xf32> to vector<2000x128xf32>
    %sub3A_20 = arith.subf %add3A, %sub3A_19 : vector<2000x128xf32>
    %add3A_21 = arith.constant 1.000000e-03 : f32
    %add3A_22 = vector.broadcast %add3A_21 : f32 to vector<2000x1xf32>
    %add3A_23 = arith.addf %div3A_18, %add3A_22 : vector<2000x1xf32>
    %rsqrt3A = math.rsqrt %add3A_23 : vector<2000x1xf32>
    %mul3A = vector.broadcast %rsqrt3A : vector<2000x1xf32> to vector<2000x128xf32>
    %mul3A_24 = arith.mulf %sub3A_20, %mul3A : vector<2000x128xf32>
    %get3A_25 = arith.constant 0 : index
    %get3A_26 = arith.constant 0 : index
    %get3A_27 = vector.load %arg2[%get3A_25, %get3A_26] : memref<1x128xf32, #tpu.memory_space<vmem>>, vector<1x128xf32>
    %mul3A_28 = vector.broadcast %get3A_27 : vector<1x128xf32> to vector<2000x128xf32>
    %mul3A_29 = arith.mulf %mul3A_24, %mul3A_28 : vector<2000x128xf32>
    %get3A_30 = arith.constant 0 : index
    %get3A_31 = arith.constant 0 : index
    %get3A_32 = vector.load %arg3[%get3A_30, %get3A_31] : memref<1x128xf32, #tpu.memory_space<vmem>>, vector<1x128xf32>
    %add3A_33 = vector.broadcast %get3A_32 : vector<1x128xf32> to vector<2000x128xf32>
    %add3A_34 = arith.addf %mul3A_29, %add3A_33 : vector<2000x128xf32>
    %swap3A = arith.constant 0 : index
    %swap3A_35 = arith.constant 0 : index
    %swap3A_36 = vector.load %arg4[%swap3A, %swap3A_35] : memref<2000x128xf32, #tpu.memory_space<vmem>>, vector<2000x128xf32>
    tpu.vector_store %arg4[%swap3A, %swap3A_35], %add3A_34 {strides = array<i32>} : memref<2000x128xf32, #tpu.memory_space<vmem>>, vector<2000x128xf32>,
    return
  }
  func.func @transform_0(%arg0: i32) -> (i32, i32, i32) {
    %c0_i32 = arith.constant 0 : i32
    %c0_i32_0 = arith.constant 0 : i32
    %c0_i32_1 = arith.constant 0 : i32
    return %c0_i32, %arg0, %c0_i32_0 : i32, i32, i32
  }
  func.func @transform_1(%arg0: i32) -> (i32, i32) {
    %c0_i32 = arith.constant 0 : i32
    %c0_i32_0 = arith.constant 0 : i32
    %c0_i32_1 = arith.constant 0 : i32
    return %c0_i32, %c0_i32_0 : i32, i32
  }
  func.func @transform_2(%arg0: i32) -> (i32, i32) {
    %c0_i32 = arith.constant 0 : i32
    %c0_i32_0 = arith.constant 0 : i32
    %c0_i32_1 = arith.constant 0 : i32
    return %c0_i32, %c0_i32_0 : i32, i32
  }
  func.func @transform_3(%arg0: i32) -> (i32, i32) {
    %c0_i32 = arith.constant 0 : i32
    %c0_i32_0 = arith.constant 0 : i32
    return %arg0, %c0_i32 : i32, i32
  }
}

</mosaic_0001>

<sc_bundles>
// kernel: kernel.5.cloned.1.call-start
scs
__scs_entry_jumppad:
0x0: {  	(pc) =	sbr.rel $0x88, $3  }
0x1: {  	(tag) =	ssettag $0x0;
	lr =	simm.s32 $0x1  }
0x2: {  	[smem:$0x3F9A] =	sst lr;
	_ =	strace $0xD0000000  }
0x3: {  	_ = 	snop  }
0x4: {  	_ = 	snop  }
0x5: {  	_ = 	snop  }
0x6: {  	_ = 	snop  }
0x7: {  	_ = 	snop  }
__scs_overlays_trampoline_lowered:
0x8: {  	[smem:$0x3FA9] =	sst s0  }
0x9: {  	[smem:$0x3FAA] =	sst s1  }
0xa: {  	[smem:$0x3FAB] =	sst s2  }
0xb: {  	[smem:$0x3FAC] =	sst s3  }
0xc: {  	[smem:$0x3FAD] =	sst s4  }
0xd: {  	[smem:$0x3FAE] =	sst s5  }
0xe: {  	[smem:$0x3FAF] =	sst s6  }
0xf: {  	[smem:$0x3FB0] =	sst s7  }
0x10: {  	[smem:$0x3FB1] =	sst s8  }
0x11: {  	[smem:$0x3FB2] =	sst s9;
	s0 =	simm.s32 @!p0 $0x0  }
0x12: {  	s1 =	sld [smem:$0x3F98];
	s0 =	simm.s32 @p0 $0x1  }
0x13: {  	[smem:$0x3FB3] =	sst s0;
	s0 =	simm.s32 @!p1 $0x0  }
0x14: {  	s2 =	sld [smem:$0x3F97];
	s0 =	simm.s32 @p1 $0x1  }
0x15: {  	[smem:$0x3FB4] =	sst s0;
	s0 =	simm.s32 @!p2 $0x0  }
0x16: {  	s3 =	sld [smem:$0x3FDB];
	s0 =	simm.s32 @p2 $0x1  }
0x17: {  	s4 =	simm.s32 $0x1BF5;
	[smem:$0x3FB6] =	sst s0  }
0x18: {  	s0 =	sld [smem:$0x3F99];
	_ =	swait.ge [sflag:s4], $0x0  }
0x19: {  	s7 =	sld [smem:$0x3F9A]  }
0x1a: {  	s8 =	sadd.s32 $0xFFFFE003, lr  }
0x1b: {  	s9 =	sadd.s32 $0xFFFFFEF7, lr;
	s5 =	simm.s32 $0xFFFFFFFF;
	p2 =	slt.u32 s8, $0xFFFFF086  }
0x1c: {  	p1 =	slt.u32 s9, $0xF7A;
	s5 =	simm.s32 @!p2 $0x0  }
0x1d: {  	s5 =	simm.s32 @p1 $0x1;
	p0 =	seq.s32 s7, s2  }
0x1e: {  	s7 =	smul.u32 @!p0 $0xF7A, s2;
	p2 =	seq.s32 @!p0 s5, $0x0  }
0x1f: {  	s9 =	smul.u32 $0xF7A, s1;
	s8 =	simm.s32 @!p0 $0x1BF5;
	p2 =	por !p2, p0  }
0x20: {  	[sflag:s8] =	ssyncset.s32 @!p0 $0xFFFFF086;
	s6 =	sadd.s32 @!p0 s3, s7;
	s7 =	simm.s32 @!p0 $0x108  }
0x21: {  	s3 =	sadd.s32 s3, s9;
	s6 =	sadd.s32 @!p0 $0x88, s6;
	s7 =	simm.s32 @p2 $0x1082  }
0x22: {  	[simem:s7], [sflag:s8] =	dma.local @!p0 [hbm:s6], $0xF7A  }
0x23: {  	s9 =	sor.u32 $0xD0000000, s2;
	s6 =	simm.s32 $0x108;
	_ =	swait.ge @!p0 [sflag:s8], $0x0  }
0x24: {  	s3 =	sadd.s32 $0x88, s3;
	s6 =	simm.s32 @!p1 $0x1082;
	[sflag:s4] =	ssyncset.s32 $0xFFFFF086  }
0x25: {  	[simem:s6], [sflag:s4] =	dma.local [hbm:s3], $0xF7A  }
0x26: {  	[smem:$0x3F9A] =	sst s1;
	(tag) =	ssettag s2;
	_ =	strace s9  }
0x27: {  	s1 =	sld [smem:$0x3FAA]  }
0x28: {  	s2 =	sld [smem:$0x3FAB]  }
0x29: {  	s4 =	sld [smem:$0x3FAD]  }
0x2a: {  	p0 =	seq.s32 s5, $0x0;
	s5 =	sld [smem:$0x3FAE]  }
0x2b: {  	s6 =	sld [smem:$0x3FAF]  }
0x2c: {  	s7 =	sld [smem:$0x3FB0]  }
0x2d: {  	s3 =	simm.s32 $0x108;
	s8 =	sld [smem:$0x3FB1]  }
0x2e: {  	s3 =	simm.s32 @!p0 $0x1082;
	s9 =	sld [smem:$0x3FB2]  }
0x2f: {  	lr =	sadd.s32 s0, s3;
	s0 =	sld [smem:$0x3FA9]  }
0x30: {  	s3 =	sld [smem:$0x3FAC]  }
0x31: {  	[smem:$0x3FB5] =	sst s10  }
0x32: {  	s10 =	sld [smem:$0x3FB3];
	_ =	sdelay $0x3  }
0x33: {  	p0 =	seq.s32 s10, $0x1;
	s10 =	sld [smem:$0x3FB5];
	_ =	sdelay $0x3  }
0x34: {  	[smem:$0x3FB5] =	sst s10  }
0x35: {  	s10 =	sld [smem:$0x3FB4];
	_ =	sdelay $0x3  }
0x36: {  	p1 =	seq.s32 s10, $0x1;
	s10 =	sld [smem:$0x3FB5];
	_ =	sdelay $0x3  }
0x37: {  	[smem:$0x3FB5] =	sst s10  }
0x38: {  	s10 =	sld [smem:$0x3FB6]  }
0x39: {  	_ = 	snop;
	(pc) =	sbr.ind lr, $3  }
0x3a: {  	_ = 	snop  }
0x3b: {  	_ = 	snop  }
0x3c: {  	p2 =	seq.s32 s10, $0x1;
	s10 =	sld [smem:$0x3FB5]  }
0x3d: {  	_ =	shalt  }
0x3e: {  	_ =	shalt  }
0x3f: {  	_ =	shalt  }
0x40: {  	_ =	shalt  }
0x41: {  	_ =	shalt  }
0x42: {  	_ =	shalt  }
0x43: {  	_ =	shalt  }
0x44: {  	_ =	shalt  }
0x45: {  	_ =	shalt  }
0x46: {  	_ =	shalt  }
0x47: {  	_ =	shalt  }
0x48: {  	_ =	shalt  }
0x49: {  	_ =	shalt  }
0x4a: {  	_ =	shalt  }
0x4b: {  	_ =	shalt  }
0x4c: {  	_ =	shalt  }
0x4d: {  	_ =	shalt  }
0x4e: {  	_ =	shalt  }
0x4f: {  	_ =	shalt  }
0x50: {  	_ =	shalt  }
0x51: {  	_ =	shalt  }
0x52: {  	_ =	shalt  }
0x53: {  	_ =	shalt  }
0x54: {  	_ =	shalt  }
0x55: {  	_ =	shalt  }
0x56: {  	_ =	shalt  }
0x57: {  	_ =	shalt  }
0x58: {  	_ =	shalt  }
0x59: {  	_ =	shalt  }
0x5a: {  	_ =	shalt  }
0x5b: {  	_ =	shalt  }
0x5c: {  	_ =	shalt  }
0x5d: {  	_ =	shalt  }
0x5e: {  	_ =	shalt  }
0x5f: {  	_ =	shalt  }
0x60: {  	_ =	shalt  }
0x61: {  	_ =	shalt  }
0x62: {  	_ =	shalt  }
0x63: {  	_ =	shalt  }
0x64: {  	_ =	shalt  }
0x65: {  	_ =	shalt  }
0x66: {  	_ =	shalt  }
0x67: {  	_ =	shalt  }
0x68: {  	_ =	shalt  }
0x69: {  	_ =	shalt  }
0x6a: {  	_ =	shalt  }
0x6b: {  	_ =	shalt  }
0x6c: {  	_ =	shalt  }
0x6d: {  	_ =	shalt  }
0x6e: {  	_ =	shalt  }
0x6f: {  	_ =	shalt  }
0x70: {  	_ =	shalt  }
0x71: {  	_ =	shalt  }
0x72: {  	_ =	shalt  }
0x73: {  	_ =	shalt  }
0x74: {  	_ =	shalt  }
0x75: {  	_ =	shalt  }
0x76: {  	_ =	shalt  }
0x77: {  	_ =	shalt  }
0x78: {  	_ =	shalt  }
0x79: {  	_ =	shalt  }
0x7a: {  	_ =	shalt  }
0x7b: {  	_ =	shalt  }
0x7c: {  	_ =	shalt  }
0x7d: {  	_ =	shalt  }
0x7e: {  	_ =	shalt  }
0x7f: {  	_ =	shalt  }
0x80: {  	_ =	shalt  }
0x81: {  	_ =	shalt  }
0x82: {  	_ =	shalt  }
0x83: {  	_ =	shalt  }
0x84: {  	_ =	shalt  }
0x85: {  	_ =	shalt  }
0x86: {  	_ =	shalt  }
0x87: {  	_ =	shalt  }
.Lfunc_end0:
.L_simem_size_0:
called_computation_lowered:
.L_overlay_start_0:
0x88: {  	s2 =	sld [smem:$0x3FD9]  }
0x89: {  	s3 =	sld [smem:$0x3FFE];
	_ =	sdelay $0x1  }
0x8a: {  	s1 =	srdreg.scid  }
0x8b: {  	s0 =	sand.u32 $0x1, s1  }
0x8c: {  	s17 =	sshll.u32 s0, $0xA;
	s2 =	sadd.s32 s3, s2  }
0x8d: {  	s2 =	sadd.s32 s2, s17  }
0x8e: {  	[smem:$0x3FC1] =	sst s2  }
0x8f: {  	_ = 	snop  }
0x90: {  	s2 =	sld [smem:$0x3FD0];
	(tm) =	ssettm $0x1  }
0x91: {  	s18 =	sld [smem:$0x3FFB];
	_ =	sdelay $0x3  }
0x92: {  	_ =	strace s18  }
0x93: {  	s3 =	sld [smem:$0x3FFC];
	_ =	sdelay $0x3  }
0x94: {  	_ =	strace s3  }
0x95: {  	s3 =	sld [smem:$0x3FFD];
	_ =	sdelay $0x3  }
0x96: {  	_ =	strace s3  }
0x97: {  	_ =	strace $0x8FFFFFFF  }
0x98: {  	s19 =	sld [smem:$0x3FDB];
	_ =	sdelay $0x1  }
0x99: {  	s4 =	simm.s32 $_scs_section_size  }
0x9a: {  	s5 =	simm.s32 $_size__tile_overlayer_lowered;
	s6 =	simm.s32 $_tile_overlayer_lowered  }
0x9b: {  	s22 =	simm.s32 $0x1BFF;
	s21 =	sshll.u32 s6, $0x1;
	s3 =	sadd.s32 s4, s19  }
0x9c: {  	s7 =	simm.s32 $0x0;
	s20 =	sshll.u32 s5, $0x1;
	s5 =	sadd.s32 s21, s3  }
0x9d: {  	[timem:s7], [sflag:s22] =	dma.local [hbm:s5], s20  }
0x9e: {  	_ =	swait.ge [sflag:s22], s20  }
0x9f: {  	s4 =	ssub.s32 $0x0, s20;
	[sflag:s22] =	ssyncset.done $0x0  }
0xa0: {  	[sflag:s22] =	ssyncadd.s32 s4;
	_ =	sdelay $0x1  }
0xa1: {  	s23 =	simm.s32 $0x1B8B  }
0xa2: {  	_ =	swait.ge [sflag:s23], $0x1  }
0xa3: {  	[sflag:s23] =	ssyncset.done $0x0  }
0xa4: {  	s25 =	simm.s32 $0x1B8E;
	s24 =	sld [smem:$0x3FFE];
	[sflag:s23] =	ssyncadd.s32 $0xFFFFFFFF  }
0xa5: {  	s26 =	simm.s32 $execute0_lowered;
	[smem:$0x3FD2] =	sst s25  }
0xa6: {  	s5 =	sshll.u32 s26, $0x1;
	_ =	strace $0x80000046;
	[dreg:$0x1] =	wrdreg $0xFFFFFFFF  }
0xa7: {  	s28 =	simm.s32 $_size_execute0_lowered;
	s3 =	sadd.s32 s3, s5;
	[dreg:$0x0] =	wrdreg $0x0  }
0xa8: {  	s5 =	sshll.u32 s28, $0x1;
	[dreg:$0x2] =	wrdreg s3  }
0xa9: {  	[dreg:$0x3] =	wrdreg s5  }
0xaa: {  	[dreg:$0x4] =	wrdreg $0xC0  }
0xab: {  	_ =	task [dreg:s7], $0x5FFFF  }
0xac: {  	[dreg:$0x1] =	wrdreg $0xFFFFFFFF  }
0xad: {  	[dreg:$0x0] =	wrdreg $0x60  }
0xae: {  	[dreg:$0x2] =	wrdreg s2  }
0xaf: {  	[dreg:$0x3] =	wrdreg s24  }
0xb0: {  	[dreg:$0x4] =	wrdreg $0x0  }
0xb1: {  	[dreg:$0x5] =	wrdreg $0x9  }
0xb2: {  	_ =	task.clear_ibuf [dreg:s7], $0x6FFFF;
	_ =	strace $0x90000046  }
0xb3: {  	s29 =	simm.s32 $0x9;
	_ =	strace $0x80000048  }
0xb4: {  	_ =	swait.ge [sflag:s29], $0x1  }
0xb5: {  	[sflag:s29] =	ssyncadd.s32 $0xFFFFFFFF  }
0xb6: {  	_ =	strace $0x90000048  }
0xb7: {  	_ =	sfence  }
0xb8: {  	s30 =	sld [smem:$0x0];
	_ =	sdelay $0x2  }
0xb9: {  	s31 =	sshll.u32 s1, $0xD;
	s1 =	sshrl.u32 s1, $0x2  }
0xba: {  	s3 =	sand.u32 $0x4000, s31;
	s1 =	sadd.s32 s1, s30  }
0xbb: {  	s0 =	sor.u32 s3, s0;
	s1 =	sshll.u32 s1, $0x11  }
0xbc: {  	s0 =	sor.u32 s1, s0  }
0xbd: {  	s0 =	sadd.s32 $0x8F2B, s0  }
0xbe: {  	[sflag:s0] =	ssyncadd.remote.s32 $0x1  }
0xbf: {  	_ =	sfence.sel $0xFFFF  }
0xc0: {  	[dreg:$0x0] =	wrdreg $0xFFFFFFFF;
	(pc) =	sbr.abs _section_cstart, $3  }
0xc1: {  	[dreg:$0x1] =	wrdreg $0xFFFFFFFF  }
0xc2: {  	_ =	task.clear_ibuf [dreg:s7], $0x2FFFF;
	_ =	strace $0x9FFFFFFF  }
0xc3: {  	(tm) =	ssettm $0x7FFFFFFF  }
tec
execute0_lowered:
.L_overlay_start_1:
0x0: {  	(tag) =	ssettag $0x1  }
0x1: {  	s0 =	rddreg [dreg:$0x0]  }
0x2: {  	s3 =	rddreg [dreg:$0x1]  }
0x3: {  	s1 =	rddreg [dreg:$0x2]  }
0x4: {  	s2 =	simm.s32 $0x0;
	s5 =	srdreg.scid;
	s11 =	stileid.u32  }
0x5: {  	s28 =	simm.s32 $0x1;
	s29 =	simm.s32 $0x3;
	s30 =	simm.s32 $0x14080  }
0x6: {  	[smem:$0x7FF] =	sst s2;
	s4 =	sadd.s32 $0x4E3A00, s3;
	s6 =	sadd.s32 $0x1A00, s3  }
0x7: {  	s5 =	sand.u32 $0x1, s5;
	s8 =	sshll.u32 s11, $0x1;
	s9 =	smul.u32 $0x50000, s11  }
0x8: {  	s11 =	smul.u32 $0x14000, s11;
	s31 =	sadd.s32 $0x4E3A40, s3;
	s7 =	ssub.s32 $0x2, s5  }
0x9: {  	s8 =	sor.u32 s5, s8;
	s5 =	smul.u32 $0x140000, s5;
	s10 =	sshrl.u32 s7, $0x1  }
0xa: {  	s9 =	sshrl.u32 s9, $0x2;
	s21 =	smul.u32 $0xFA0, s8;
	s12 =	sor.u32 $0x2800, s11  }
0xb: {  	s13 =	sadd.s32 $0x5000, s11;
	s14 =	smul.u32 $0x7D00, s8;
	s15 =	sadd.s32 $0x7800, s11  }
0xc: {  	s16 =	sadd.s32 $0xA000, s11;
	s17 =	sadd.s32 $0xC800, s11;
	s18 =	sadd.s32 $0xF000, s11  }
0xd: {  	s19 =	sadd.s32 $0x11800, s11;
	s7 =	ssub.s32 s7, s10;
	s11 =	sadd.s32 s11, s5  }
0xe: {  	s24 =	sadd.s32 s5, s12;
	s26 =	sadd.s32 s5, s13;
	s10 =	sadd.s32 s4, s21  }
0xf: {  	s22 =	sshrl.u32 s14, $0x3;
	s23 =	sshrl.u32 s11, $0x3;
	s25 =	sshrl.u32 s24, $0x3  }
0x10: {  	s11 =	sshrl.u32 s26, $0x3;
	s14 =	sadd.s32 s5, s15;
	s21 =	sadd.s32 s5, s16  }
0x11: {  	[dreg:$0x4] =	wrdreg s10;
	s4 =	sadd.s32 s4, s22;
	s10 =	sadd.s32 s6, s23  }
0x12: {  	s20 =	sshrl.u32 s14, $0x3;
	s22 =	sshrl.u32 s21, $0x3;
	s23 =	sadd.s32 s5, s17  }
0x13: {  	s21 =	sadd.s32 s12, s1;
	s12 =	sadd.s32 s15, s1;
	s14 =	sadd.s32 s17, s1  }
0x14: {  	[dreg:$0x5] =	wrdreg s10;
	s10 =	sadd.s32 s6, s25;
	s25 =	sadd.s32 s5, s18  }
0x15: {  	s5 =	sadd.s32 s5, s19;
	[dreg:$0x6] =	wrdreg s10;
	s10 =	sadd.s32 s6, s11  }
0x16: {  	s5 =	sshrl.u32 s5, $0x3;
	[dreg:$0x7] =	wrdreg s10;
	s10 =	sadd.s32 s6, s20  }
0x17: {  	s15 =	smul.u32 $0x138800, s8;
	s5 =	sadd.s32 s6, s5;
	[dreg:$0x8] =	wrdreg s10  }
0x18: {  	s24 =	sshrl.u32 s23, $0x3;
	s10 =	sadd.s32 s6, s22;
	[dreg:$0xc] =	wrdreg s5  }
0x19: {  	s26 =	sshrl.u32 s25, $0x3;
	[dreg:$0x9] =	wrdreg s10;
	s10 =	sadd.s32 s6, s24  }
0x1a: {  	s17 =	smul.u32 $0x27100, s8;
	[dreg:$0xa] =	wrdreg s10;
	s10 =	sadd.s32 s6, s26  }
0x1b: {  	s19 =	sadd.s32 s19, s1;
	s11 =	sadd.s32 s13, s1;
	[dreg:$0xb] =	wrdreg s10  }
0x1c: {  	s23 =	smul.u32 $0x2710, s8;
	_ =	strace $0x80000047;
	[dreg:$0xf] =	wrdreg s11  }
0x1d: {  	s13 =	sadd.s32 s16, s1;
	s16 =	sadd.s32 s18, s1;
	[dreg:$0x10] =	wrdreg s12  }
0x1e: {  	s18 =	sadd.s32 $0x20, s4;
	s25 =	sadd.s32 $0x40, s4;
	[dreg:$0x11] =	wrdreg s13  }
0x1f: {  	s5 =	sshrl.u32 s15, $0x3;
	s22 =	sadd.s32 $0x502E00, s3;
	[dreg:$0x12] =	wrdreg s14  }
0x20: {  	s5 =	sadd.s32 s22, s5;
	s6 =	sadd.s32 s22, s17;
	[dreg:$0x13] =	wrdreg s16  }
0x21: {  	s4 =	sadd.s32 $0x60, s4;
	s5 =	sadd.s32 $0x500, s5;
	[dreg:$0x15] =	wrdreg s6  }
0x22: {  	s20 =	sadd.s32 s9, s1;
	s9 =	simm.s32 $0x19400;
	[dreg:$0x16] =	wrdreg s5  }
0x23: {  	s3 =	simm.s32 $0x14400;
	s24 =	smul.u32 $0x7D, s8;
	[dreg:$0x17] =	wrdreg s18  }
0x24: {  	s8 =	simm.s32 $0x50;
	s26 =	smax.u32 s7, $0x1;
	[dreg:$0x18] =	wrdreg s25  }
0x25: {  	s7 =	simm.s32 $0x5;
	s17 =	simm.s32 $0x14380;
	[dreg:$0x19] =	wrdreg s4  }
0x26: {  	s10 =	simm.s32 $0x2;
	[dreg:$0x1a] =	wrdreg s26;
	s4 =	simm.s32 $0x7  }
0x27: {  	s5 =	simm.s32 $0x14000;
	s6 =	simm.s32 $0x14100;
	s11 =	simm.s32 $0x14200  }
0x28: {  	s12 =	simm.s32 $0x6;
	s13 =	simm.s32 $0x16C00;
	[dreg:$0xd] =	wrdreg s20  }
0x29: {  	s25 =	simm.s32 $0x1BC00;
	s26 =	simm.s32 $0x14300;
	[dreg:$0xe] =	wrdreg s21  }
0x2a: {  	v0 =	vimm.f32 $0.0e+00;
	s14 =	simm.s32 $0x4;
	s16 =	simm.s32 $0x0;
	[dreg:$0x14] =	wrdreg s19  }
.LBB2_1:
0x2b: {  	[dreg:$0x1b] =	wrdreg s16;
	s15 =	simm.s32 $0x0;
	s16 =	simm.s32 $0x200  }
.LBB2_2:
0x2c: {  	p0 =	sne.s32 s16, $0x9E00;
	[tilespmem:s15+$0x14470] =	vst v0  }
0x2d: {  	[tilespmem:s15+$0x14400] =	vst v0  }
0x2e: {  	[tilespmem:s15+$0x14410] =	vst v0  }
.Ltmp0:
0x2f: {  	[tilespmem:s15+$0x14420] =	vst v0;
	(pc) =	sbr.rel @p0 .LBB2_2-.Ltmp0, $4  }
0x30: {  	[tilespmem:s15+$0x14430] =	vst v0  }
0x31: {  	[tilespmem:s15+$0x14440] =	vst v0  }
0x32: {  	[tilespmem:s15+$0x14450] =	vst v0  }
0x33: {  	[tilespmem:s15+$0x14460] =	vst v0;
	s15 =	sshra.s32 s16, $0x2;
	s16 =	sadd.s32 $0x200, s16  }
0x34: {  	[tilespmem:s15+$0x14470] =	vst v0  }
0x35: {  	[tilespmem:s15+$0x14400] =	vst v0  }
0x36: {  	[tilespmem:s15+$0x14410] =	vst v0  }
0x37: {  	[tilespmem:s15+$0x14420] =	vst v0  }
0x38: {  	[tilespmem:s15+$0x14430] =	vst v0  }
0x39: {  	[tilespmem:s15+$0x14440] =	vst v0  }
0x3a: {  	[tilespmem:s15+$0x14450] =	vst v0  }
0x3b: {  	[tilespmem:s15+$0x14460] =	vst v0  }
0x3c: {  	[spmem:s20] =	stream.linear.scatter [tilespmem:s3], [sflag:$0x7], $0x2800, $0x38;
	[tilespmem:$0x1E400] =	vst v63  }
0x3d: {  	_ =	swait.ge [sflag:s4], $0x2800  }
0x3e: {  	[sflag:s4] =	ssyncset.done $0x0  }
0x3f: {  	[sflag:s4] =	ssyncadd.s32 $0xFFFFD800  }
0x40: {  	[spmem:s21] =	stream.linear.scatter [tilespmem:s3], [sflag:$0x7], $0x2800, $0x38;
	[tilespmem:$0x1E400] =	vst v63  }
0x41: {  	_ =	swait.ge [sflag:s4], $0x2800  }
0x42: {  	[sflag:s4] =	ssyncset.done $0x0  }
0x43: {  	s18 =	rddreg [dreg:$0xf];
	[sflag:s4] =	ssyncadd.s32 $0xFFFFD800  }
0x44: {  	[spmem:s18] =	stream.linear.scatter [tilespmem:s3], [sflag:$0x7], $0x2800, $0x38;
	[tilespmem:$0x1E400] =	vst v63  }
0x45: {  	_ =	swait.ge [sflag:s4], $0x2800  }
0x46: {  	[sflag:s4] =	ssyncset.done $0x0  }
0x47: {  	s20 =	rddreg [dreg:$0x10];
	[sflag:s4] =	ssyncadd.s32 $0xFFFFD800  }
0x48: {  	[spmem:s20] =	stream.linear.scatter [tilespmem:s3], [sflag:$0x7], $0x2800, $0x38;
	[tilespmem:$0x1E400] =	vst v63  }
0x49: {  	_ =	swait.ge [sflag:s4], $0x2800  }
0x4a: {  	[sflag:s4] =	ssyncset.done $0x0  }
0x4b: {  	s21 =	rddreg [dreg:$0x11];
	[sflag:s4] =	ssyncadd.s32 $0xFFFFD800  }
0x4c: {  	[spmem:s21] =	stream.linear.scatter [tilespmem:s3], [sflag:$0x7], $0x2800, $0x38;
	[tilespmem:$0x1E400] =	vst v63  }
0x4d: {  	_ =	swait.ge [sflag:s4], $0x2800  }
0x4e: {  	[sflag:s4] =	ssyncset.done $0x0  }
0x4f: {  	s16 =	rddreg [dreg:$0x12];
	[sflag:s4] =	ssyncadd.s32 $0xFFFFD800  }
0x50: {  	[spmem:s16] =	stream.linear.scatter [tilespmem:s3], [sflag:$0x7], $0x2800, $0x38;
	[tilespmem:$0x1E400] =	vst v63  }
0x51: {  	_ =	swait.ge [sflag:s4], $0x2800  }
0x52: {  	[sflag:s4] =	ssyncset.done $0x0  }
0x53: {  	s18 =	rddreg [dreg:$0x13];
	[sflag:s4] =	ssyncadd.s32 $0xFFFFD800  }
0x54: {  	[spmem:s18] =	stream.linear.scatter [tilespmem:s3], [sflag:$0x7], $0x2800, $0x38;
	[tilespmem:$0x1E400] =	vst v63  }
0x55: {  	_ =	swait.ge [sflag:s4], $0x2800  }
0x56: {  	[sflag:s4] =	ssyncset.done $0x0  }
0x57: {  	[sflag:s4] =	ssyncadd.s32 $0xFFFFD800  }
0x58: {  	[spmem:s19] =	stream.linear.scatter [tilespmem:s3], [sflag:$0x7], $0x2800, $0x38;
	[tilespmem:$0x1E400] =	vst v63  }
0x59: {  	_ =	swait.ge [sflag:s4], $0x2800  }
0x5a: {  	[sflag:s4] =	ssyncset.done $0x0  }
0x5b: {  	[sflag:s4] =	ssyncadd.s32 $0xFFFFD800  }
0x5c: {  	[bflag:$0x0] =	sbarrier.arrive $0xFFFF  }
0x5d: {  	s19 =	simm.s32 $0x0;
	s20 =	rddreg [dreg:$0x4]  }
0x5e: {  	[tilespmem:s5], [sflag:$0x5] =	stream.linear.gather [hbm4b:s20+s19], $0x100, $0x38;
	[tilespmem:$0x1E400] =	vst v63  }
0x5f: {  	s21 =	rddreg [dreg:$0x17]  }
0x60: {  	[tilespmem:s6], [sflag:$0x6] =	stream.linear.gather [hbm4b:s21+s19], $0x100, $0x38;
	[tilespmem:$0x1E400] =	vst v63  }
0x61: {  	_ =	swait.ge [sflag:s7], $0x100  }
0x62: {  	[sflag:s7] =	ssyncset.done $0x0  }
0x63: {  	[sflag:s7] =	ssyncadd.s32 $0xFFFFFF00  }
0x64: {  	[tilespmem:s3], [sflag:$0x1] =	stream.indirect.gather [hbm4b:s0+s8], $0x80, s5, s8, $0xb8;
	[tilespmem:$0x1E400] =	vst v63  }
0x65: {  	s16 =	rddreg [dreg:$0x15]  }
0x66: {  	[tilespmem:s9], [sflag:$0x3] =	stream.linear.gather [hbm4b:s16+s19], $0x2800, $0x38;
	[tilespmem:$0x1E400] =	vst v63  }
0x67: {  	s18 =	rddreg [dreg:$0x18]  }
0x68: {  	[tilespmem:s11], [sflag:$0x5] =	stream.linear.gather [hbm4b:s18+s19], $0x100, $0x38;
	[tilespmem:$0x1E400] =	vst v63  }
0x69: {  	_ =	swait.ge [sflag:s12], $0x100  }
0x6a: {  	[sflag:s12] =	ssyncset.done $0x0  }
0x6b: {  	[sflag:s12] =	ssyncadd.s32 $0xFFFFFF00  }
0x6c: {  	[tilespmem:s13], [sflag:$0x2] =	stream.indirect.gather [hbm4b:s0+s8], $0x80, s6, s8, $0xb8;
	[tilespmem:$0x1E400] =	vst v63  }
0x6d: {  	s20 =	rddreg [dreg:$0x16]  }
0x6e: {  	[tilespmem:s25], [sflag:$0x4] =	stream.linear.gather [hbm4b:s20+s19], $0x2800, $0x38;
	[tilespmem:$0x1E400] =	vst v63  }
0x6f: {  	s21 =	rddreg [dreg:$0x19]  }
0x70: {  	[tilespmem:s26], [sflag:$0x6] =	stream.linear.gather [hbm4b:s21+s19], $0x100, $0x38;
	[tilespmem:$0x1E400] =	vst v63  }
.LBB2_4:
0x71: {  	_ =	swait.ge [sflag:s28], $0x2800  }
0x72: {  	[sflag:s28] =	ssyncset.done $0x0  }
0x73: {  	[sflag:s28] =	ssyncadd.s32 $0xFFFFD800  }
0x74: {  	_ =	swait.ge [sflag:s29], $0x2800  }
0x75: {  	[sflag:s29] =	ssyncset.done $0x0  }
0x76: {  	s20 =	simm.s32 $0x0;
	[sflag:s29] =	ssyncadd.s32 $0xFFFFD800  }
0x77: {  	v1 =	vld [tilespmem:s20+$0x14450]  }
0x78: {  	v2 =	vld [tilespmem:s20+$0x14400]  }
0x79: {  	v3 =	vld [tilespmem:s20+$0x14470]  }
0x7a: {  	v4 =	vld [tilespmem:s20+$0x14440]  }
0x7b: {  	v5 =	vld [tilespmem:s20+$0x14410]  }
0x7c: {  	v6 =	vld [tilespmem:s20+$0x19410]  }
0x7d: {  	v7 =	vld [tilespmem:s20+$0x19470]  }
0x7e: {  	v9 =	vld [tilespmem:s20+$0x14460]  }
0x7f: {  	v10 =	vld [tilespmem:s20+$0x14430]  }
0x80: {  	v11 =	vld [tilespmem:s20+$0x19450]  }
0x81: {  	v12 =	vld [tilespmem:s20+$0x19400]  }
0x82: {  	v13 =	vld [tilespmem:s20+$0x19430];
	v8 =	vadd.f32 v6, v5  }
0x83: {  	v6 =	vadd.f32 v7, v3;
	v3 =	vld [tilespmem:s20+$0x19440]  }
0x84: {  	v14 =	vld [tilespmem:s20+$0x19460];
	v5 =	vsub.f32 $0.0e+00, v8  }
0x85: {  	v7 =	vadd.f32 v11, v1;
	v15 =	vsub.f32 $0.0e+00, v6  }
0x86: {  	v1 =	vmul.f32 $1.442695020e+00, v5;
	v5 =	vadd.f32 v12, v2  }
0x87: {  	v59 =	vld [tilespmem:s20+$0x14420];
	v11 =	vmul.f32 $1.442695020e+00, v15;
	v2 =	vadd.f32 v13, v10;
	v10 =	vsub.f32 $0.0e+00, v7  }
0x88: {  	v3 =	vadd.f32 v3, v4;
	v4 =	vld [tilespmem:s20+$0x19420];
	(erf) = vpow2.f32 v1;
	v60 =	vsub.f32 $0.0e+00, v5  }
0x89: {  	v61 =	vsub.f32 $0.0e+00, v2;
	v10 =	vmul.f32 $1.442695020e+00, v10;
	v1 =	vadd.f32 v14, v9  }
0x8a: {  	(erf) = vpow2.f32 v11;
	v11 =	vsub.f32 $0.0e+00, v3;
	v9 =	vmul.f32 $1.442695020e+00, v60  }
0x8b: {  	v62 =	vmul.f32 $1.442695020e+00, v61;
	v14 =	vsub.f32 $0.0e+00, v1;
	(erf) = vpow2.f32 v10  }
0x8c: {  	v10 =	vmul.f32 $1.442695020e+00, v11;
	(erf) = vpow2.f32 v9  }
0x8d: {  	v9 =	vmul.f32 $1.442695020e+00, v14;
	v4 =	vadd.f32 v4, v59;
	(erf) = vpow2.f32 v62  }
0x8e: {  	(erf) = vpow2.f32 v10  }
0x8f: {  	(erf) = vpow2.f32 v9;
	v9 =	vsub.f32 $0.0e+00, v4;
	_ =	sdelay $0x1  }
0x90: {  	v9 =	vmul.f32 $1.442695020e+00, v9  }
0x91: {  	v10 =	vpop (erf)  }
0x92: {  	v10 =	vadd.f32 $1.000000000e+00, v10;
	v11 =	vpop (erf);
	(erf) = vpow2.f32 v9  }
0x93: {  	v9 =	vadd.f32 $1.000000000e+00, v11;
	v11 =	vpop (erf)  }
0x94: {  	(erf) = vrcp.f32 v10;
	v10 =	vadd.f32 $1.000000000e+00, v11;
	v11 =	vpop (erf)  }
0x95: {  	v11 =	vadd.f32 $1.000000000e+00, v11  }
0x96: {  	(erf) = vrcp.f32 v9  }
0x97: {  	v9 =	vpop (erf)  }
0x98: {  	(erf) = vrcp.f32 v10;
	v63 =	vpop (erf)  }
0x99: {  	s18 =	simm.s32 $0x200;
	s21 =	simm.s32 $0x400;
	v10 =	vadd.f32 $1.000000000e+00, v9;
	(erf) = vrcp.f32 v11;
	v9 =	vadd.f32 $1.000000000e+00, v63;
	v11 =	vpop (erf)  }
.LBB2_5:
0x9a: {  	p0 =	sne.s32 s21, $0x9E00  }
0x9b: {  	s15 =	sshra.s32 s18, $0x2;
	v11 =	vadd.f32 $1.000000000e+00, v11;
	v12 =	vpop (erf);
	(erf) = vrcp.f32 v10;
	s18 =	smov.u32 s21;
	s21 =	sadd.s32 $0x200, s21  }
0x9c: {  	v10 =	vld [tilespmem:s15+$0x14420];
	v12 =	vadd.f32 $1.000000000e+00, v12;
	(erf) = vrcp.f32 v9  }
0x9d: {  	v9 =	vld [tilespmem:s15+$0x14450];
	(erf) = vrcp.f32 v11  }
0x9e: {  	v11 =	vld [tilespmem:s15+$0x14400];
	v13 =	vpop (erf);
	(erf) = vrcp.f32 v12  }
0x9f: {  	v12 =	vld [tilespmem:s15+$0x14470];
	v8 =	vmul.f32 v13, v8;
	v13 =	vpop (erf)  }
0xa0: {  	v14 =	vld [tilespmem:s15+$0x14440];
	v15 =	vmul.f32 v13, v6  }
0xa1: {  	v13 =	vld [tilespmem:s15+$0x14410];
	[tilespmem:s20+$0x19410] =	vst v8  }
0xa2: {  	v8 =	vld [tilespmem:s15+$0x19410];
	[tilespmem:s20+$0x19470] =	vst v15;
	v6 =	vpop (erf)  }
0xa3: {  	v15 =	vld [tilespmem:s15+$0x19470];
	v18 =	vmul.f32 v6, v7;
	v7 =	vpop (erf)  }
0xa4: {  	v16 =	vld [tilespmem:s15+$0x14460];
	v19 =	vmul.f32 v7, v5;
	v7 =	vpop (erf)  }
0xa5: {  	v17 =	vld [tilespmem:s15+$0x14430];
	v20 =	vmul.f32 v7, v2;
	[tilespmem:s20+$0x19450] =	vst v18;
	v6 =	vpop (erf)  }
0xa6: {  	v7 =	vld [tilespmem:s15+$0x19450];
	[tilespmem:s20+$0x19400] =	vst v19;
	v3 =	vmul.f32 v6, v3;
	v5 =	vpop (erf)  }
0xa7: {  	v18 =	vld [tilespmem:s15+$0x19400];
	v8 =	vadd.f32 v8, v13;
	[tilespmem:s20+$0x19430] =	vst v20;
	v1 =	vmul.f32 v5, v1;
	v2 =	vpop (erf)  }
0xa8: {  	v13 =	vld [tilespmem:s15+$0x19430];
	v6 =	vadd.f32 v15, v12;
	v2 =	vmul.f32 v2, v4;
	[tilespmem:s20+$0x19440] =	vst v3  }
0xa9: {  	v3 =	vsub.f32 $0.0e+00, v8;
	v4 =	vld [tilespmem:s15+$0x19440];
	[tilespmem:s20+$0x19460] =	vst v1  }
0xaa: {  	v1 =	vld [tilespmem:s15+$0x19460];
	v12 =	vsub.f32 $0.0e+00, v6;
	[tilespmem:s20+$0x19420] =	vst v2;
	s20 =	smov.u32 s15  }
0xab: {  	v3 =	vmul.f32 $1.442695020e+00, v3;
	v15 =	vld [tilespmem:s20+$0x19420];
	v7 =	vadd.f32 v7, v9  }
0xac: {  	v5 =	vadd.f32 v18, v11;
	v9 =	vmul.f32 $1.442695020e+00, v12  }
0xad: {  	v2 =	vadd.f32 v13, v17;
	v11 =	vsub.f32 $0.0e+00, v7;
	(erf) = vpow2.f32 v3  }
0xae: {  	v12 =	vsub.f32 $0.0e+00, v5;
	v3 =	vadd.f32 v4, v14;
	(erf) = vpow2.f32 v9  }
0xaf: {  	v9 =	vsub.f32 $0.0e+00, v2;
	v11 =	vmul.f32 $1.442695020e+00, v11;
	v1 =	vadd.f32 v1, v16  }
0xb0: {  	v12 =	vmul.f32 $1.442695020e+00, v12;
	v4 =	vadd.f32 v15, v10;
	v10 =	vsub.f32 $0.0e+00, v3  }
0xb1: {  	v9 =	vmul.f32 $1.442695020e+00, v9;
	v13 =	vsub.f32 $0.0e+00, v1;
	(erf) = vpow2.f32 v11  }
0xb2: {  	v11 =	vsub.f32 $0.0e+00, v4;
	v10 =	vmul.f32 $1.442695020e+00, v10;
	(erf) = vpow2.f32 v12  }
0xb3: {  	v12 =	vmul.f32 $1.442695020e+00, v13;
	(erf) = vpow2.f32 v9  }
0xb4: {  	v9 =	vmul.f32 $1.442695020e+00, v11;
	(erf) = vpow2.f32 v10  }
0xb5: {  	(erf) = vpow2.f32 v12  }
0xb6: {  	v10 =	vpop (erf);
	(erf) = vpow2.f32 v9  }
0xb7: {  	v11 =	vadd.f32 $1.000000000e+00, v10;
	v10 =	vpop (erf)  }
0xb8: {  	v12 =	vadd.f32 $1.000000000e+00, v10  }
0xb9: {  	(erf) = vrcp.f32 v11  }
.Ltmp1:
0xba: {  	v9 =	vpop (erf);
	(erf) = vrcp.f32 v12;
	(pc) =	sbr.rel @p0 .LBB2_5-.Ltmp1, $4  }
0xbb: {  	v9 =	vadd.f32 $1.000000000e+00, v9;
	v10 =	vpop (erf)  }
0xbc: {  	v13 =	vadd.f32 $1.000000000e+00, v10;
	v10 =	vpop (erf)  }
0xbd: {  	v10 =	vadd.f32 $1.000000000e+00, v10;
	v12 =	vpop (erf);
	(erf) = vrcp.f32 v9  }
0xbe: {  	v9 =	vadd.f32 $1.000000000e+00, v12;
	(erf) = vrcp.f32 v13;
	v11 =	vpop (erf)  }
0xbf: {  	_ =	sdelay $0x1  }
0xc0: {  	s15 =	sshra.s32 s18, $0x2;
	v14 =	vpop (erf)  }
0xc1: {  	v12 =	vld [tilespmem:s15+$0x14420];
	v16 =	vpop (erf)  }
0xc2: {  	v13 =	vld [tilespmem:s15+$0x14450];
	v45 =	vpop (erf)  }
0xc3: {  	(erf) = vrcp.f32 v10;
	v15 =	vld [tilespmem:s15+$0x14400];
	v6 =	vmul.f32 v45, v6  }
0xc4: {  	v17 =	vld [tilespmem:s15+$0x14470];
	v8 =	vmul.f32 v16, v8  }
0xc5: {  	v10 =	vld [tilespmem:s15+$0x14440];
	(erf) = vrcp.f32 v9;
	v9 =	vadd.f32 $1.000000000e+00, v11;
	v11 =	vadd.f32 $1.000000000e+00, v14  }
0xc6: {  	v18 =	vld [tilespmem:s15+$0x14410];
	[tilespmem:s20+$0x19410] =	vst v8  }
0xc7: {  	v8 =	vld [tilespmem:s15+$0x19410];
	[tilespmem:s20+$0x19470] =	vst v6;
	v6 =	vpop (erf)  }
0xc8: {  	(erf) = vrcp.f32 v9;
	v6 =	vmul.f32 v6, v7  }
0xc9: {  	(erf) = vrcp.f32 v11;
	v11 =	vpop (erf)  }
0xca: {  	v9 =	vld [tilespmem:s15+$0x19470];
	v5 =	vmul.f32 v11, v5  }
0xcb: {  	v46 =	vld [tilespmem:s15+$0x14430]  }
0xcc: {  	v7 =	vld [tilespmem:s15+$0x14460];
	[tilespmem:s20+$0x19450] =	vst v6;
	v6 =	vpop (erf)  }
0xcd: {  	v2 =	vmul.f32 v6, v2  }
0xce: {  	v11 =	vld [tilespmem:s15+$0x19450];
	[tilespmem:s20+$0x19400] =	vst v5;
	v5 =	vpop (erf)  }
0xcf: {  	v3 =	vmul.f32 v5, v3;
	_ =	sdelay $0x1  }
0xd0: {  	v6 =	vld [tilespmem:s15+$0x19400];
	[tilespmem:s20+$0x19430] =	vst v2;
	v2 =	vpop (erf)  }
0xd1: {  	v1 =	vmul.f32 v2, v1;
	v2 =	vadd.f32 v8, v18  }
0xd2: {  	v5 =	vld [tilespmem:s15+$0x19430];
	[tilespmem:s20+$0x19440] =	vst v3;
	v3 =	vpop (erf)  }
0xd3: {  	v9 =	vadd.f32 v9, v17;
	v8 =	vld [tilespmem:s15+$0x19440];
	v3 =	vmul.f32 v3, v4;
	[tilespmem:s20+$0x19460] =	vst v1;
	v1 =	vsub.f32 $0.0e+00, v2  }
0xd4: {  	v11 =	vadd.f32 v11, v13;
	v4 =	vld [tilespmem:s15+$0x19460]  }
0xd5: {  	v47 =	vsub.f32 $0.0e+00, v9;
	v6 =	vadd.f32 v6, v15;
	[tilespmem:s20+$0x19420] =	vst v3;
	v1 =	vmul.f32 $1.442695020e+00, v1  }
0xd6: {  	v49 =	vsub.f32 $0.0e+00, v11;
	v3 =	vld [tilespmem:s15+$0x19420]  }
0xd7: {  	v48 =	vmul.f32 $1.442695020e+00, v47;
	(erf) = vpow2.f32 v1;
	v1 =	vsub.f32 $0.0e+00, v6  }
0xd8: {  	v50 =	vmul.f32 $1.442695020e+00, v49;
	v5 =	vadd.f32 v5, v46;
	v8 =	vadd.f32 v8, v10  }
0xd9: {  	(erf) = vpow2.f32 v48;
	v4 =	vadd.f32 v4, v7;
	v1 =	vmul.f32 $1.442695020e+00, v1  }
0xda: {  	v10 =	vsub.f32 $0.0e+00, v5;
	v7 =	vsub.f32 $0.0e+00, v8;
	(erf) = vpow2.f32 v50  }
0xdb: {  	v3 =	vadd.f32 v3, v12;
	v51 =	vsub.f32 $0.0e+00, v4;
	(erf) = vpow2.f32 v1  }
0xdc: {  	v10 =	vmul.f32 $1.442695020e+00, v10  }
0xdd: {  	v7 =	vmul.f32 $1.442695020e+00, v7;
	v52 =	vsub.f32 $0.0e+00, v3;
	v1 =	vmul.f32 $1.442695020e+00, v51  }
0xde: {  	(erf) = vpow2.f32 v10  }
0xdf: {  	(erf) = vpow2.f32 v7;
	v10 =	vmul.f32 $1.442695020e+00, v52  }
0xe0: {  	(erf) = vpow2.f32 v1  }
0xe1: {  	(erf) = vpow2.f32 v10;
	v1 =	vpop (erf)  }
0xe2: {  	v1 =	vadd.f32 $1.000000000e+00, v1;
	v7 =	vpop (erf)  }
0xe3: {  	v7 =	vadd.f32 $1.000000000e+00, v7;
	v10 =	vpop (erf)  }
0xe4: {  	(erf) = vrcp.f32 v1;
	v1 =	vadd.f32 $1.000000000e+00, v10;
	v10 =	vpop (erf)  }
0xe5: {  	(erf) = vrcp.f32 v7;
	v7 =	vadd.f32 $1.000000000e+00, v10  }
0xe6: {  	(erf) = vrcp.f32 v1  }
0xe7: {  	v10 =	vpop (erf);
	(erf) = vrcp.f32 v7  }
0xe8: {  	v10 =	vadd.f32 $1.000000000e+00, v10;
	v53 =	vpop (erf)  }
0xe9: {  	v1 =	vadd.f32 $1.000000000e+00, v53;
	v7 =	vpop (erf)  }
0xea: {  	(erf) = vrcp.f32 v10;
	v7 =	vadd.f32 $1.000000000e+00, v7;
	v54 =	vpop (erf)  }
0xeb: {  	(erf) = vrcp.f32 v1;
	v10 =	vadd.f32 $1.000000000e+00, v54  }
0xec: {  	(erf) = vrcp.f32 v7  }
0xed: {  	(erf) = vrcp.f32 v10;
	v1 =	vpop (erf)  }
0xee: {  	v1 =	vmul.f32 v1, v2;
	v2 =	vpop (erf)  }
0xef: {  	v2 =	vmul.f32 v2, v9;
	v7 =	vpop (erf)  }
0xf0: {  	[tilespmem:s15+$0x19410] =	vst v1;
	v1 =	vmul.f32 v7, v11;
	v7 =	vpop (erf)  }
0xf1: {  	[tilespmem:s15+$0x19470] =	vst v2;
	v2 =	vmul.f32 v7, v6;
	_ =	sdelay $0x1  }
0xf2: {  	v6 =	vpop (erf)  }
0xf3: {  	v5 =	vmul.f32 v6, v5;
	[tilespmem:s15+$0x19450] =	vst v1;
	v1 =	vpop (erf)  }
0xf4: {  	[tilespmem:s15+$0x19400] =	vst v2;
	v1 =	vmul.f32 v1, v8;
	v2 =	vpop (erf)  }
0xf5: {  	[tilespmem:s15+$0x19430] =	vst v5;
	v2 =	vmul.f32 v2, v4;
	v4 =	vpop (erf)  }
0xf6: {  	v3 =	vmul.f32 v4, v3;
	[tilespmem:s15+$0x19440] =	vst v1  }
0xf7: {  	[tilespmem:s15+$0x19460] =	vst v2  }
0xf8: {  	[tilespmem:s15+$0x19420] =	vst v3  }
0xf9: {  	[spmem:s1] =	stream.indirect.scatter.add.f32 [tilespmem:s9], [sflag:$0x7], $0x80, s30, s8, $0xb8;
	[tilespmem:$0x1E400] =	vst v63  }
0xfa: {  	s20 =	sshll.u32 s19, $0x2;
	_ =	swait.ge [sflag:s4], $0x2800  }
0xfb: {  	s18 =	sor.u32 $0x2, s20;
	[sflag:s4] =	ssyncset.done $0x0  }
0xfc: {  	s16 =	smul.u32 $0x50, s18;
	[sflag:s4] =	ssyncadd.s32 $0xFFFFD800  }
0xfd: {  	_ =	swait.ge [sflag:s7], $0x100  }
0xfe: {  	s16 =	sadd.s32 s23, s16;
	[sflag:s7] =	ssyncset.done $0x0  }
0xff: {  	s16 =	sshll.u32 s16, $0x4;
	s15 =	sadd.s32 s24, s18;
	[sflag:s7] =	ssyncadd.s32 $0xFFFFFF00  }
0x100: {  	[tilespmem:s3], [sflag:$0x1] =	stream.indirect.gather [hbm4b:s0+s8], $0x80, s11, s8, $0xb8;
	[tilespmem:$0x1E400] =	vst v63  }
0x101: {  	s21 =	simm.s32 $0x0;
	s16 =	sadd.s32 s22, s16;
	s15 =	sshll.u32 s15, $0x5  }
0x102: {  	[tilespmem:s9], [sflag:$0x3] =	stream.linear.gather [hbm4b:s16+s21], $0x2800, $0x38;
	[tilespmem:$0x1E400] =	vst v63  }
0x103: {  	s15 =	sadd.s32 s15, s31  }
0x104: {  	[tilespmem:s5], [sflag:$0x5] =	stream.linear.gather [hbm4b:s15+s21], $0x100, $0x38;
	[tilespmem:$0x1E400] =	vst v63  }
0x105: {  	_ =	swait.ge [sflag:s10], $0x2800  }
0x106: {  	[sflag:s10] =	ssyncset.done $0x0  }
0x107: {  	[sflag:s10] =	ssyncadd.s32 $0xFFFFD800  }
0x108: {  	_ =	swait.ge [sflag:s14], $0x2800  }
0x109: {  	[sflag:s14] =	ssyncset.done $0x0  }
0x10a: {  	s21 =	simm.s32 $0x0;
	[sflag:s14] =	ssyncadd.s32 $0xFFFFD800  }
0x10b: {  	v1 =	vld [tilespmem:s21+$0x16C50]  }
0x10c: {  	v2 =	vld [tilespmem:s21+$0x16C00]  }
0x10d: {  	v3 =	vld [tilespmem:s21+$0x16C70]  }
0x10e: {  	v4 =	vld [tilespmem:s21+$0x16C40]  }
0x10f: {  	v5 =	vld [tilespmem:s21+$0x16C10]  }
0x110: {  	v6 =	vld [tilespmem:s21+$0x1BC10]  }
0x111: {  	v7 =	vld [tilespmem:s21+$0x1BC70]  }
0x112: {  	v9 =	vld [tilespmem:s21+$0x16C60]  }
0x113: {  	v10 =	vld [tilespmem:s21+$0x16C30]  }
0x114: {  	v11 =	vld [tilespmem:s21+$0x1BC50]  }
0x115: {  	v55 =	vld [tilespmem:s21+$0x1BC00]  }
0x116: {  	v56 =	vld [tilespmem:s21+$0x1BC30];
	v8 =	vadd.f32 v6, v5  }
0x117: {  	v6 =	vadd.f32 v7, v3;
	v3 =	vld [tilespmem:s21+$0x1BC40]  }
0x118: {  	v57 =	vld [tilespmem:s21+$0x1BC60];
	v5 =	vsub.f32 $0.0e+00, v8  }
0x119: {  	v7 =	vadd.f32 v11, v1;
	v58 =	vsub.f32 $0.0e+00, v6  }
0x11a: {  	v1 =	vmul.f32 $1.442695020e+00, v5;
	v5 =	vadd.f32 v55, v2  }
0x11b: {  	v59 =	vld [tilespmem:s21+$0x16C20];
	v11 =	vmul.f32 $1.442695020e+00, v58;
	v2 =	vadd.f32 v56, v10;
	v10 =	vsub.f32 $0.0e+00, v7  }
0x11c: {  	v3 =	vadd.f32 v3, v4;
	v4 =	vld [tilespmem:s21+$0x1BC20];
	(erf) = vpow2.f32 v1;
	v60 =	vsub.f32 $0.0e+00, v5  }
0x11d: {  	v61 =	vsub.f32 $0.0e+00, v2;
	v10 =	vmul.f32 $1.442695020e+00, v10;
	v1 =	vadd.f32 v57, v9  }
0x11e: {  	(erf) = vpow2.f32 v11;
	v11 =	vsub.f32 $0.0e+00, v3;
	v9 =	vmul.f32 $1.442695020e+00, v60  }
0x11f: {  	v62 =	vmul.f32 $1.442695020e+00, v61;
	v14 =	vsub.f32 $0.0e+00, v1;
	(erf) = vpow2.f32 v10  }
0x120: {  	v10 =	vmul.f32 $1.442695020e+00, v11;
	(erf) = vpow2.f32 v9  }
0x121: {  	v9 =	vmul.f32 $1.442695020e+00, v14;
	v4 =	vadd.f32 v4, v59;
	(erf) = vpow2.f32 v62  }
0x122: {  	(erf) = vpow2.f32 v10  }
0x123: {  	(erf) = vpow2.f32 v9;
	v9 =	vsub.f32 $0.0e+00, v4;
	_ =	sdelay $0x1  }
0x124: {  	v9 =	vmul.f32 $1.442695020e+00, v9  }
0x125: {  	v10 =	vpop (erf)  }
0x126: {  	v10 =	vadd.f32 $1.000000000e+00, v10;
	v11 =	vpop (erf);
	(erf) = vpow2.f32 v9  }
0x127: {  	v9 =	vadd.f32 $1.000000000e+00, v11;
	v11 =	vpop (erf)  }
0x128: {  	(erf) = vrcp.f32 v10;
	v10 =	vadd.f32 $1.000000000e+00, v11;
	v11 =	vpop (erf)  }
0x129: {  	v11 =	vadd.f32 $1.000000000e+00, v11  }
0x12a: {  	(erf) = vrcp.f32 v9  }
0x12b: {  	v9 =	vpop (erf)  }
0x12c: {  	(erf) = vrcp.f32 v10;
	v63 =	vpop (erf)  }
0x12d: {  	s18 =	simm.s32 $0x400;
	s15 =	simm.s32 $0x200;
	v10 =	vadd.f32 $1.000000000e+00, v9;
	(erf) = vrcp.f32 v11;
	v9 =	vadd.f32 $1.000000000e+00, v63;
	v11 =	vpop (erf)  }
.LBB2_7:
0x12e: {  	p0 =	sne.s32 s18, $0x9E00  }
0x12f: {  	s16 =	sshra.s32 s15, $0x2;
	v11 =	vadd.f32 $1.000000000e+00, v11;
	v12 =	vpop (erf);
	(erf) = vrcp.f32 v10;
	s15 =	smov.u32 s18;
	s18 =	sadd.s32 $0x200, s18  }
0x130: {  	v10 =	vld [tilespmem:s16+$0x16C20];
	v12 =	vadd.f32 $1.000000000e+00, v12;
	(erf) = vrcp.f32 v9  }
0x131: {  	v9 =	vld [tilespmem:s16+$0x16C50];
	(erf) = vrcp.f32 v11  }
0x132: {  	v11 =	vld [tilespmem:s16+$0x16C00];
	v13 =	vpop (erf);
	(erf) = vrcp.f32 v12  }
0x133: {  	v12 =	vld [tilespmem:s16+$0x16C70];
	v8 =	vmul.f32 v13, v8;
	v13 =	vpop (erf)  }
0x134: {  	v14 =	vld [tilespmem:s16+$0x16C40];
	v15 =	vmul.f32 v13, v6  }
0x135: {  	v13 =	vld [tilespmem:s16+$0x16C10];
	[tilespmem:s21+$0x1BC10] =	vst v8  }
0x136: {  	v8 =	vld [tilespmem:s16+$0x1BC10];
	[tilespmem:s21+$0x1BC70] =	vst v15;
	v6 =	vpop (erf)  }
0x137: {  	v15 =	vld [tilespmem:s16+$0x1BC70];
	v18 =	vmul.f32 v6, v7;
	v7 =	vpop (erf)  }
0x138: {  	v16 =	vld [tilespmem:s16+$0x16C60];
	v19 =	vmul.f32 v7, v5;
	v7 =	vpop (erf)  }
0x139: {  	v17 =	vld [tilespmem:s16+$0x16C30];
	v20 =	vmul.f32 v7, v2;
	[tilespmem:s21+$0x1BC50] =	vst v18;
	v6 =	vpop (erf)  }
0x13a: {  	v7 =	vld [tilespmem:s16+$0x1BC50];
	[tilespmem:s21+$0x1BC00] =	vst v19;
	v3 =	vmul.f32 v6, v3;
	v5 =	vpop (erf)  }
0x13b: {  	v18 =	vld [tilespmem:s16+$0x1BC00];
	v8 =	vadd.f32 v8, v13;
	[tilespmem:s21+$0x1BC30] =	vst v20;
	v1 =	vmul.f32 v5, v1;
	v2 =	vpop (erf)  }
0x13c: {  	v13 =	vld [tilespmem:s16+$0x1BC30];
	v6 =	vadd.f32 v15, v12;
	v2 =	vmul.f32 v2, v4;
	[tilespmem:s21+$0x1BC40] =	vst v3  }
0x13d: {  	v3 =	vsub.f32 $0.0e+00, v8;
	v4 =	vld [tilespmem:s16+$0x1BC40];
	[tilespmem:s21+$0x1BC60] =	vst v1  }
0x13e: {  	v1 =	vld [tilespmem:s16+$0x1BC60];
	v12 =	vsub.f32 $0.0e+00, v6;
	[tilespmem:s21+$0x1BC20] =	vst v2;
	s21 =	smov.u32 s16  }
0x13f: {  	v3 =	vmul.f32 $1.442695020e+00, v3;
	v15 =	vld [tilespmem:s21+$0x1BC20];
	v7 =	vadd.f32 v7, v9  }
0x140: {  	v5 =	vadd.f32 v18, v11;
	v9 =	vmul.f32 $1.442695020e+00, v12  }
0x141: {  	v2 =	vadd.f32 v13, v17;
	v11 =	vsub.f32 $0.0e+00, v7;
	(erf) = vpow2.f32 v3  }
0x142: {  	v12 =	vsub.f32 $0.0e+00, v5;
	v3 =	vadd.f32 v4, v14;
	(erf) = vpow2.f32 v9  }
0x143: {  	v9 =	vsub.f32 $0.0e+00, v2;
	v11 =	vmul.f32 $1.442695020e+00, v11;
	v1 =	vadd.f32 v1, v16  }
0x144: {  	v12 =	vmul.f32 $1.442695020e+00, v12;
	v4 =	vadd.f32 v15, v10;
	v10 =	vsub.f32 $0.0e+00, v3  }
0x145: {  	v9 =	vmul.f32 $1.442695020e+00, v9;
	v13 =	vsub.f32 $0.0e+00, v1;
	(erf) = vpow2.f32 v11  }
0x146: {  	v11 =	vsub.f32 $0.0e+00, v4;
	v10 =	vmul.f32 $1.442695020e+00, v10;
	(erf) = vpow2.f32 v12  }
0x147: {  	v12 =	vmul.f32 $1.442695020e+00, v13;
	(erf) = vpow2.f32 v9  }
0x148: {  	v9 =	vmul.f32 $1.442695020e+00, v11;
	(erf) = vpow2.f32 v10  }
0x149: {  	(erf) = vpow2.f32 v12  }
0x14a: {  	v10 =	vpop (erf);
	(erf) = vpow2.f32 v9  }
0x14b: {  	v11 =	vadd.f32 $1.000000000e+00, v10;
	v10 =	vpop (erf)  }
0x14c: {  	v12 =	vadd.f32 $1.000000000e+00, v10  }
0x14d: {  	(erf) = vrcp.f32 v11  }
.Ltmp2:
0x14e: {  	v9 =	vpop (erf);
	(erf) = vrcp.f32 v12;
	(pc) =	sbr.rel @p0 .LBB2_7-.Ltmp2, $4  }
0x14f: {  	v9 =	vadd.f32 $1.000000000e+00, v9;
	v10 =	vpop (erf)  }
0x150: {  	v13 =	vadd.f32 $1.000000000e+00, v10;
	v10 =	vpop (erf)  }
0x151: {  	v10 =	vadd.f32 $1.000000000e+00, v10;
	v12 =	vpop (erf);
	(erf) = vrcp.f32 v9  }
0x152: {  	v9 =	vadd.f32 $1.000000000e+00, v12;
	(erf) = vrcp.f32 v13;
	v11 =	vpop (erf)  }
0x153: {  	_ =	sdelay $0x1  }
0x154: {  	s15 =	sshra.s32 s15, $0x2;
	v14 =	vpop (erf)  }
0x155: {  	v12 =	vld [tilespmem:s15+$0x16C20];
	v16 =	vpop (erf)  }
0x156: {  	v13 =	vld [tilespmem:s15+$0x16C50];
	v45 =	vpop (erf)  }
0x157: {  	(erf) = vrcp.f32 v10;
	v15 =	vld [tilespmem:s15+$0x16C00];
	v6 =	vmul.f32 v45, v6  }
0x158: {  	v17 =	vld [tilespmem:s15+$0x16C70];
	v8 =	vmul.f32 v16, v8  }
0x159: {  	v10 =	vld [tilespmem:s15+$0x16C40];
	(erf) = vrcp.f32 v9;
	v9 =	vadd.f32 $1.000000000e+00, v11;
	v11 =	vadd.f32 $1.000000000e+00, v14  }
0x15a: {  	v18 =	vld [tilespmem:s15+$0x16C10];
	[tilespmem:s21+$0x1BC10] =	vst v8  }
0x15b: {  	v8 =	vld [tilespmem:s15+$0x1BC10];
	[tilespmem:s21+$0x1BC70] =	vst v6;
	v6 =	vpop (erf)  }
0x15c: {  	(erf) = vrcp.f32 v9;
	v6 =	vmul.f32 v6, v7  }
0x15d: {  	(erf) = vrcp.f32 v11;
	v11 =	vpop (erf)  }
0x15e: {  	v9 =	vld [tilespmem:s15+$0x1BC70];
	v5 =	vmul.f32 v11, v5  }
0x15f: {  	v46 =	vld [tilespmem:s15+$0x16C30]  }
0x160: {  	v7 =	vld [tilespmem:s15+$0x16C60];
	[tilespmem:s21+$0x1BC50] =	vst v6;
	v6 =	vpop (erf)  }
0x161: {  	v2 =	vmul.f32 v6, v2  }
0x162: {  	v11 =	vld [tilespmem:s15+$0x1BC50];
	[tilespmem:s21+$0x1BC00] =	vst v5;
	v5 =	vpop (erf)  }
0x163: {  	v3 =	vmul.f32 v5, v3;
	_ =	sdelay $0x1  }
0x164: {  	v6 =	vld [tilespmem:s15+$0x1BC00];
	[tilespmem:s21+$0x1BC30] =	vst v2;
	v2 =	vpop (erf)  }
0x165: {  	v1 =	vmul.f32 v2, v1;
	v2 =	vadd.f32 v8, v18  }
0x166: {  	v5 =	vld [tilespmem:s15+$0x1BC30];
	[tilespmem:s21+$0x1BC40] =	vst v3;
	v3 =	vpop (erf)  }
0x167: {  	v9 =	vadd.f32 v9, v17;
	v8 =	vld [tilespmem:s15+$0x1BC40];
	v3 =	vmul.f32 v3, v4;
	[tilespmem:s21+$0x1BC60] =	vst v1;
	v1 =	vsub.f32 $0.0e+00, v2  }
0x168: {  	v11 =	vadd.f32 v11, v13;
	v4 =	vld [tilespmem:s15+$0x1BC60]  }
0x169: {  	v47 =	vsub.f32 $0.0e+00, v9;
	v6 =	vadd.f32 v6, v15;
	[tilespmem:s21+$0x1BC20] =	vst v3;
	v1 =	vmul.f32 $1.442695020e+00, v1  }
0x16a: {  	v49 =	vsub.f32 $0.0e+00, v11;
	v3 =	vld [tilespmem:s15+$0x1BC20]  }
0x16b: {  	v48 =	vmul.f32 $1.442695020e+00, v47;
	(erf) = vpow2.f32 v1;
	v1 =	vsub.f32 $0.0e+00, v6  }
0x16c: {  	v50 =	vmul.f32 $1.442695020e+00, v49;
	v5 =	vadd.f32 v5, v46;
	v8 =	vadd.f32 v8, v10  }
0x16d: {  	(erf) = vpow2.f32 v48;
	v4 =	vadd.f32 v4, v7;
	v1 =	vmul.f32 $1.442695020e+00, v1  }
0x16e: {  	v10 =	vsub.f32 $0.0e+00, v5;
	v7 =	vsub.f32 $0.0e+00, v8;
	(erf) = vpow2.f32 v50  }
0x16f: {  	v3 =	vadd.f32 v3, v12;
	v51 =	vsub.f32 $0.0e+00, v4;
	(erf) = vpow2.f32 v1  }
0x170: {  	v10 =	vmul.f32 $1.442695020e+00, v10  }
0x171: {  	v7 =	vmul.f32 $1.442695020e+00, v7;
	v52 =	vsub.f32 $0.0e+00, v3;
	v1 =	vmul.f32 $1.442695020e+00, v51  }
0x172: {  	(erf) = vpow2.f32 v10  }
0x173: {  	(erf) = vpow2.f32 v7;
	v10 =	vmul.f32 $1.442695020e+00, v52  }
0x174: {  	(erf) = vpow2.f32 v1  }
0x175: {  	(erf) = vpow2.f32 v10;
	v1 =	vpop (erf)  }
0x176: {  	v1 =	vadd.f32 $1.000000000e+00, v1;
	v7 =	vpop (erf)  }
0x177: {  	v7 =	vadd.f32 $1.000000000e+00, v7;
	v10 =	vpop (erf)  }
0x178: {  	(erf) = vrcp.f32 v1;
	v1 =	vadd.f32 $1.000000000e+00, v10;
	v10 =	vpop (erf)  }
0x179: {  	(erf) = vrcp.f32 v7;
	v7 =	vadd.f32 $1.000000000e+00, v10  }
0x17a: {  	(erf) = vrcp.f32 v1  }
0x17b: {  	v10 =	vpop (erf);
	(erf) = vrcp.f32 v7  }
0x17c: {  	v10 =	vadd.f32 $1.000000000e+00, v10;
	v53 =	vpop (erf)  }
0x17d: {  	v1 =	vadd.f32 $1.000000000e+00, v53;
	v7 =	vpop (erf)  }
0x17e: {  	(erf) = vrcp.f32 v10;
	v7 =	vadd.f32 $1.000000000e+00, v7;
	v54 =	vpop (erf)  }
0x17f: {  	(erf) = vrcp.f32 v1;
	v10 =	vadd.f32 $1.000000000e+00, v54  }
0x180: {  	(erf) = vrcp.f32 v7  }
0x181: {  	(erf) = vrcp.f32 v10;
	v1 =	vpop (erf)  }
0x182: {  	v1 =	vmul.f32 v1, v2;
	v2 =	vpop (erf)  }
0x183: {  	v2 =	vmul.f32 v2, v9;
	v7 =	vpop (erf)  }
0x184: {  	[tilespmem:s15+$0x1BC10] =	vst v1;
	v1 =	vmul.f32 v7, v11;
	v7 =	vpop (erf)  }
0x185: {  	[tilespmem:s15+$0x1BC70] =	vst v2;
	v2 =	vmul.f32 v7, v6;
	_ =	sdelay $0x1  }
0x186: {  	v6 =	vpop (erf)  }
0x187: {  	v5 =	vmul.f32 v6, v5;
	[tilespmem:s15+$0x1BC50] =	vst v1;
	v1 =	vpop (erf)  }
0x188: {  	[tilespmem:s15+$0x1BC00] =	vst v2;
	v1 =	vmul.f32 v1, v8;
	v2 =	vpop (erf)  }
0x189: {  	[tilespmem:s15+$0x1BC30] =	vst v5;
	v2 =	vmul.f32 v2, v4;
	v4 =	vpop (erf)  }
0x18a: {  	v3 =	vmul.f32 v4, v3;
	[tilespmem:s15+$0x1BC40] =	vst v1  }
0x18b: {  	[tilespmem:s15+$0x1BC60] =	vst v2  }
0x18c: {  	s21 =	simm.s32 $0x14180;
	[tilespmem:s15+$0x1BC20] =	vst v3  }
0x18d: {  	[spmem:s1] =	stream.indirect.scatter.add.f32 [tilespmem:s25], [sflag:$0x7], $0x80, s21, s8, $0xb8;
	[tilespmem:$0x1E400] =	vst v63  }
0x18e: {  	_ =	swait.ge [sflag:s4], $0x2800  }
0x18f: {  	s15 =	sor.u32 $0x3, s20;
	[sflag:s4] =	ssyncset.done $0x0  }
0x190: {  	s16 =	smul.u32 $0x50, s15;
	[sflag:s4] =	ssyncadd.s32 $0xFFFFD800  }
0x191: {  	_ =	swait.ge [sflag:s12], $0x100  }
0x192: {  	p0 =	seq.s32 s19, $0x1E;
	s16 =	sadd.s32 s23, s16;
	[sflag:s12] =	ssyncset.done $0x0  }
0x193: {  	s15 =	sadd.s32 @!p0 s24, s15;
	s16 =	sshll.u32 s16, $0x4;
	[sflag:s12] =	ssyncadd.s32 $0xFFFFFF00  }
0x194: {  	[tilespmem:s13], [sflag:$0x2] =	stream.indirect.gather [hbm4b:s0+s8], $0x80, s26, s8, $0xb8;
	[tilespmem:$0x1E400] =	vst v63  }
0x195: {  	s15 =	sshll.u32 @!p0 s15, $0x5;
	s16 =	sadd.s32 s22, s16  }
0x196: {  	[tilespmem:s25], [sflag:$0x4] =	stream.linear.gather [hbm4b:s16+s2], $0x2800, $0x38;
	[tilespmem:$0x1E400] =	vst v63  }
0x197: {  	s18 =	simm.s32 @!p0 $0x14100;
	s15 =	sadd.s32 @!p0 s15, s31;
	s16 =	simm.s32 @!p0 $0x0  }
0x198: {  	[tilespmem:s18], [sflag:$0x6] =	stream.linear.gather @!p0 [hbm4b:s15+s16], $0x100, $0x38;
	[tilespmem:$0x1E400] =	vst v63  }
0x199: {  	_ =	swait.ge [sflag:s28], $0x2800  }
0x19a: {  	[sflag:s28] =	ssyncset.done $0x0  }
0x19b: {  	[sflag:s28] =	ssyncadd.s32 $0xFFFFD800  }
0x19c: {  	_ =	swait.ge [sflag:s29], $0x2800  }
0x19d: {  	[sflag:s29] =	ssyncset.done $0x0  }
0x19e: {  	s21 =	simm.s32 $0x0;
	[sflag:s29] =	ssyncadd.s32 $0xFFFFD800  }
0x19f: {  	v1 =	vld [tilespmem:s21+$0x14450]  }
0x1a0: {  	v2 =	vld [tilespmem:s21+$0x14400]  }
0x1a1: {  	v3 =	vld [tilespmem:s21+$0x14470]  }
0x1a2: {  	v4 =	vld [tilespmem:s21+$0x14440]  }
0x1a3: {  	v5 =	vld [tilespmem:s21+$0x14410]  }
0x1a4: {  	v6 =	vld [tilespmem:s21+$0x19410]  }
0x1a5: {  	v7 =	vld [tilespmem:s21+$0x19470]  }
0x1a6: {  	v9 =	vld [tilespmem:s21+$0x14460]  }
0x1a7: {  	v10 =	vld [tilespmem:s21+$0x14430]  }
0x1a8: {  	v11 =	vld [tilespmem:s21+$0x19450]  }
0x1a9: {  	v55 =	vld [tilespmem:s21+$0x19400]  }
0x1aa: {  	v56 =	vld [tilespmem:s21+$0x19430];
	v8 =	vadd.f32 v6, v5  }
0x1ab: {  	v6 =	vadd.f32 v7, v3;
	v3 =	vld [tilespmem:s21+$0x19440]  }
0x1ac: {  	v57 =	vld [tilespmem:s21+$0x19460];
	v5 =	vsub.f32 $0.0e+00, v8  }
0x1ad: {  	v7 =	vadd.f32 v11, v1;
	v58 =	vsub.f32 $0.0e+00, v6  }
0x1ae: {  	v1 =	vmul.f32 $1.442695020e+00, v5;
	v5 =	vadd.f32 v55, v2  }
0x1af: {  	v59 =	vld [tilespmem:s21+$0x14420];
	v11 =	vmul.f32 $1.442695020e+00, v58;
	v2 =	vadd.f32 v56, v10;
	v10 =	vsub.f32 $0.0e+00, v7  }
0x1b0: {  	v3 =	vadd.f32 v3, v4;
	v4 =	vld [tilespmem:s21+$0x19420];
	(erf) = vpow2.f32 v1;
	v60 =	vsub.f32 $0.0e+00, v5  }
0x1b1: {  	v61 =	vsub.f32 $0.0e+00, v2;
	v10 =	vmul.f32 $1.442695020e+00, v10;
	v1 =	vadd.f32 v57, v9  }
0x1b2: {  	(erf) = vpow2.f32 v11;
	v11 =	vsub.f32 $0.0e+00, v3;
	v9 =	vmul.f32 $1.442695020e+00, v60  }
0x1b3: {  	v62 =	vmul.f32 $1.442695020e+00, v61;
	v14 =	vsub.f32 $0.0e+00, v1;
	(erf) = vpow2.f32 v10  }
0x1b4: {  	v10 =	vmul.f32 $1.442695020e+00, v11;
	(erf) = vpow2.f32 v9  }
0x1b5: {  	v9 =	vmul.f32 $1.442695020e+00, v14;
	v4 =	vadd.f32 v4, v59;
	(erf) = vpow2.f32 v62  }
0x1b6: {  	(erf) = vpow2.f32 v10  }
0x1b7: {  	(erf) = vpow2.f32 v9;
	v9 =	vsub.f32 $0.0e+00, v4;
	_ =	sdelay $0x1  }
0x1b8: {  	v9 =	vmul.f32 $1.442695020e+00, v9  }
0x1b9: {  	v10 =	vpop (erf)  }
0x1ba: {  	v10 =	vadd.f32 $1.000000000e+00, v10;
	v11 =	vpop (erf);
	(erf) = vpow2.f32 v9  }
0x1bb: {  	v9 =	vadd.f32 $1.000000000e+00, v11;
	v11 =	vpop (erf)  }
0x1bc: {  	(erf) = vrcp.f32 v10;
	v10 =	vadd.f32 $1.000000000e+00, v11;
	v11 =	vpop (erf)  }
0x1bd: {  	v11 =	vadd.f32 $1.000000000e+00, v11  }
0x1be: {  	(erf) = vrcp.f32 v9  }
0x1bf: {  	v9 =	vpop (erf)  }
0x1c0: {  	(erf) = vrcp.f32 v10;
	v63 =	vpop (erf)  }
0x1c1: {  	s15 =	simm.s32 $0x200;
	s18 =	simm.s32 $0x400;
	v10 =	vadd.f32 $1.000000000e+00, v9;
	(erf) = vrcp.f32 v11;
	v9 =	vadd.f32 $1.000000000e+00, v63;
	v11 =	vpop (erf)  }
.LBB2_9:
0x1c2: {  	p1 =	sne.s32 s18, $0x9E00  }
0x1c3: {  	s16 =	sshra.s32 s15, $0x2;
	v11 =	vadd.f32 $1.000000000e+00, v11;
	v12 =	vpop (erf);
	(erf) = vrcp.f32 v10;
	s15 =	smov.u32 s18;
	s18 =	sadd.s32 $0x200, s18  }
0x1c4: {  	v10 =	vld [tilespmem:s16+$0x14420];
	v12 =	vadd.f32 $1.000000000e+00, v12;
	(erf) = vrcp.f32 v9  }
0x1c5: {  	v9 =	vld [tilespmem:s16+$0x14450];
	(erf) = vrcp.f32 v11  }
0x1c6: {  	v11 =	vld [tilespmem:s16+$0x14400];
	v13 =	vpop (erf);
	(erf) = vrcp.f32 v12  }
0x1c7: {  	v12 =	vld [tilespmem:s16+$0x14470];
	v8 =	vmul.f32 v13, v8;
	v13 =	vpop (erf)  }
0x1c8: {  	v14 =	vld [tilespmem:s16+$0x14440];
	v15 =	vmul.f32 v13, v6  }
0x1c9: {  	v13 =	vld [tilespmem:s16+$0x14410];
	[tilespmem:s21+$0x19410] =	vst v8  }
0x1ca: {  	v8 =	vld [tilespmem:s16+$0x19410];
	[tilespmem:s21+$0x19470] =	vst v15;
	v6 =	vpop (erf)  }
0x1cb: {  	v15 =	vld [tilespmem:s16+$0x19470];
	v18 =	vmul.f32 v6, v7;
	v7 =	vpop (erf)  }
0x1cc: {  	v16 =	vld [tilespmem:s16+$0x14460];
	v19 =	vmul.f32 v7, v5;
	v7 =	vpop (erf)  }
0x1cd: {  	v17 =	vld [tilespmem:s16+$0x14430];
	v20 =	vmul.f32 v7, v2;
	[tilespmem:s21+$0x19450] =	vst v18;
	v6 =	vpop (erf)  }
0x1ce: {  	v7 =	vld [tilespmem:s16+$0x19450];
	[tilespmem:s21+$0x19400] =	vst v19;
	v3 =	vmul.f32 v6, v3;
	v5 =	vpop (erf)  }
0x1cf: {  	v18 =	vld [tilespmem:s16+$0x19400];
	v8 =	vadd.f32 v8, v13;
	[tilespmem:s21+$0x19430] =	vst v20;
	v1 =	vmul.f32 v5, v1;
	v2 =	vpop (erf)  }
0x1d0: {  	v13 =	vld [tilespmem:s16+$0x19430];
	v6 =	vadd.f32 v15, v12;
	v2 =	vmul.f32 v2, v4;
	[tilespmem:s21+$0x19440] =	vst v3  }
0x1d1: {  	v3 =	vsub.f32 $0.0e+00, v8;
	v4 =	vld [tilespmem:s16+$0x19440];
	[tilespmem:s21+$0x19460] =	vst v1  }
0x1d2: {  	v1 =	vld [tilespmem:s16+$0x19460];
	v12 =	vsub.f32 $0.0e+00, v6;
	[tilespmem:s21+$0x19420] =	vst v2;
	s21 =	smov.u32 s16  }
0x1d3: {  	v3 =	vmul.f32 $1.442695020e+00, v3;
	v15 =	vld [tilespmem:s21+$0x19420];
	v7 =	vadd.f32 v7, v9  }
0x1d4: {  	v5 =	vadd.f32 v18, v11;
	v9 =	vmul.f32 $1.442695020e+00, v12  }
0x1d5: {  	v2 =	vadd.f32 v13, v17;
	v11 =	vsub.f32 $0.0e+00, v7;
	(erf) = vpow2.f32 v3  }
0x1d6: {  	v12 =	vsub.f32 $0.0e+00, v5;
	v3 =	vadd.f32 v4, v14;
	(erf) = vpow2.f32 v9  }
0x1d7: {  	v9 =	vsub.f32 $0.0e+00, v2;
	v11 =	vmul.f32 $1.442695020e+00, v11;
	v1 =	vadd.f32 v1, v16  }
0x1d8: {  	v12 =	vmul.f32 $1.442695020e+00, v12;
	v4 =	vadd.f32 v15, v10;
	v10 =	vsub.f32 $0.0e+00, v3  }
0x1d9: {  	v9 =	vmul.f32 $1.442695020e+00, v9;
	v13 =	vsub.f32 $0.0e+00, v1;
	(erf) = vpow2.f32 v11  }
0x1da: {  	v11 =	vsub.f32 $0.0e+00, v4;
	v10 =	vmul.f32 $1.442695020e+00, v10;
	(erf) = vpow2.f32 v12  }
0x1db: {  	v12 =	vmul.f32 $1.442695020e+00, v13;
	(erf) = vpow2.f32 v9  }
0x1dc: {  	v9 =	vmul.f32 $1.442695020e+00, v11;
	(erf) = vpow2.f32 v10  }
0x1dd: {  	(erf) = vpow2.f32 v12  }
0x1de: {  	v10 =	vpop (erf);
	(erf) = vpow2.f32 v9  }
0x1df: {  	v11 =	vadd.f32 $1.000000000e+00, v10;
	v10 =	vpop (erf)  }
0x1e0: {  	v12 =	vadd.f32 $1.000000000e+00, v10  }
0x1e1: {  	(erf) = vrcp.f32 v11  }
.Ltmp3:
0x1e2: {  	v9 =	vpop (erf);
	(erf) = vrcp.f32 v12;
	(pc) =	sbr.rel @p1 .LBB2_9-.Ltmp3, $4  }
0x1e3: {  	v9 =	vadd.f32 $1.000000000e+00, v9;
	v10 =	vpop (erf)  }
0x1e4: {  	v13 =	vadd.f32 $1.000000000e+00, v10;
	v10 =	vpop (erf)  }
0x1e5: {  	v10 =	vadd.f32 $1.000000000e+00, v10;
	v12 =	vpop (erf);
	(erf) = vrcp.f32 v9  }
0x1e6: {  	v9 =	vadd.f32 $1.000000000e+00, v12;
	(erf) = vrcp.f32 v13;
	v11 =	vpop (erf)  }
0x1e7: {  	_ =	sdelay $0x1  }
0x1e8: {  	s15 =	sshra.s32 s15, $0x2;
	v14 =	vpop (erf)  }
0x1e9: {  	v12 =	vld [tilespmem:s15+$0x14420];
	v16 =	vpop (erf)  }
0x1ea: {  	v13 =	vld [tilespmem:s15+$0x14450];
	v45 =	vpop (erf)  }
0x1eb: {  	(erf) = vrcp.f32 v10;
	v15 =	vld [tilespmem:s15+$0x14400];
	v6 =	vmul.f32 v45, v6  }
0x1ec: {  	v17 =	vld [tilespmem:s15+$0x14470];
	v8 =	vmul.f32 v16, v8  }
0x1ed: {  	v10 =	vld [tilespmem:s15+$0x14440];
	(erf) = vrcp.f32 v9;
	v9 =	vadd.f32 $1.000000000e+00, v11;
	v11 =	vadd.f32 $1.000000000e+00, v14  }
0x1ee: {  	v18 =	vld [tilespmem:s15+$0x14410];
	[tilespmem:s21+$0x19410] =	vst v8  }
0x1ef: {  	v8 =	vld [tilespmem:s15+$0x19410];
	[tilespmem:s21+$0x19470] =	vst v6;
	v6 =	vpop (erf)  }
0x1f0: {  	(erf) = vrcp.f32 v9;
	v6 =	vmul.f32 v6, v7  }
0x1f1: {  	(erf) = vrcp.f32 v11;
	v11 =	vpop (erf)  }
0x1f2: {  	v9 =	vld [tilespmem:s15+$0x19470];
	v5 =	vmul.f32 v11, v5  }
0x1f3: {  	v46 =	vld [tilespmem:s15+$0x14430]  }
0x1f4: {  	v7 =	vld [tilespmem:s15+$0x14460];
	[tilespmem:s21+$0x19450] =	vst v6;
	v6 =	vpop (erf)  }
0x1f5: {  	v2 =	vmul.f32 v6, v2  }
0x1f6: {  	v11 =	vld [tilespmem:s15+$0x19450];
	[tilespmem:s21+$0x19400] =	vst v5;
	v5 =	vpop (erf)  }
0x1f7: {  	v3 =	vmul.f32 v5, v3;
	_ =	sdelay $0x1  }
0x1f8: {  	v6 =	vld [tilespmem:s15+$0x19400];
	[tilespmem:s21+$0x19430] =	vst v2;
	v2 =	vpop (erf)  }
0x1f9: {  	v1 =	vmul.f32 v2, v1;
	v2 =	vadd.f32 v8, v18  }
0x1fa: {  	v5 =	vld [tilespmem:s15+$0x19430];
	[tilespmem:s21+$0x19440] =	vst v3;
	v3 =	vpop (erf)  }
0x1fb: {  	v9 =	vadd.f32 v9, v17;
	v8 =	vld [tilespmem:s15+$0x19440];
	v3 =	vmul.f32 v3, v4;
	[tilespmem:s21+$0x19460] =	vst v1;
	v1 =	vsub.f32 $0.0e+00, v2  }
0x1fc: {  	v11 =	vadd.f32 v11, v13;
	v4 =	vld [tilespmem:s15+$0x19460]  }
0x1fd: {  	v47 =	vsub.f32 $0.0e+00, v9;
	v6 =	vadd.f32 v6, v15;
	[tilespmem:s21+$0x19420] =	vst v3;
	v1 =	vmul.f32 $1.442695020e+00, v1  }
0x1fe: {  	v49 =	vsub.f32 $0.0e+00, v11;
	v3 =	vld [tilespmem:s15+$0x19420]  }
0x1ff: {  	v48 =	vmul.f32 $1.442695020e+00, v47;
	(erf) = vpow2.f32 v1;
	v1 =	vsub.f32 $0.0e+00, v6  }
0x200: {  	v50 =	vmul.f32 $1.442695020e+00, v49;
	v5 =	vadd.f32 v5, v46;
	v8 =	vadd.f32 v8, v10  }
0x201: {  	(erf) = vpow2.f32 v48;
	v4 =	vadd.f32 v4, v7;
	v1 =	vmul.f32 $1.442695020e+00, v1  }
0x202: {  	v10 =	vsub.f32 $0.0e+00, v5;
	v7 =	vsub.f32 $0.0e+00, v8;
	(erf) = vpow2.f32 v50  }
0x203: {  	v3 =	vadd.f32 v3, v12;
	v51 =	vsub.f32 $0.0e+00, v4;
	(erf) = vpow2.f32 v1  }
0x204: {  	v10 =	vmul.f32 $1.442695020e+00, v10  }
0x205: {  	v7 =	vmul.f32 $1.442695020e+00, v7;
	v52 =	vsub.f32 $0.0e+00, v3;
	v1 =	vmul.f32 $1.442695020e+00, v51  }
0x206: {  	(erf) = vpow2.f32 v10  }
0x207: {  	(erf) = vpow2.f32 v7;
	v10 =	vmul.f32 $1.442695020e+00, v52  }
0x208: {  	(erf) = vpow2.f32 v1  }
0x209: {  	(erf) = vpow2.f32 v10;
	v1 =	vpop (erf)  }
0x20a: {  	v1 =	vadd.f32 $1.000000000e+00, v1;
	v7 =	vpop (erf)  }
0x20b: {  	v7 =	vadd.f32 $1.000000000e+00, v7;
	v10 =	vpop (erf)  }
0x20c: {  	(erf) = vrcp.f32 v1;
	v1 =	vadd.f32 $1.000000000e+00, v10;
	v10 =	vpop (erf)  }
0x20d: {  	(erf) = vrcp.f32 v7;
	v7 =	vadd.f32 $1.000000000e+00, v10  }
0x20e: {  	(erf) = vrcp.f32 v1  }
0x20f: {  	v10 =	vpop (erf);
	(erf) = vrcp.f32 v7  }
0x210: {  	v10 =	vadd.f32 $1.000000000e+00, v10;
	v53 =	vpop (erf)  }
0x211: {  	v1 =	vadd.f32 $1.000000000e+00, v53;
	v7 =	vpop (erf)  }
0x212: {  	(erf) = vrcp.f32 v10;
	v7 =	vadd.f32 $1.000000000e+00, v7;
	v54 =	vpop (erf)  }
0x213: {  	(erf) = vrcp.f32 v1;
	v10 =	vadd.f32 $1.000000000e+00, v54  }
0x214: {  	(erf) = vrcp.f32 v7  }
0x215: {  	(erf) = vrcp.f32 v10;
	v1 =	vpop (erf)  }
0x216: {  	v1 =	vmul.f32 v1, v2;
	v2 =	vpop (erf)  }
0x217: {  	v2 =	vmul.f32 v2, v9;
	v7 =	vpop (erf)  }
0x218: {  	[tilespmem:s15+$0x19410] =	vst v1;
	v1 =	vmul.f32 v7, v11;
	v7 =	vpop (erf)  }
0x219: {  	[tilespmem:s15+$0x19470] =	vst v2;
	v2 =	vmul.f32 v7, v6;
	_ =	sdelay $0x1  }
0x21a: {  	v6 =	vpop (erf)  }
0x21b: {  	v5 =	vmul.f32 v6, v5;
	[tilespmem:s15+$0x19450] =	vst v1;
	v1 =	vpop (erf)  }
0x21c: {  	[tilespmem:s15+$0x19400] =	vst v2;
	v1 =	vmul.f32 v1, v8;
	v2 =	vpop (erf)  }
0x21d: {  	[tilespmem:s15+$0x19430] =	vst v5;
	v2 =	vmul.f32 v2, v4;
	v4 =	vpop (erf)  }
0x21e: {  	v3 =	vmul.f32 v4, v3;
	[tilespmem:s15+$0x19440] =	vst v1  }
0x21f: {  	[tilespmem:s15+$0x19460] =	vst v2  }
0x220: {  	s21 =	simm.s32 $0x14280;
	[tilespmem:s15+$0x19420] =	vst v3  }
0x221: {  	[spmem:s1] =	stream.indirect.scatter.add.f32 [tilespmem:s9], [sflag:$0x7], $0x80, s21, s8, $0xb8;
	[tilespmem:$0x1E400] =	vst v63  }
0x222: {  	_ =	swait.ge [sflag:s4], $0x2800  }
0x223: {  	s15 =	sadd.s32 $0x4, s20;
	[sflag:s4] =	ssyncset.done $0x0  }
0x224: {  	s16 =	smul.u32 $0x50, s15;
	[sflag:s4] =	ssyncadd.s32 $0xFFFFD800  }
0x225: {  	_ =	swait.ge [sflag:s7], $0x100  }
0x226: {  	s16 =	sadd.s32 s23, s16;
	[sflag:s7] =	ssyncset.done $0x0  }
0x227: {  	s15 =	sadd.s32 @!p0 s24, s15;
	s16 =	sshll.u32 s16, $0x4;
	[sflag:s7] =	ssyncadd.s32 $0xFFFFFF00  }
0x228: {  	[tilespmem:s3], [sflag:$0x1] =	stream.indirect.gather [hbm4b:s0+s8], $0x80, s5, s8, $0xb8;
	[tilespmem:$0x1E400] =	vst v63  }
0x229: {  	s15 =	sshll.u32 @!p0 s15, $0x5;
	s16 =	sadd.s32 s22, s16  }
0x22a: {  	[tilespmem:s9], [sflag:$0x3] =	stream.linear.gather [hbm4b:s16+s2], $0x2800, $0x38;
	[tilespmem:$0x1E400] =	vst v63  }
0x22b: {  	s18 =	simm.s32 @!p0 $0x14200;
	s15 =	sadd.s32 @!p0 s15, s31;
	s16 =	simm.s32 @!p0 $0x0  }
0x22c: {  	[tilespmem:s18], [sflag:$0x5] =	stream.linear.gather @!p0 [hbm4b:s15+s16], $0x100, $0x38;
	[tilespmem:$0x1E400] =	vst v63  }
0x22d: {  	_ =	swait.ge [sflag:s10], $0x2800  }
0x22e: {  	[sflag:s10] =	ssyncset.done $0x0  }
0x22f: {  	[sflag:s10] =	ssyncadd.s32 $0xFFFFD800  }
0x230: {  	_ =	swait.ge [sflag:s14], $0x2800  }
0x231: {  	[sflag:s14] =	ssyncset.done $0x0  }
0x232: {  	s21 =	simm.s32 $0x0;
	[sflag:s14] =	ssyncadd.s32 $0xFFFFD800  }
0x233: {  	v1 =	vld [tilespmem:s21+$0x16C50]  }
0x234: {  	v2 =	vld [tilespmem:s21+$0x16C00]  }
0x235: {  	v3 =	vld [tilespmem:s21+$0x16C70]  }
0x236: {  	v4 =	vld [tilespmem:s21+$0x16C40]  }
0x237: {  	v5 =	vld [tilespmem:s21+$0x16C10]  }
0x238: {  	v6 =	vld [tilespmem:s21+$0x1BC10]  }
0x239: {  	v7 =	vld [tilespmem:s21+$0x1BC70]  }
0x23a: {  	v9 =	vld [tilespmem:s21+$0x16C60]  }
0x23b: {  	v10 =	vld [tilespmem:s21+$0x16C30]  }
0x23c: {  	v11 =	vld [tilespmem:s21+$0x1BC50]  }
0x23d: {  	v55 =	vld [tilespmem:s21+$0x1BC00]  }
0x23e: {  	v56 =	vld [tilespmem:s21+$0x1BC30];
	v8 =	vadd.f32 v6, v5  }
0x23f: {  	v6 =	vadd.f32 v7, v3;
	v3 =	vld [tilespmem:s21+$0x1BC40]  }
0x240: {  	v57 =	vld [tilespmem:s21+$0x1BC60];
	v5 =	vsub.f32 $0.0e+00, v8  }
0x241: {  	v7 =	vadd.f32 v11, v1;
	v58 =	vsub.f32 $0.0e+00, v6  }
0x242: {  	v1 =	vmul.f32 $1.442695020e+00, v5;
	v5 =	vadd.f32 v55, v2  }
0x243: {  	v59 =	vld [tilespmem:s21+$0x16C20];
	v11 =	vmul.f32 $1.442695020e+00, v58;
	v2 =	vadd.f32 v56, v10;
	v10 =	vsub.f32 $0.0e+00, v7  }
0x244: {  	v3 =	vadd.f32 v3, v4;
	v4 =	vld [tilespmem:s21+$0x1BC20];
	(erf) = vpow2.f32 v1;
	v60 =	vsub.f32 $0.0e+00, v5  }
0x245: {  	v61 =	vsub.f32 $0.0e+00, v2;
	v10 =	vmul.f32 $1.442695020e+00, v10;
	v1 =	vadd.f32 v57, v9  }
0x246: {  	(erf) = vpow2.f32 v11;
	v11 =	vsub.f32 $0.0e+00, v3;
	v9 =	vmul.f32 $1.442695020e+00, v60  }
0x247: {  	v62 =	vmul.f32 $1.442695020e+00, v61;
	v14 =	vsub.f32 $0.0e+00, v1;
	(erf) = vpow2.f32 v10  }
0x248: {  	v10 =	vmul.f32 $1.442695020e+00, v11;
	(erf) = vpow2.f32 v9  }
0x249: {  	v9 =	vmul.f32 $1.442695020e+00, v14;
	v4 =	vadd.f32 v4, v59;
	(erf) = vpow2.f32 v62  }
0x24a: {  	(erf) = vpow2.f32 v10  }
0x24b: {  	(erf) = vpow2.f32 v9;
	v9 =	vsub.f32 $0.0e+00, v4;
	_ =	sdelay $0x1  }
0x24c: {  	v9 =	vmul.f32 $1.442695020e+00, v9  }
0x24d: {  	v10 =	vpop (erf)  }
0x24e: {  	v10 =	vadd.f32 $1.000000000e+00, v10;
	v11 =	vpop (erf);
	(erf) = vpow2.f32 v9  }
0x24f: {  	v9 =	vadd.f32 $1.000000000e+00, v11;
	v11 =	vpop (erf)  }
0x250: {  	(erf) = vrcp.f32 v10;
	v10 =	vadd.f32 $1.000000000e+00, v11;
	v11 =	vpop (erf)  }
0x251: {  	v11 =	vadd.f32 $1.000000000e+00, v11  }
0x252: {  	(erf) = vrcp.f32 v9  }
0x253: {  	v9 =	vpop (erf)  }
0x254: {  	(erf) = vrcp.f32 v10;
	v63 =	vpop (erf)  }
0x255: {  	s15 =	simm.s32 $0x200;
	s18 =	simm.s32 $0x400;
	v10 =	vadd.f32 $1.000000000e+00, v9;
	(erf) = vrcp.f32 v11;
	v9 =	vadd.f32 $1.000000000e+00, v63;
	v11 =	vpop (erf)  }
.LBB2_11:
0x256: {  	p1 =	sne.s32 s18, $0x9E00  }
0x257: {  	s16 =	sshra.s32 s15, $0x2;
	v11 =	vadd.f32 $1.000000000e+00, v11;
	v12 =	vpop (erf);
	(erf) = vrcp.f32 v10;
	s15 =	smov.u32 s18;
	s18 =	sadd.s32 $0x200, s18  }
0x258: {  	v10 =	vld [tilespmem:s16+$0x16C20];
	v12 =	vadd.f32 $1.000000000e+00, v12;
	(erf) = vrcp.f32 v9  }
0x259: {  	v9 =	vld [tilespmem:s16+$0x16C50];
	(erf) = vrcp.f32 v11  }
0x25a: {  	v11 =	vld [tilespmem:s16+$0x16C00];
	v13 =	vpop (erf);
	(erf) = vrcp.f32 v12  }
0x25b: {  	v12 =	vld [tilespmem:s16+$0x16C70];
	v8 =	vmul.f32 v13, v8;
	v13 =	vpop (erf)  }
0x25c: {  	v14 =	vld [tilespmem:s16+$0x16C40];
	v15 =	vmul.f32 v13, v6  }
0x25d: {  	v13 =	vld [tilespmem:s16+$0x16C10];
	[tilespmem:s21+$0x1BC10] =	vst v8  }
0x25e: {  	v8 =	vld [tilespmem:s16+$0x1BC10];
	[tilespmem:s21+$0x1BC70] =	vst v15;
	v6 =	vpop (erf)  }
0x25f: {  	v15 =	vld [tilespmem:s16+$0x1BC70];
	v18 =	vmul.f32 v6, v7;
	v7 =	vpop (erf)  }
0x260: {  	v16 =	vld [tilespmem:s16+$0x16C60];
	v19 =	vmul.f32 v7, v5;
	v7 =	vpop (erf)  }
0x261: {  	v17 =	vld [tilespmem:s16+$0x16C30];
	v20 =	vmul.f32 v7, v2;
	[tilespmem:s21+$0x1BC50] =	vst v18;
	v6 =	vpop (erf)  }
0x262: {  	v7 =	vld [tilespmem:s16+$0x1BC50];
	[tilespmem:s21+$0x1BC00] =	vst v19;
	v3 =	vmul.f32 v6, v3;
	v5 =	vpop (erf)  }
0x263: {  	v18 =	vld [tilespmem:s16+$0x1BC00];
	v8 =	vadd.f32 v8, v13;
	[tilespmem:s21+$0x1BC30] =	vst v20;
	v1 =	vmul.f32 v5, v1;
	v2 =	vpop (erf)  }
0x264: {  	v13 =	vld [tilespmem:s16+$0x1BC30];
	v6 =	vadd.f32 v15, v12;
	v2 =	vmul.f32 v2, v4;
	[tilespmem:s21+$0x1BC40] =	vst v3  }
0x265: {  	v3 =	vsub.f32 $0.0e+00, v8;
	v4 =	vld [tilespmem:s16+$0x1BC40];
	[tilespmem:s21+$0x1BC60] =	vst v1  }
0x266: {  	v1 =	vld [tilespmem:s16+$0x1BC60];
	v12 =	vsub.f32 $0.0e+00, v6;
	[tilespmem:s21+$0x1BC20] =	vst v2;
	s21 =	smov.u32 s16  }
0x267: {  	v3 =	vmul.f32 $1.442695020e+00, v3;
	v15 =	vld [tilespmem:s21+$0x1BC20];
	v7 =	vadd.f32 v7, v9  }
0x268: {  	v5 =	vadd.f32 v18, v11;
	v9 =	vmul.f32 $1.442695020e+00, v12  }
0x269: {  	v2 =	vadd.f32 v13, v17;
	v11 =	vsub.f32 $0.0e+00, v7;
	(erf) = vpow2.f32 v3  }
0x26a: {  	v12 =	vsub.f32 $0.0e+00, v5;
	v3 =	vadd.f32 v4, v14;
	(erf) = vpow2.f32 v9  }
0x26b: {  	v9 =	vsub.f32 $0.0e+00, v2;
	v11 =	vmul.f32 $1.442695020e+00, v11;
	v1 =	vadd.f32 v1, v16  }
0x26c: {  	v12 =	vmul.f32 $1.442695020e+00, v12;
	v4 =	vadd.f32 v15, v10;
	v10 =	vsub.f32 $0.0e+00, v3  }
0x26d: {  	v9 =	vmul.f32 $1.442695020e+00, v9;
	v13 =	vsub.f32 $0.0e+00, v1;
	(erf) = vpow2.f32 v11  }
0x26e: {  	v11 =	vsub.f32 $0.0e+00, v4;
	v10 =	vmul.f32 $1.442695020e+00, v10;
	(erf) = vpow2.f32 v12  }
0x26f: {  	v12 =	vmul.f32 $1.442695020e+00, v13;
	(erf) = vpow2.f32 v9  }
0x270: {  	v9 =	vmul.f32 $1.442695020e+00, v11;
	(erf) = vpow2.f32 v10  }
0x271: {  	(erf) = vpow2.f32 v12  }
0x272: {  	v10 =	vpop (erf);
	(erf) = vpow2.f32 v9  }
0x273: {  	v11 =	vadd.f32 $1.000000000e+00, v10;
	v10 =	vpop (erf)  }
0x274: {  	v12 =	vadd.f32 $1.000000000e+00, v10  }
0x275: {  	(erf) = vrcp.f32 v11  }
.Ltmp4:
0x276: {  	v9 =	vpop (erf);
	(erf) = vrcp.f32 v12;
	(pc) =	sbr.rel @p1 .LBB2_11-.Ltmp4, $4  }
0x277: {  	v9 =	vadd.f32 $1.000000000e+00, v9;
	v10 =	vpop (erf)  }
0x278: {  	v13 =	vadd.f32 $1.000000000e+00, v10;
	v10 =	vpop (erf)  }
0x279: {  	v10 =	vadd.f32 $1.000000000e+00, v10;
	v12 =	vpop (erf);
	(erf) = vrcp.f32 v9  }
0x27a: {  	v9 =	vadd.f32 $1.000000000e+00, v12;
	(erf) = vrcp.f32 v13;
	v11 =	vpop (erf)  }
0x27b: {  	v14 =	vpop (erf);
	(erf) = vrcp.f32 v10;
	_ =	sdelay $0x1  }
0x27c: {  	s15 =	sshra.s32 s15, $0x2;
	(erf) = vrcp.f32 v9  }
0x27d: {  	v28 =	vadd.f32 $1.000000000e+00, v11;
	v12 =	vld [tilespmem:s15+$0x16C20]  }
0x27e: {  	v13 =	vld [tilespmem:s15+$0x16C50]  }
0x27f: {  	v15 =	vld [tilespmem:s15+$0x16C00];
	v29 =	vadd.f32 $1.000000000e+00, v14;
	(erf) = vrcp.f32 v28;
	v16 =	vpop (erf)  }
0x280: {  	v17 =	vld [tilespmem:s15+$0x16C70];
	v8 =	vmul.f32 v16, v8;
	v27 =	vpop (erf)  }
0x281: {  	v26 =	vld [tilespmem:s15+$0x16C40];
	(erf) = vrcp.f32 v29;
	v6 =	vmul.f32 v27, v6;
	v30 =	vpop (erf)  }
0x282: {  	v18 =	vld [tilespmem:s15+$0x16C10];
	[tilespmem:s21+$0x1BC10] =	vst v8;
	v33 =	vpop (erf)  }
0x283: {  	v8 =	vld [tilespmem:s15+$0x1BC10];
	[tilespmem:s21+$0x1BC70] =	vst v6;
	v35 =	vpop (erf)  }
0x284: {  	v31 =	vld [tilespmem:s15+$0x1BC70];
	v6 =	vmul.f32 v30, v7;
	v2 =	vmul.f32 v35, v2  }
0x285: {  	v32 =	vld [tilespmem:s15+$0x16C60];
	v5 =	vmul.f32 v33, v5;
	v37 =	vpop (erf)  }
0x286: {  	v34 =	vld [tilespmem:s15+$0x16C30];
	[tilespmem:s21+$0x1BC50] =	vst v6;
	v3 =	vmul.f32 v37, v3  }
0x287: {  	v36 =	vld [tilespmem:s15+$0x1BC50];
	[tilespmem:s21+$0x1BC00] =	vst v5  }
0x288: {  	v38 =	vld [tilespmem:s15+$0x1BC00];
	[tilespmem:s21+$0x1BC30] =	vst v2;
	v2 =	vpop (erf)  }
0x289: {  	v1 =	vmul.f32 v2, v1;
	v2 =	vadd.f32 v8, v18  }
0x28a: {  	v39 =	vld [tilespmem:s15+$0x1BC30];
	[tilespmem:s21+$0x1BC40] =	vst v3;
	v3 =	vpop (erf)  }
0x28b: {  	v9 =	vadd.f32 v31, v17;
	v40 =	vld [tilespmem:s15+$0x1BC40];
	v3 =	vmul.f32 v3, v4;
	[tilespmem:s21+$0x1BC60] =	vst v1;
	v1 =	vsub.f32 $0.0e+00, v2  }
0x28c: {  	v11 =	vadd.f32 v36, v13;
	v41 =	vld [tilespmem:s15+$0x1BC60]  }
0x28d: {  	v42 =	vsub.f32 $0.0e+00, v9;
	v6 =	vadd.f32 v38, v15;
	[tilespmem:s21+$0x1BC20] =	vst v3;
	v1 =	vmul.f32 $1.442695020e+00, v1  }
0x28e: {  	v44 =	vsub.f32 $0.0e+00, v11;
	v3 =	vld [tilespmem:s15+$0x1BC20]  }
0x28f: {  	v43 =	vmul.f32 $1.442695020e+00, v42;
	(erf) = vpow2.f32 v1;
	v1 =	vsub.f32 $0.0e+00, v6  }
0x290: {  	v5 =	vadd.f32 v39, v34;
	v8 =	vadd.f32 v40, v26;
	v46 =	vmul.f32 $1.442695020e+00, v44  }
0x291: {  	(erf) = vpow2.f32 v43;
	v4 =	vadd.f32 v41, v32;
	v1 =	vmul.f32 $1.442695020e+00, v1  }
0x292: {  	v45 =	vsub.f32 $0.0e+00, v5;
	v47 =	vsub.f32 $0.0e+00, v8;
	(erf) = vpow2.f32 v46  }
0x293: {  	v3 =	vadd.f32 v3, v12;
	v48 =	vsub.f32 $0.0e+00, v4;
	(erf) = vpow2.f32 v1  }
0x294: {  	v10 =	vmul.f32 $1.442695020e+00, v45  }
0x295: {  	v7 =	vmul.f32 $1.442695020e+00, v47;
	v49 =	vsub.f32 $0.0e+00, v3;
	v1 =	vmul.f32 $1.442695020e+00, v48  }
0x296: {  	(erf) = vpow2.f32 v10  }
0x297: {  	(erf) = vpow2.f32 v7;
	v50 =	vmul.f32 $1.442695020e+00, v49  }
0x298: {  	(erf) = vpow2.f32 v1  }
0x299: {  	(erf) = vpow2.f32 v50;
	v1 =	vpop (erf)  }
0x29a: {  	v1 =	vadd.f32 $1.000000000e+00, v1;
	v51 =	vpop (erf)  }
0x29b: {  	v7 =	vadd.f32 $1.000000000e+00, v51;
	v52 =	vpop (erf)  }
0x29c: {  	(erf) = vrcp.f32 v1;
	v1 =	vadd.f32 $1.000000000e+00, v52;
	v53 =	vpop (erf)  }
0x29d: {  	(erf) = vrcp.f32 v7;
	v54 =	vadd.f32 $1.000000000e+00, v53  }
0x29e: {  	(erf) = vrcp.f32 v1  }
0x29f: {  	v55 =	vpop (erf);
	(erf) = vrcp.f32 v54  }
0x2a0: {  	v10 =	vadd.f32 $1.000000000e+00, v55;
	v56 =	vpop (erf)  }
0x2a1: {  	v1 =	vadd.f32 $1.000000000e+00, v56;
	v57 =	vpop (erf)  }
0x2a2: {  	(erf) = vrcp.f32 v10;
	v7 =	vadd.f32 $1.000000000e+00, v57;
	v58 =	vpop (erf)  }
0x2a3: {  	(erf) = vrcp.f32 v1;
	v59 =	vadd.f32 $1.000000000e+00, v58  }
0x2a4: {  	(erf) = vrcp.f32 v7  }
0x2a5: {  	(erf) = vrcp.f32 v59;
	v1 =	vpop (erf)  }
0x2a6: {  	v1 =	vmul.f32 v1, v2;
	v2 =	vpop (erf)  }
0x2a7: {  	v2 =	vmul.f32 v2, v9;
	v60 =	vpop (erf)  }
0x2a8: {  	[tilespmem:s15+$0x1BC10] =	vst v1;
	v1 =	vmul.f32 v60, v11;
	v61 =	vpop (erf)  }
0x2a9: {  	[tilespmem:s15+$0x1BC70] =	vst v2;
	v2 =	vmul.f32 v61, v6;
	_ =	sdelay $0x1  }
0x2aa: {  	v62 =	vpop (erf)  }
0x2ab: {  	v5 =	vmul.f32 v62, v5;
	[tilespmem:s15+$0x1BC50] =	vst v1;
	v1 =	vpop (erf)  }
0x2ac: {  	[tilespmem:s15+$0x1BC00] =	vst v2;
	v1 =	vmul.f32 v1, v8;
	v2 =	vpop (erf)  }
0x2ad: {  	[tilespmem:s15+$0x1BC30] =	vst v5;
	v2 =	vmul.f32 v2, v4;
	v63 =	vpop (erf)  }
0x2ae: {  	v3 =	vmul.f32 v63, v3;
	[tilespmem:s15+$0x1BC40] =	vst v1  }
0x2af: {  	[tilespmem:s15+$0x1BC60] =	vst v2  }
.Ltmp5:
0x2b0: {  	[tilespmem:s15+$0x1BC20] =	vst v3;
	(pc) =	sbr.rel @p0 .LBB2_14-.Ltmp5, $4  }
0x2b1: {  	[spmem:s1] =	stream.indirect.scatter.add.f32 [tilespmem:s25], [sflag:$0x7], $0x80, s17, s8, $0xb8;
	[tilespmem:$0x1E400] =	vst v63  }
0x2b2: {  	_ =	swait.ge [sflag:s4], $0x2800  }
0x2b3: {  	[sflag:s4] =	ssyncset.done $0x0  }
0x2b4: {  	[sflag:s4] =	ssyncadd.s32 $0xFFFFD800  }
0x2b5: {  	_ =	swait.ge [sflag:s12], $0x100  }
0x2b6: {  	s15 =	sadd.s32 $0x5, s20;
	[sflag:s12] =	ssyncset.done $0x0  }
0x2b7: {  	s16 =	smul.u32 $0x50, s15;
	[sflag:s12] =	ssyncadd.s32 $0xFFFFFF00  }
0x2b8: {  	[tilespmem:s13], [sflag:$0x2] =	stream.indirect.gather [hbm4b:s0+s8], $0x80, s6, s8, $0xb8;
	[tilespmem:$0x1E400] =	vst v63  }
0x2b9: {  	s16 =	sadd.s32 s23, s16  }
.Ltmp6:
0x2ba: {  	s15 =	sadd.s32 s24, s15;
	s16 =	sshll.u32 s16, $0x4;
	(pc) =	sbr.rel .LBB2_4-.Ltmp6, $4  }
0x2bb: {  	s15 =	sshll.u32 s15, $0x5;
	s16 =	sadd.s32 s22, s16  }
0x2bc: {  	[tilespmem:s25], [sflag:$0x4] =	stream.linear.gather [hbm4b:s16+s2], $0x2800, $0x38;
	[tilespmem:$0x1E400] =	vst v63  }
0x2bd: {  	s19 =	sadd.s32 $0x1, s19;
	s15 =	sadd.s32 s15, s31  }
0x2be: {  	[tilespmem:s26], [sflag:$0x6] =	stream.linear.gather [hbm4b:s15+s2], $0x100, $0x38;
	[tilespmem:$0x1E400] =	vst v63  }
.LBB2_14:
0x2bf: {  	_ =	swait.ge [sflag:s28], $0x2800  }
0x2c0: {  	[sflag:s28] =	ssyncset.done $0x0  }
0x2c1: {  	[sflag:s28] =	ssyncadd.s32 $0xFFFFD800  }
0x2c2: {  	_ =	swait.ge [sflag:s29], $0x2800  }
0x2c3: {  	[sflag:s29] =	ssyncset.done $0x0  }
0x2c4: {  	s19 =	simm.s32 $0x0;
	[sflag:s29] =	ssyncadd.s32 $0xFFFFD800  }
0x2c5: {  	v1 =	vld [tilespmem:s19+$0x14450]  }
0x2c6: {  	v2 =	vld [tilespmem:s19+$0x14400]  }
0x2c7: {  	v3 =	vld [tilespmem:s19+$0x14470]  }
0x2c8: {  	v4 =	vld [tilespmem:s19+$0x14440]  }
0x2c9: {  	v5 =	vld [tilespmem:s19+$0x14410]  }
0x2ca: {  	v6 =	vld [tilespmem:s19+$0x19410]  }
0x2cb: {  	v7 =	vld [tilespmem:s19+$0x19470]  }
0x2cc: {  	v9 =	vld [tilespmem:s19+$0x14460]  }
0x2cd: {  	v10 =	vld [tilespmem:s19+$0x14430]  }
0x2ce: {  	v11 =	vld [tilespmem:s19+$0x19450]  }
0x2cf: {  	v12 =	vld [tilespmem:s19+$0x19400]  }
0x2d0: {  	v13 =	vld [tilespmem:s19+$0x19430];
	v8 =	vadd.f32 v6, v5  }
0x2d1: {  	v6 =	vadd.f32 v7, v3;
	v3 =	vld [tilespmem:s19+$0x19440]  }
0x2d2: {  	v14 =	vld [tilespmem:s19+$0x19460];
	v5 =	vsub.f32 $0.0e+00, v8  }
0x2d3: {  	v7 =	vadd.f32 v11, v1;
	v15 =	vsub.f32 $0.0e+00, v6  }
0x2d4: {  	v1 =	vmul.f32 $1.442695020e+00, v5;
	v5 =	vadd.f32 v12, v2  }
0x2d5: {  	v59 =	vld [tilespmem:s19+$0x14420];
	v11 =	vmul.f32 $1.442695020e+00, v15;
	v2 =	vadd.f32 v13, v10;
	v10 =	vsub.f32 $0.0e+00, v7  }
0x2d6: {  	v3 =	vadd.f32 v3, v4;
	v4 =	vld [tilespmem:s19+$0x19420];
	(erf) = vpow2.f32 v1;
	v60 =	vsub.f32 $0.0e+00, v5  }
0x2d7: {  	v61 =	vsub.f32 $0.0e+00, v2;
	v10 =	vmul.f32 $1.442695020e+00, v10;
	v1 =	vadd.f32 v14, v9  }
0x2d8: {  	(erf) = vpow2.f32 v11;
	v11 =	vsub.f32 $0.0e+00, v3;
	v9 =	vmul.f32 $1.442695020e+00, v60  }
0x2d9: {  	v62 =	vmul.f32 $1.442695020e+00, v61;
	v14 =	vsub.f32 $0.0e+00, v1;
	(erf) = vpow2.f32 v10  }
0x2da: {  	v10 =	vmul.f32 $1.442695020e+00, v11;
	(erf) = vpow2.f32 v9  }
0x2db: {  	v9 =	vmul.f32 $1.442695020e+00, v14;
	v4 =	vadd.f32 v4, v59;
	(erf) = vpow2.f32 v62  }
0x2dc: {  	(erf) = vpow2.f32 v10  }
0x2dd: {  	(erf) = vpow2.f32 v9;
	v9 =	vsub.f32 $0.0e+00, v4;
	_ =	sdelay $0x1  }
0x2de: {  	v9 =	vmul.f32 $1.442695020e+00, v9  }
0x2df: {  	v10 =	vpop (erf)  }
0x2e0: {  	v10 =	vadd.f32 $1.000000000e+00, v10;
	v11 =	vpop (erf);
	(erf) = vpow2.f32 v9  }
0x2e1: {  	v9 =	vadd.f32 $1.000000000e+00, v11;
	v11 =	vpop (erf)  }
0x2e2: {  	(erf) = vrcp.f32 v10;
	v10 =	vadd.f32 $1.000000000e+00, v11;
	v11 =	vpop (erf)  }
0x2e3: {  	v11 =	vadd.f32 $1.000000000e+00, v11  }
0x2e4: {  	(erf) = vrcp.f32 v9  }
0x2e5: {  	v9 =	vpop (erf)  }
0x2e6: {  	(erf) = vrcp.f32 v10;
	v63 =	vpop (erf)  }
0x2e7: {  	s15 =	simm.s32 $0x200;
	s18 =	simm.s32 $0x400;
	v10 =	vadd.f32 $1.000000000e+00, v9;
	(erf) = vrcp.f32 v11;
	v9 =	vadd.f32 $1.000000000e+00, v63;
	v11 =	vpop (erf)  }
.LBB2_15:
0x2e8: {  	p0 =	sne.s32 s18, $0x9E00  }
0x2e9: {  	s16 =	sshra.s32 s15, $0x2;
	v11 =	vadd.f32 $1.000000000e+00, v11;
	v12 =	vpop (erf);
	(erf) = vrcp.f32 v10;
	s15 =	smov.u32 s18;
	s18 =	sadd.s32 $0x200, s18  }
0x2ea: {  	v10 =	vld [tilespmem:s16+$0x14420];
	v12 =	vadd.f32 $1.000000000e+00, v12;
	(erf) = vrcp.f32 v9  }
0x2eb: {  	v9 =	vld [tilespmem:s16+$0x14450];
	(erf) = vrcp.f32 v11  }
0x2ec: {  	v11 =	vld [tilespmem:s16+$0x14400];
	v13 =	vpop (erf);
	(erf) = vrcp.f32 v12  }
0x2ed: {  	v12 =	vld [tilespmem:s16+$0x14470];
	v8 =	vmul.f32 v13, v8;
	v13 =	vpop (erf)  }
0x2ee: {  	v14 =	vld [tilespmem:s16+$0x14440];
	v15 =	vmul.f32 v13, v6  }
0x2ef: {  	v13 =	vld [tilespmem:s16+$0x14410];
	[tilespmem:s19+$0x19410] =	vst v8  }
0x2f0: {  	v8 =	vld [tilespmem:s16+$0x19410];
	[tilespmem:s19+$0x19470] =	vst v15;
	v6 =	vpop (erf)  }
0x2f1: {  	v15 =	vld [tilespmem:s16+$0x19470];
	v18 =	vmul.f32 v6, v7;
	v7 =	vpop (erf)  }
0x2f2: {  	v16 =	vld [tilespmem:s16+$0x14460];
	v19 =	vmul.f32 v7, v5;
	v7 =	vpop (erf)  }
0x2f3: {  	v17 =	vld [tilespmem:s16+$0x14430];
	v20 =	vmul.f32 v7, v2;
	[tilespmem:s19+$0x19450] =	vst v18;
	v6 =	vpop (erf)  }
0x2f4: {  	v7 =	vld [tilespmem:s16+$0x19450];
	[tilespmem:s19+$0x19400] =	vst v19;
	v3 =	vmul.f32 v6, v3;
	v5 =	vpop (erf)  }
0x2f5: {  	v18 =	vld [tilespmem:s16+$0x19400];
	v8 =	vadd.f32 v8, v13;
	[tilespmem:s19+$0x19430] =	vst v20;
	v1 =	vmul.f32 v5, v1;
	v2 =	vpop (erf)  }
0x2f6: {  	v13 =	vld [tilespmem:s16+$0x19430];
	v6 =	vadd.f32 v15, v12;
	v2 =	vmul.f32 v2, v4;
	[tilespmem:s19+$0x19440] =	vst v3  }
0x2f7: {  	v3 =	vsub.f32 $0.0e+00, v8;
	v4 =	vld [tilespmem:s16+$0x19440];
	[tilespmem:s19+$0x19460] =	vst v1  }
0x2f8: {  	v1 =	vld [tilespmem:s16+$0x19460];
	v12 =	vsub.f32 $0.0e+00, v6;
	[tilespmem:s19+$0x19420] =	vst v2;
	s19 =	smov.u32 s16  }
0x2f9: {  	v3 =	vmul.f32 $1.442695020e+00, v3;
	v15 =	vld [tilespmem:s19+$0x19420];
	v7 =	vadd.f32 v7, v9  }
0x2fa: {  	v5 =	vadd.f32 v18, v11;
	v9 =	vmul.f32 $1.442695020e+00, v12  }
0x2fb: {  	v2 =	vadd.f32 v13, v17;
	v11 =	vsub.f32 $0.0e+00, v7;
	(erf) = vpow2.f32 v3  }
0x2fc: {  	v12 =	vsub.f32 $0.0e+00, v5;
	v3 =	vadd.f32 v4, v14;
	(erf) = vpow2.f32 v9  }
0x2fd: {  	v9 =	vsub.f32 $0.0e+00, v2;
	v11 =	vmul.f32 $1.442695020e+00, v11;
	v1 =	vadd.f32 v1, v16  }
0x2fe: {  	v12 =	vmul.f32 $1.442695020e+00, v12;
	v4 =	vadd.f32 v15, v10;
	v10 =	vsub.f32 $0.0e+00, v3  }
0x2ff: {  	v9 =	vmul.f32 $1.442695020e+00, v9;
	v13 =	vsub.f32 $0.0e+00, v1;
	(erf) = vpow2.f32 v11  }
0x300: {  	v11 =	vsub.f32 $0.0e+00, v4;
	v10 =	vmul.f32 $1.442695020e+00, v10;
	(erf) = vpow2.f32 v12  }
0x301: {  	v12 =	vmul.f32 $1.442695020e+00, v13;
	(erf) = vpow2.f32 v9  }
0x302: {  	v9 =	vmul.f32 $1.442695020e+00, v11;
	(erf) = vpow2.f32 v10  }
0x303: {  	(erf) = vpow2.f32 v12  }
0x304: {  	v10 =	vpop (erf);
	(erf) = vpow2.f32 v9  }
0x305: {  	v11 =	vadd.f32 $1.000000000e+00, v10;
	v10 =	vpop (erf)  }
0x306: {  	v12 =	vadd.f32 $1.000000000e+00, v10  }
0x307: {  	(erf) = vrcp.f32 v11  }
.Ltmp7:
0x308: {  	v9 =	vpop (erf);
	(erf) = vrcp.f32 v12;
	(pc) =	sbr.rel @p0 .LBB2_15-.Ltmp7, $4  }
0x309: {  	v9 =	vadd.f32 $1.000000000e+00, v9;
	v10 =	vpop (erf)  }
0x30a: {  	v13 =	vadd.f32 $1.000000000e+00, v10;
	v10 =	vpop (erf)  }
0x30b: {  	v10 =	vadd.f32 $1.000000000e+00, v10;
	v12 =	vpop (erf);
	(erf) = vrcp.f32 v9  }
0x30c: {  	v9 =	vadd.f32 $1.000000000e+00, v12;
	(erf) = vrcp.f32 v13;
	v11 =	vpop (erf)  }
0x30d: {  	v14 =	vpop (erf);
	(erf) = vrcp.f32 v10;
	_ =	sdelay $0x1  }
0x30e: {  	s15 =	sshra.s32 s15, $0x2;
	(erf) = vrcp.f32 v9  }
0x30f: {  	v28 =	vadd.f32 $1.000000000e+00, v11;
	v12 =	vld [tilespmem:s15+$0x14420]  }
0x310: {  	v13 =	vld [tilespmem:s15+$0x14450]  }
0x311: {  	v15 =	vld [tilespmem:s15+$0x14400];
	v29 =	vadd.f32 $1.000000000e+00, v14;
	(erf) = vrcp.f32 v28;
	v16 =	vpop (erf)  }
0x312: {  	v17 =	vld [tilespmem:s15+$0x14470];
	v8 =	vmul.f32 v16, v8;
	v27 =	vpop (erf)  }
0x313: {  	v26 =	vld [tilespmem:s15+$0x14440];
	(erf) = vrcp.f32 v29;
	v6 =	vmul.f32 v27, v6;
	v30 =	vpop (erf)  }
0x314: {  	v18 =	vld [tilespmem:s15+$0x14410];
	[tilespmem:s19+$0x19410] =	vst v8;
	v33 =	vpop (erf)  }
0x315: {  	v8 =	vld [tilespmem:s15+$0x19410];
	[tilespmem:s19+$0x19470] =	vst v6;
	v35 =	vpop (erf)  }
0x316: {  	v31 =	vld [tilespmem:s15+$0x19470];
	v6 =	vmul.f32 v30, v7;
	v2 =	vmul.f32 v35, v2  }
0x317: {  	v32 =	vld [tilespmem:s15+$0x14460];
	v5 =	vmul.f32 v33, v5;
	v37 =	vpop (erf)  }
0x318: {  	v34 =	vld [tilespmem:s15+$0x14430];
	[tilespmem:s19+$0x19450] =	vst v6;
	v3 =	vmul.f32 v37, v3  }
0x319: {  	v36 =	vld [tilespmem:s15+$0x19450];
	[tilespmem:s19+$0x19400] =	vst v5  }
0x31a: {  	v38 =	vld [tilespmem:s15+$0x19400];
	[tilespmem:s19+$0x19430] =	vst v2;
	v2 =	vpop (erf)  }
0x31b: {  	v1 =	vmul.f32 v2, v1;
	v2 =	vadd.f32 v8, v18  }
0x31c: {  	v39 =	vld [tilespmem:s15+$0x19430];
	[tilespmem:s19+$0x19440] =	vst v3;
	v3 =	vpop (erf)  }
0x31d: {  	v9 =	vadd.f32 v31, v17;
	v40 =	vld [tilespmem:s15+$0x19440];
	v3 =	vmul.f32 v3, v4;
	[tilespmem:s19+$0x19460] =	vst v1;
	v1 =	vsub.f32 $0.0e+00, v2  }
0x31e: {  	v11 =	vadd.f32 v36, v13;
	v41 =	vld [tilespmem:s15+$0x19460]  }
0x31f: {  	v42 =	vsub.f32 $0.0e+00, v9;
	v6 =	vadd.f32 v38, v15;
	[tilespmem:s19+$0x19420] =	vst v3;
	v1 =	vmul.f32 $1.442695020e+00, v1  }
0x320: {  	v44 =	vsub.f32 $0.0e+00, v11;
	v3 =	vld [tilespmem:s15+$0x19420]  }
0x321: {  	v43 =	vmul.f32 $1.442695020e+00, v42;
	(erf) = vpow2.f32 v1;
	v1 =	vsub.f32 $0.0e+00, v6  }
0x322: {  	v5 =	vadd.f32 v39, v34;
	v8 =	vadd.f32 v40, v26;
	v46 =	vmul.f32 $1.442695020e+00, v44  }
0x323: {  	(erf) = vpow2.f32 v43;
	v4 =	vadd.f32 v41, v32;
	v1 =	vmul.f32 $1.442695020e+00, v1  }
0x324: {  	v45 =	vsub.f32 $0.0e+00, v5;
	v47 =	vsub.f32 $0.0e+00, v8;
	(erf) = vpow2.f32 v46  }
0x325: {  	v3 =	vadd.f32 v3, v12;
	v48 =	vsub.f32 $0.0e+00, v4;
	(erf) = vpow2.f32 v1  }
0x326: {  	v10 =	vmul.f32 $1.442695020e+00, v45  }
0x327: {  	v7 =	vmul.f32 $1.442695020e+00, v47;
	v49 =	vsub.f32 $0.0e+00, v3;
	v1 =	vmul.f32 $1.442695020e+00, v48  }
0x328: {  	(erf) = vpow2.f32 v10  }
0x329: {  	(erf) = vpow2.f32 v7;
	v50 =	vmul.f32 $1.442695020e+00, v49  }
0x32a: {  	(erf) = vpow2.f32 v1  }
0x32b: {  	(erf) = vpow2.f32 v50;
	v1 =	vpop (erf)  }
0x32c: {  	v1 =	vadd.f32 $1.000000000e+00, v1;
	v51 =	vpop (erf)  }
0x32d: {  	v7 =	vadd.f32 $1.000000000e+00, v51;
	v52 =	vpop (erf)  }
0x32e: {  	(erf) = vrcp.f32 v1;
	v1 =	vadd.f32 $1.000000000e+00, v52;
	v53 =	vpop (erf)  }
0x32f: {  	(erf) = vrcp.f32 v7;
	v54 =	vadd.f32 $1.000000000e+00, v53  }
0x330: {  	(erf) = vrcp.f32 v1  }
0x331: {  	v55 =	vpop (erf);
	(erf) = vrcp.f32 v54  }
0x332: {  	v10 =	vadd.f32 $1.000000000e+00, v55;
	v56 =	vpop (erf)  }
0x333: {  	v1 =	vadd.f32 $1.000000000e+00, v56;
	v57 =	vpop (erf)  }
0x334: {  	(erf) = vrcp.f32 v10;
	v7 =	vadd.f32 $1.000000000e+00, v57;
	v58 =	vpop (erf)  }
0x335: {  	(erf) = vrcp.f32 v1;
	v59 =	vadd.f32 $1.000000000e+00, v58  }
0x336: {  	(erf) = vrcp.f32 v7  }
0x337: {  	(erf) = vrcp.f32 v59;
	v1 =	vpop (erf)  }
0x338: {  	v1 =	vmul.f32 v1, v2;
	v2 =	vpop (erf)  }
0x339: {  	v2 =	vmul.f32 v2, v9;
	v60 =	vpop (erf)  }
0x33a: {  	[tilespmem:s15+$0x19410] =	vst v1;
	v1 =	vmul.f32 v60, v11;
	v61 =	vpop (erf)  }
0x33b: {  	[tilespmem:s15+$0x19470] =	vst v2;
	v2 =	vmul.f32 v61, v6;
	_ =	sdelay $0x1  }
0x33c: {  	v62 =	vpop (erf)  }
0x33d: {  	v5 =	vmul.f32 v62, v5;
	[tilespmem:s15+$0x19450] =	vst v1;
	v1 =	vpop (erf)  }
0x33e: {  	[tilespmem:s15+$0x19400] =	vst v2;
	v1 =	vmul.f32 v1, v8;
	v2 =	vpop (erf)  }
0x33f: {  	[tilespmem:s15+$0x19430] =	vst v5;
	v2 =	vmul.f32 v2, v4;
	v63 =	vpop (erf)  }
0x340: {  	v3 =	vmul.f32 v63, v3;
	[tilespmem:s15+$0x19440] =	vst v1  }
0x341: {  	[tilespmem:s15+$0x19460] =	vst v2  }
0x342: {  	[tilespmem:s15+$0x19420] =	vst v3  }
0x343: {  	[spmem:s1] =	stream.indirect.scatter.add.f32 [tilespmem:s9], [sflag:$0x7], $0x80, s30, s8, $0xb8;
	[tilespmem:$0x1E400] =	vst v63  }
0x344: {  	_ =	swait.ge [sflag:s4], $0x2800  }
0x345: {  	[sflag:s4] =	ssyncset.done $0x0  }
0x346: {  	[sflag:s4] =	ssyncadd.s32 $0xFFFFD800  }
0x347: {  	s16 =	stileid.u32;
	[bflag:$0x0] =	sbarrier.arrive $0xFFFF  }
0x348: {  	s15 =	sshll.u32 s16, $0x6;
	s20 =	rddreg [dreg:$0xd]  }
0x349: {  	s15 =	sor.u32 $0x1C07, s15;
	s18 =	rddreg [dreg:$0x5];
	s16 =	sshrl.u32 s20, $0x3  }
0x34a: {  	[hbm:s18], [sflag:s15] =	dma.local [spmem:s16], $0x500  }
0x34b: {  	_ =	swait.ge [sflag:s4], $0x500  }
0x34c: {  	[sflag:s4] =	ssyncset.done $0x0;
	s21 =	rddreg [dreg:$0xe]  }
0x34d: {  	s19 =	rddreg [dreg:$0x6];
	[sflag:s4] =	ssyncadd.s32 $0xFFFFFB00;
	s18 =	sshrl.u32 s21, $0x3  }
0x34e: {  	[hbm:s19], [sflag:s15] =	dma.local [spmem:s18], $0x500  }
0x34f: {  	_ =	swait.ge [sflag:s4], $0x500  }
0x350: {  	[sflag:s4] =	ssyncset.done $0x0;
	s18 =	rddreg [dreg:$0xf]  }
0x351: {  	s19 =	rddreg [dreg:$0x7];
	[sflag:s4] =	ssyncadd.s32 $0xFFFFFB00;
	s16 =	sshrl.u32 s18, $0x3  }
0x352: {  	[hbm:s19], [sflag:s15] =	dma.local [spmem:s16], $0x500  }
0x353: {  	_ =	swait.ge [sflag:s4], $0x500  }
0x354: {  	[sflag:s4] =	ssyncset.done $0x0;
	s18 =	rddreg [dreg:$0x10]  }
0x355: {  	s19 =	rddreg [dreg:$0x8];
	[sflag:s4] =	ssyncadd.s32 $0xFFFFFB00;
	s16 =	sshrl.u32 s18, $0x3  }
0x356: {  	[hbm:s19], [sflag:s15] =	dma.local [spmem:s16], $0x500  }
0x357: {  	_ =	swait.ge [sflag:s4], $0x500  }
0x358: {  	[sflag:s4] =	ssyncset.done $0x0;
	s18 =	rddreg [dreg:$0x11]  }
0x359: {  	s19 =	rddreg [dreg:$0x9];
	[sflag:s4] =	ssyncadd.s32 $0xFFFFFB00;
	s16 =	sshrl.u32 s18, $0x3  }
0x35a: {  	[hbm:s19], [sflag:s15] =	dma.local [spmem:s16], $0x500  }
0x35b: {  	_ =	swait.ge [sflag:s4], $0x500  }
0x35c: {  	[sflag:s4] =	ssyncset.done $0x0;
	s18 =	rddreg [dreg:$0x12]  }
0x35d: {  	s19 =	rddreg [dreg:$0xa];
	[sflag:s4] =	ssyncadd.s32 $0xFFFFFB00;
	s16 =	sshrl.u32 s18, $0x3  }
0x35e: {  	[hbm:s19], [sflag:s15] =	dma.local [spmem:s16], $0x500  }
0x35f: {  	_ =	swait.ge [sflag:s4], $0x500  }
0x360: {  	[sflag:s4] =	ssyncset.done $0x0;
	s18 =	rddreg [dreg:$0x13]  }
0x361: {  	s19 =	rddreg [dreg:$0xb];
	[sflag:s4] =	ssyncadd.s32 $0xFFFFFB00;
	s16 =	sshrl.u32 s18, $0x3  }
0x362: {  	[hbm:s19], [sflag:s15] =	dma.local [spmem:s16], $0x500  }
0x363: {  	_ =	swait.ge [sflag:s4], $0x500  }
0x364: {  	[sflag:s4] =	ssyncset.done $0x0;
	s19 =	rddreg [dreg:$0x14]  }
0x365: {  	s18 =	rddreg [dreg:$0xc];
	[sflag:s4] =	ssyncadd.s32 $0xFFFFFB00;
	s16 =	sshrl.u32 s19, $0x3  }
0x366: {  	[hbm:s18], [sflag:s15] =	dma.local [spmem:s16], $0x500  }
0x367: {  	_ =	swait.ge [sflag:s4], $0x500  }
0x368: {  	s15 =	rddreg [dreg:$0x1b]  }
0x369: {  	s18 =	rddreg [dreg:$0x1a];
	s16 =	sadd.s32 $0x1, s15  }
0x36a: {  	p0 =	sne.s32 s16, s18  }
.Ltmp8:
0x36b: {  	_ = 	snop;
	(pc) =	sbr.rel @p0 .LBB2_1-.Ltmp8, $3  }
0x36c: {  	_ =	sdelay $0x1  }
0x36d: {  	[sflag:s4] =	ssyncset.done $0x0  }
0x36e: {  	[sflag:s4] =	ssyncadd.s32 $0xFFFFFB00  }
0x36f: {  	_ =	sfence.sel $0x180000  }
0x370: {  	[bflag:$0x0] =	sbarrier.arrive $0xFFFF  }
0x371: {  	_ =	strace $0x90000047  }
0x372: {  	s0 =	stileid.u32;
	[bflag:$0x2] =	sbarrier.arrive $0xFFFF  }
0x373: {  	p0 =	sne.s32 s0, $0x0;
	s0 =	rddreg [dreg:$0x3]  }
0x374: {  	s0 =	sadd.s32 @!p0 $0x100000, s0  }
0x375: {  	[sflag:s0] =	ssyncadd.tile.s32 @!p0 $0x1;
	_ =	shalt  }
.Lfunc_end2:
_tile_overlayer_lowered:
.L_overlay_start_2:
0x376: {  	(tag) =	ssettag $0x2  }
0x377: {  	s0 =	rddreg [dreg:$0x0];
	s2 =	stileid.u32  }
0x378: {  	s1 =	rddreg [dreg:$0x1];
	p0 =	sne.s32 s2, $0x0  }
0x379: {  	s3 =	rddreg [dreg:$0x2];
	[bflag:$0x3] =	sbarrier.arrive $0xFFFF;
	s2 =	simm.s32 @!p0 $0x1C07  }
0x37a: {  	[timem:s3], [sflag:s2] =	dma.local @!p0 [hbm:s0], s1  }
0x37b: {  	s0 =	simm.s32 @!p0 $0x7  }
0x37c: {  	_ =	swait.ge @!p0 [sflag:s0], s1  }
0x37d: {  	s1 =	ssub.s32 @!p0 $0x0, s1;
	[sflag:s0] =	ssyncset.done @!p0 $0x0  }
0x37e: {  	[sflag:s0] =	ssyncadd.s32 @!p0 s1  }
0x37f: {  	[bflag:$0x3] =	sbarrier.arrive $0xFFFF  }
0x380: {  	_ =	shalt  }

</sc_bundles>
